<compile_context>
chip_gen: v7x
topology: tpu7x:2x2x1
jax: 0.10.2.dev20260603
libtpu: 0.0.44.dev20260713+nightly
codegen_flags: <defaults>
</compile_context>

<pallas_src>
import functools

import jax
import jax.numpy as jnp
from jax import lax
from jax.experimental import pallas as pl
from jax.experimental.pallas import tpu as pltpu
from jax.experimental.pallas import tpu_sc as plsc

_N = 10000
_E = 320000
_D = 128
_DE = 16
_G = 64

_NC = 2
_NS = 16
_NW = _NC * _NS
_EPW = _E // _NW
_CHUNK = 80
_NCHUNK = _EPW // _CHUNK
_NP = 10112
_RPT = _NP // _NS


def _sc_edge_pass(with_ea):
    out_type = [jax.ShapeDtypeStruct((_NC, _NP, _D), jnp.float32)]
    scratch = [
        [pltpu.VMEM((_CHUNK,), jnp.int32) for _ in range(4)],
        [pltpu.VMEM((_CHUNK,), jnp.int32) for _ in range(4)],
        [pltpu.VMEM((_CHUNK, _D), jnp.float32) for _ in range(2)],
        pltpu.VMEM_SHARED((_NP, _D), jnp.float32),
        [pltpu.SemaphoreType.DMA for _ in range(4)],
        [pltpu.SemaphoreType.DMA for _ in range(2)],
        [pltpu.SemaphoreType.DMA for _ in range(2)],
    ]
    if with_ea:
        out_type.append(jax.ShapeDtypeStruct((_NC, _NP, _DE), jnp.float32))
        scratch += [
            [pltpu.VMEM((_DE, _CHUNK), jnp.float32) for _ in range(2)],
            [pltpu.VMEM((_CHUNK, _DE), jnp.float32) for _ in range(2)],
            pltpu.VMEM_SHARED((_NP, _DE), jnp.float32),
            [pltpu.SemaphoreType.DMA for _ in range(2)],
        ]

    mesh = plsc.VectorSubcoreMesh(core_axis_name="c", subcore_axis_name="s")

    def body(*refs):
        if with_ea:
            (x_hbm, ei_hbm, eat_hbm, zx_hbm, zea_hbm,
             acc_out, ea_out,
             sidx, didx, rows_v, acc_sp, isem, gsem, ssem,
             eas_v, ea_v, ea_sp, esem) = refs
        else:
            (x_hbm, ei_hbm, zx_hbm,
             acc_out,
             sidx, didx, rows_v, acc_sp, isem, gsem, ssem) = refs

        cid = lax.axis_index("c")
        sid = lax.axis_index("s")
        wid = sid * _NC + cid
        base = wid * _EPW

        pltpu.sync_copy(zx_hbm, acc_sp.at[pl.ds(sid * _RPT, _RPT)])
        if with_ea:
            pltpu.sync_copy(zea_hbm, ea_sp.at[pl.ds(sid * _RPT, _RPT)])
        plsc.subcore_barrier()

        def idx_cp(j, s):
            off = pl.multiple_of(base + j * _CHUNK, 8)
            return (pltpu.make_async_copy(
                        ei_hbm.at[0, pl.ds(off, _CHUNK)], sidx[s], isem[s]),
                    pltpu.make_async_copy(
                        ei_hbm.at[1, pl.ds(off, _CHUNK)], didx[s], isem[s]))

        def stage_idx(j, s):
            for c in idx_cp(j, s):
                c.start()

        def wait_idx(j, s):
            for c in idx_cp(j, s):
                c.wait()

        def ea_cp(j, s):
            off = pl.multiple_of(base + j * _CHUNK, 8)
            return pltpu.make_async_copy(
                eat_hbm.at[:, pl.ds(off, _CHUNK)], eas_v[s], esem[s])

        def issue_gather(j, s, b):
            pltpu.async_copy(x_hbm.at[sidx[s]], rows_v[b], gsem[b])

        iota16 = lax.iota(jnp.int32, 16)

        def transpose_ea(s, b):
            def tbody(r, carry):
                v = plsc.load_gather(eas_v[s],
                                     [iota16, jnp.full((16,), r, jnp.int32)])
                ea_v[b][r, :] = v
                return carry
            lax.fori_loop(0, _CHUNK, tbody, 0)

        stage_idx(0, 0)
        stage_idx(1, 1)
        if with_ea:
            ea_cp(0, 0).start()
            ea_cp(1, 1).start()
        wait_idx(0, 0)
        wait_idx(1, 1)
        issue_gather(0, 0, 0)
        issue_gather(1, 1, 1)
        stage_idx(2, 2)
        stage_idx(3, 3)

        def step(j, k, b):
            pltpu.make_async_copy(x_hbm.at[sidx[k]], rows_v[b],
                                  gsem[b]).wait()
            pltpu.async_copy(rows_v[b], acc_sp.at[didx[k]], ssem[b],
                             add=True)
            if with_ea:
                ea_cp(j, b).wait()
                transpose_ea(b, b)
                pltpu.sync_copy(ea_v[b], ea_sp.at[didx[k]], add=True)

                @pl.when(j + 2 < _NCHUNK)
                def _():
                    ea_cp(j + 2, b).start()
            pltpu.make_async_copy(rows_v[b], acc_sp.at[didx[k]],
                                  ssem[b]).wait()

            @pl.when(j + 2 < _NCHUNK)
            def _():
                wait_idx(j + 2, (k + 2) % 4)
                issue_gather(j + 2, (k + 2) % 4, b)

            @pl.when(j + 4 < _NCHUNK)
            def _():
                stage_idx(j + 4, k)

        def outer(jj, carry):
            for k in range(4):
                step(jj * 4 + k, k, k % 2)
            return carry

        lax.fori_loop(0, _NCHUNK // 4, outer, 0)
        step(_NCHUNK - 1, (_NCHUNK - 1) % 4, (_NCHUNK - 1) % 2)
        plsc.subcore_barrier()

        pltpu.sync_copy(acc_sp.at[pl.ds(sid * _RPT, _RPT)],
                        acc_out.at[cid, pl.ds(sid * _RPT, _RPT)])
        if with_ea:
            pltpu.sync_copy(ea_sp.at[pl.ds(sid * _RPT, _RPT)],
                            ea_out.at[cid, pl.ds(sid * _RPT, _RPT)])

    return pl.kernel(
        body, mesh=mesh, out_type=out_type, scratch_types=scratch,
        compiler_params=pltpu.CompilerParams(use_tc_tiling_on_sc=False,
                                             needs_layout_passes=False))


@functools.cache
def _sc_pass(with_ea):
    return _sc_edge_pass(with_ea)


def _onehot_and_invcnt(batch2d):
    gids = lax.broadcasted_iota(jnp.int32, (1, _G), 1)
    onehot = (batch2d == gids).astype(jnp.float32)
    ones = jnp.ones((_N, 1), jnp.float32)
    cnt = lax.dot_general(onehot, ones, (((0,), (0,)), ((), ())))
    return onehot, 1.0 / jnp.maximum(cnt, 1.0)


def _tc_conv1_body(x_ref, s1_ref, batch_ref, w1_ref, be_ref,
                   out_ref, outb_ref):
    x = x_ref[...]
    out = x + s1_ref[0, :_N] + s1_ref[1, :_N]
    onehot, invcnt = _onehot_and_invcnt(batch_ref[...])
    pooled = lax.dot_general(onehot, out, (((0,), (0,)), ((), ())))
    vmsg = pooled * invcnt
    out = out + lax.dot_general(onehot, vmsg, (((1,), (0,)), ((), ())))
    out = jnp.maximum(lax.dot_general(out, w1_ref[...],
                                      (((1,), (0,)), ((), ()))), 0.0)
    x1 = out + x
    out_ref[...] = x1
    outb_ref[...] = x1 + be_ref[...]


_tc_conv1 = pl.pallas_call(
    _tc_conv1_body,
    out_shape=[jax.ShapeDtypeStruct((_N, _D), jnp.float32),
               jax.ShapeDtypeStruct((_N, _D), jnp.float32)],
)


def _tc_conv2_body(x1_ref, s2_ref, ea_ref, batch_ref, we_ref,
                   wn1_ref, bn1_ref, wn2_ref, bn2_ref, wfc_ref, bfc_ref,
                   out_ref):
    x1 = x1_ref[...]
    ea = ea_ref[0, :_N] + ea_ref[1, :_N]
    agg = s2_ref[0, :_N] + s2_ref[1, :_N] + lax.dot_general(
        ea, we_ref[...], (((1,), (0,)), ((), ())))
    h = jnp.maximum(lax.dot_general(agg, wn1_ref[...],
                                    (((1,), (0,)), ((), ()))) + bn1_ref[...],
                    0.0)
    out2 = lax.dot_general(h, wn2_ref[...],
                           (((1,), (0,)), ((), ()))) + bn2_ref[...]
    x2 = out2 + x1
    onehot, invcnt = _onehot_and_invcnt(batch_ref[...])
    pooled = lax.dot_general(onehot, x2, (((0,), (0,)), ((), ()))) * invcnt
    out_ref[...] = lax.dot_general(pooled, wfc_ref[...],
                                   (((1,), (0,)), ((), ()))) + bfc_ref[...]


_tc_conv2 = pl.pallas_call(
    _tc_conv2_body,
    out_shape=jax.ShapeDtypeStruct((_G, _D), jnp.float32),
)


def kernel(x, edge_index, edge_attr, batch, W1, We, be, Wn1, bn1, Wn2, bn2,
           Wfc, bfc):
    eat = edge_attr.T
    zx = jnp.zeros((_RPT, _D), jnp.float32)
    zea = jnp.zeros((_RPT, _DE), jnp.float32)
    batch2d = batch[:, None]

    s1p, eap = _sc_pass(True)(x, edge_index, eat, zx, zea)
    x1, x1b = _tc_conv1(x, s1p, batch2d, W1, be[None, :])
    s2p = _sc_pass(False)(x1b, edge_index, zx)
    if isinstance(s2p, (list, tuple)):
        (s2p,) = s2p
    return _tc_conv2(x1, s2p, eap, batch2d, We,
                     Wn1, bn1[None, :], Wn2, bn2[None, :], Wfc, bfc[None, :])

# --- scband reference (transcript-rebuilt; emitter-appended) ---
"""Pipeline reference for scband-gnnwith-virtual-node-and-gine-30116310679889 (READ-ONLY COPY).

The authoritative reference and input builder live on the scoring server;
editing this copy changes nothing except your own understanding.
"""

import jax, jax.numpy as jnp
import numpy as np

N = 10000
E = 320000
D = 128
DE = 16
G = 64


def _linear_init(key, fan_in, fan_out):
    kw, kb = jax.random.split(key)
    bound = 1.0 / np.sqrt(fan_in)
    W = jax.random.uniform(kw, (fan_in, fan_out), minval=-bound, maxval=bound, dtype=jnp.float32)
    b = jax.random.uniform(kb, (fan_out,), minval=-bound, maxval=bound, dtype=jnp.float32)
    return W, b


def setup_inputs(seed: int = 0) -> dict:
    key = jax.random.key(seed)
    ks = jax.random.split(key, 10)
    x = jax.random.normal(ks[0], (N, D), dtype=jnp.float32)
    edge_index = jax.random.randint(ks[1], (2, E), 0, N, dtype=jnp.int32)
    edge_attr = jax.random.normal(ks[2], (E, DE), dtype=jnp.float32)
    batch = jnp.sort(jax.random.randint(ks[3], (N,), 0, G, dtype=jnp.int32))
    # conv1.W : kaiming normal, fan_in = D
    W1 = jax.random.normal(ks[4], (D, D), dtype=jnp.float32) * np.sqrt(2.0 / D)
    # conv2.edge_mlp : Linear(DE, D)
    We, be = _linear_init(ks[5], DE, D)
    # conv2.node_mlp : Linear(D, D) -> ReLU -> Linear(D, D)
    Wn1, bn1 = _linear_init(ks[6], D, D)
    Wn2, bn2 = _linear_init(ks[7], D, D)
    # fc : Linear(D, D)
    Wfc, bfc = _linear_init(ks[8], D, D)
    return {"x": x, "edge_index": edge_index, "edge_attr": edge_attr, "batch": batch,
            "W1": W1, "We": We, "be": be, "Wn1": Wn1, "bn1": bn1,
            "Wn2": Wn2, "bn2": bn2, "Wfc": Wfc, "bfc": bfc}


def reference(x, edge_index, edge_attr, batch, W1, We, be, Wn1, bn1, Wn2, bn2, Wfc, bfc):
    src = edge_index[0]
    dst = edge_index[1]
    counts = jax.ops.segment_sum(jnp.ones((N, 1), x.dtype), batch, num_segments=G)
    counts = jnp.maximum(counts, 1.0)
    # --- conv1: GCNLayerWithVirtualNode ---
    residual = x
    out = x + jax.ops.segment_sum(x[src], dst, num_segments=N)
    vmsg = jax.ops.segment_sum(out, batch, num_segments=G) / counts
    out = out + vmsg[batch]
    out = jax.nn.relu(out @ W1)
    # residual add (in_features == hidden_features so no proj1)
    x1 = out + residual
    # --- conv2: GINELayer ---
    em = edge_attr @ We + be
    msgs = x1[src] + em
    agg = jax.ops.segment_sum(msgs, dst, num_segments=N)
    out2 = jax.nn.relu(agg @ Wn1 + bn1) @ Wn2 + bn2
    x2 = out2 + x1
    # --- graph pooling (scatter_mean over batch) + fc ---
    pooled = jax.ops.segment_sum(x2, batch, num_segments=G) / counts
    return pooled @ Wfc + bfc

if __name__ == "__main__":
    import jax
    _d = setup_inputs()
    print(jax.jit(kernel)(*tuple(_d.values())))

</pallas_src>

<mosaic_0001>
#map = affine_map<(d0, d1) -> (0, 0)>
#map1 = affine_map<(d0, d1) -> (0, 0, 0)>
module attributes {stable_mosaic.version = 14 : i64} {
  func.func @body(%arg0: i32, %arg1: i32, %arg2: memref<10000x128xf32, #tpu.memory_space<hbm>>, %arg3: memref<2x320000xi32, #tpu.memory_space<hbm>>, %arg4: memref<16x320000xf32, #tpu.memory_space<hbm>>, %arg5: memref<632x128xf32, #tpu.memory_space<hbm>>, %arg6: memref<632x16xf32, #tpu.memory_space<hbm>>, %arg7: memref<2x10112x128xf32, #tpu.memory_space<hbm>>, %arg8: memref<2x10112x16xf32, #tpu.memory_space<hbm>>, %arg9: memref<80xi32, #tpu.memory_space<vmem>>, %arg10: memref<80xi32, #tpu.memory_space<vmem>>, %arg11: memref<80xi32, #tpu.memory_space<vmem>>, %arg12: memref<80xi32, #tpu.memory_space<vmem>>, %arg13: memref<80xi32, #tpu.memory_space<vmem>>, %arg14: memref<80xi32, #tpu.memory_space<vmem>>, %arg15: memref<80xi32, #tpu.memory_space<vmem>>, %arg16: memref<80xi32, #tpu.memory_space<vmem>>, %arg17: memref<80x128xf32, #tpu.memory_space<vmem>>, %arg18: memref<80x128xf32, #tpu.memory_space<vmem>>, %arg19: memref<10112x128xf32, #tpu.memory_space<vmem_shared>>, %arg20: memref<!tpu.dma_semaphore, #tpu.memory_space<semaphore_mem>>, %arg21: memref<!tpu.dma_semaphore, #tpu.memory_space<semaphore_mem>>, %arg22: memref<!tpu.dma_semaphore, #tpu.memory_space<semaphore_mem>>, %arg23: memref<!tpu.dma_semaphore, #tpu.memory_space<semaphore_mem>>, %arg24: memref<!tpu.dma_semaphore, #tpu.memory_space<semaphore_mem>>, %arg25: memref<!tpu.dma_semaphore, #tpu.memory_space<semaphore_mem>>, %arg26: memref<!tpu.dma_semaphore, #tpu.memory_space<semaphore_mem>>, %arg27: memref<!tpu.dma_semaphore, #tpu.memory_space<semaphore_mem>>, %arg28: memref<16x80xf32, #tpu.memory_space<vmem>>, %arg29: memref<16x80xf32, #tpu.memory_space<vmem>>, %arg30: memref<80x16xf32, #tpu.memory_space<vmem>>, %arg31: memref<80x16xf32, #tpu.memory_space<vmem>>, %arg32: memref<10112x16xf32, #tpu.memory_space<vmem_shared>>, %arg33: memref<!tpu.dma_semaphore, #tpu.memory_space<semaphore_mem>>, %arg34: memref<!tpu.dma_semaphore, #tpu.memory_space<semaphore_mem>>) attributes {dimension_semantics = [#tpu.dimension_semantics<core_parallel>, #tpu.dimension_semantics<subcore_parallel>], iteration_bounds = array<i64: 2, 16>, scalar_prefetch = 0 : i64, scratch_operands = 26 : i64, tpu.core_type = #tpu.core_type<sc_vector_subcore>, window_params = [{transform_indices = #map}, {transform_indices = #map}, {transform_indices = #map}, {transform_indices = #map}, {transform_indices = #map}, {transform_indices = #map1}, {transform_indices = #map1}]} {
    %mul3A = arith.constant 2 : i32
    %mul3A_0 = arith.muli %arg1, %mul3A : i32
    %add3A = arith.addi %mul3A_0, %arg0 : i32
    %mul3A_1 = arith.constant 10000 : i32
    %mul3A_2 = arith.muli %add3A, %mul3A_1 : i32
    %mul3A_3 = arith.constant 632 : i32
    %mul3A_4 = arith.muli %arg1, %mul3A_3 : i32
    "tpu.region"() ({
      %run_scoped3A = tpu.sem_alloc : memref<!tpu.dma_semaphore, #tpu.memory_space<semaphore_mem>>
      %dma_start3A_138 = arith.constant 0 : i32
      %dma_start3A_139 = tpu.memref_slice %arg19[%mul3A_4, %dma_start3A_138] : memref<10112x128xf32, #tpu.memory_space<vmem_shared>> -> memref<632x128xf32, #tpu.memory_space<vmem_shared>>
      tpu.enqueue_dma source(%arg5 : memref<632x128xf32, #tpu.memory_space<hbm>>) target(%dma_start3A_139 : memref<632x128xf32, #tpu.memory_space<vmem_shared>>) target_semaphore(%run_scoped3A : memref<!tpu.dma_semaphore, #tpu.memory_space<semaphore_mem>>)
      %dma_wait3A_140 = arith.constant 0 : i32
      %dma_wait3A_141 = tpu.memref_slice %arg19[%mul3A_4, %dma_wait3A_140] : memref<10112x128xf32, #tpu.memory_space<vmem_shared>> -> memref<632x128xf32, #tpu.memory_space<vmem_shared>>
      tpu.wait_dma2 semaphore(%run_scoped3A : memref<!tpu.dma_semaphore, #tpu.memory_space<semaphore_mem>>) src(%arg5 : memref<632x128xf32, #tpu.memory_space<hbm>>) dst(%dma_wait3A_141 : memref<632x128xf32, #tpu.memory_space<vmem_shared>>)
      tpu.yield
    }) : () -> ()
    %mul3A_5 = arith.constant 632 : i32
    %mul3A_6 = arith.muli %arg1, %mul3A_5 : i32
    "tpu.region"() ({
      %run_scoped3A = tpu.sem_alloc : memref<!tpu.dma_semaphore, #tpu.memory_space<semaphore_mem>>
      %dma_start3A_138 = arith.constant 0 : i32
      %dma_start3A_139 = tpu.memref_slice %arg32[%mul3A_6, %dma_start3A_138] : memref<10112x16xf32, #tpu.memory_space<vmem_shared>> -> memref<632x16xf32, #tpu.memory_space<vmem_shared>>
      tpu.enqueue_dma source(%arg6 : memref<632x16xf32, #tpu.memory_space<hbm>>) target(%dma_start3A_139 : memref<632x16xf32, #tpu.memory_space<vmem_shared>>) target_semaphore(%run_scoped3A : memref<!tpu.dma_semaphore, #tpu.memory_space<semaphore_mem>>)
      %dma_wait3A_140 = arith.constant 0 : i32
      %dma_wait3A_141 = tpu.memref_slice %arg32[%mul3A_6, %dma_wait3A_140] : memref<10112x16xf32, #tpu.memory_space<vmem_shared>> -> memref<632x16xf32, #tpu.memory_space<vmem_shared>>
      tpu.wait_dma2 semaphore(%run_scoped3A : memref<!tpu.dma_semaphore, #tpu.memory_space<semaphore_mem>>) src(%arg6 : memref<632x16xf32, #tpu.memory_space<hbm>>) dst(%dma_wait3A_141 : memref<632x16xf32, #tpu.memory_space<vmem_shared>>)
      tpu.yield
    }) : () -> ()
    %barrier3A = arith.constant 0 : index
    tpu.barrier barrier_id(%barrier3A)
    %iota3A = tpu.iota {dimensions = array<i32: 0>} : vector<16xi32>
    %add3A_7 = arith.constant 0 : i32
    %add3A_8 = arith.addi %mul3A_2, %add3A_7 : i32
    %multiple_of3A = tpu.assume_multiple %add3A_8, 8 : i32
    %dma_start3A = arith.constant 0 : i32
    %dma_start3A_9 = tpu.memref_slice %arg3[%dma_start3A, %multiple_of3A] : memref<2x320000xi32, #tpu.memory_space<hbm>> -> memref<1x80xi32, #tpu.memory_space<hbm>>
    %dma_start3A_10 = tpu.memref_squeeze %dma_start3A_9 : memref<1x80xi32, #tpu.memory_space<hbm>> -> memref<80xi32, #tpu.memory_space<hbm>>
    %dma_start3A_11 = tpu.memref_slice %arg3[%dma_start3A, %multiple_of3A] : memref<2x320000xi32, #tpu.memory_space<hbm>> -> memref<1x80xi32, #tpu.memory_space<hbm>>
    %dma_start3A_12 = tpu.memref_squeeze %dma_start3A_11 : memref<1x80xi32, #tpu.memory_space<hbm>> -> memref<80xi32, #tpu.memory_space<hbm>>
    tpu.enqueue_dma source(%dma_start3A_12 : memref<80xi32, #tpu.memory_space<hbm>>) target(%arg9 : memref<80xi32, #tpu.memory_space<vmem>>) target_semaphore(%arg20 : memref<!tpu.dma_semaphore, #tpu.memory_space<semaphore_mem>>)
    %dma_start3A_13 = arith.constant 1 : i32
    %dma_start3A_14 = tpu.memref_slice %arg3[%dma_start3A_13, %multiple_of3A] : memref<2x320000xi32, #tpu.memory_space<hbm>> -> memref<1x80xi32, #tpu.memory_space<hbm>>
    %dma_start3A_15 = tpu.memref_squeeze %dma_start3A_14 : memref<1x80xi32, #tpu.memory_space<hbm>> -> memref<80xi32, #tpu.memory_space<hbm>>
    %dma_start3A_16 = tpu.memref_slice %arg3[%dma_start3A_13, %multiple_of3A] : memref<2x320000xi32, #tpu.memory_space<hbm>> -> memref<1x80xi32, #tpu.memory_space<hbm>>
    %dma_start3A_17 = tpu.memref_squeeze %dma_start3A_16 : memref<1x80xi32, #tpu.memory_space<hbm>> -> memref<80xi32, #tpu.memory_space<hbm>>
    tpu.enqueue_dma source(%dma_start3A_17 : memref<80xi32, #tpu.memory_space<hbm>>) target(%arg13 : memref<80xi32, #tpu.memory_space<vmem>>) target_semaphore(%arg20 : memref<!tpu.dma_semaphore, #tpu.memory_space<semaphore_mem>>)
    %add3A_18 = arith.constant 80 : i32
    %add3A_19 = arith.addi %mul3A_2, %add3A_18 : i32
    %multiple_of3A_20 = tpu.assume_multiple %add3A_19, 8 : i32
    %dma_start3A_21 = arith.constant 0 : i32
    %dma_start3A_22 = tpu.memref_slice %arg3[%dma_start3A_21, %multiple_of3A_20] : memref<2x320000xi32, #tpu.memory_space<hbm>> -> memref<1x80xi32, #tpu.memory_space<hbm>>
    %dma_start3A_23 = tpu.memref_squeeze %dma_start3A_22 : memref<1x80xi32, #tpu.memory_space<hbm>> -> memref<80xi32, #tpu.memory_space<hbm>>
    %dma_start3A_24 = tpu.memref_slice %arg3[%dma_start3A_21, %multiple_of3A_20] : memref<2x320000xi32, #tpu.memory_space<hbm>> -> memref<1x80xi32, #tpu.memory_space<hbm>>
    %dma_start3A_25 = tpu.memref_squeeze %dma_start3A_24 : memref<1x80xi32, #tpu.memory_space<hbm>> -> memref<80xi32, #tpu.memory_space<hbm>>
    tpu.enqueue_dma source(%dma_start3A_25 : memref<80xi32, #tpu.memory_space<hbm>>) target(%arg10 : memref<80xi32, #tpu.memory_space<vmem>>) target_semaphore(%arg21 : memref<!tpu.dma_semaphore, #tpu.memory_space<semaphore_mem>>)
    %dma_start3A_26 = arith.constant 1 : i32
    %dma_start3A_27 = tpu.memref_slice %arg3[%dma_start3A_26, %multiple_of3A_20] : memref<2x320000xi32, #tpu.memory_space<hbm>> -> memref<1x80xi32, #tpu.memory_space<hbm>>
    %dma_start3A_28 = tpu.memref_squeeze %dma_start3A_27 : memref<1x80xi32, #tpu.memory_space<hbm>> -> memref<80xi32, #tpu.memory_space<hbm>>
    %dma_start3A_29 = tpu.memref_slice %arg3[%dma_start3A_26, %multiple_of3A_20] : memref<2x320000xi32, #tpu.memory_space<hbm>> -> memref<1x80xi32, #tpu.memory_space<hbm>>
    %dma_start3A_30 = tpu.memref_squeeze %dma_start3A_29 : memref<1x80xi32, #tpu.memory_space<hbm>> -> memref<80xi32, #tpu.memory_space<hbm>>
    tpu.enqueue_dma source(%dma_start3A_30 : memref<80xi32, #tpu.memory_space<hbm>>) target(%arg14 : memref<80xi32, #tpu.memory_space<vmem>>) target_semaphore(%arg21 : memref<!tpu.dma_semaphore, #tpu.memory_space<semaphore_mem>>)
    %add3A_31 = arith.constant 0 : i32
    %add3A_32 = arith.addi %mul3A_2, %add3A_31 : i32
    %multiple_of3A_33 = tpu.assume_multiple %add3A_32, 8 : i32
    %dma_start3A_34 = arith.constant 0 : i32
    %dma_start3A_35 = tpu.memref_slice %arg4[%dma_start3A_34, %multiple_of3A_33] : memref<16x320000xf32, #tpu.memory_space<hbm>> -> memref<16x80xf32, #tpu.memory_space<hbm>>
    %dma_start3A_36 = arith.constant 0 : i32
    %dma_start3A_37 = tpu.memref_slice %arg4[%dma_start3A_36, %multiple_of3A_33] : memref<16x320000xf32, #tpu.memory_space<hbm>> -> memref<16x80xf32, #tpu.memory_space<hbm>>
    tpu.enqueue_dma source(%dma_start3A_37 : memref<16x80xf32, #tpu.memory_space<hbm>>) target(%arg28 : memref<16x80xf32, #tpu.memory_space<vmem>>) target_semaphore(%arg33 : memref<!tpu.dma_semaphore, #tpu.memory_space<semaphore_mem>>)
    %add3A_38 = arith.constant 80 : i32
    %add3A_39 = arith.addi %mul3A_2, %add3A_38 : i32
    %multiple_of3A_40 = tpu.assume_multiple %add3A_39, 8 : i32
    %dma_start3A_41 = arith.constant 0 : i32
    %dma_start3A_42 = tpu.memref_slice %arg4[%dma_start3A_41, %multiple_of3A_40] : memref<16x320000xf32, #tpu.memory_space<hbm>> -> memref<16x80xf32, #tpu.memory_space<hbm>>
    %dma_start3A_43 = arith.constant 0 : i32
    %dma_start3A_44 = tpu.memref_slice %arg4[%dma_start3A_43, %multiple_of3A_40] : memref<16x320000xf32, #tpu.memory_space<hbm>> -> memref<16x80xf32, #tpu.memory_space<hbm>>
    tpu.enqueue_dma source(%dma_start3A_44 : memref<16x80xf32, #tpu.memory_space<hbm>>) target(%arg29 : memref<16x80xf32, #tpu.memory_space<vmem>>) target_semaphore(%arg34 : memref<!tpu.dma_semaphore, #tpu.memory_space<semaphore_mem>>)
    %add3A_45 = arith.constant 0 : i32
    %add3A_46 = arith.addi %mul3A_2, %add3A_45 : i32
    %multiple_of3A_47 = tpu.assume_multiple %add3A_46, 8 : i32
    %dma_wait3A = arith.constant 0 : i32
    %dma_wait3A_48 = tpu.memref_slice %arg3[%dma_wait3A, %multiple_of3A_47] : memref<2x320000xi32, #tpu.memory_space<hbm>> -> memref<1x80xi32, #tpu.memory_space<hbm>>
    %dma_wait3A_49 = tpu.memref_squeeze %dma_wait3A_48 : memref<1x80xi32, #tpu.memory_space<hbm>> -> memref<80xi32, #tpu.memory_space<hbm>>
    %dma_wait3A_50 = tpu.memref_slice %arg3[%dma_wait3A, %multiple_of3A_47] : memref<2x320000xi32, #tpu.memory_space<hbm>> -> memref<1x80xi32, #tpu.memory_space<hbm>>
    %dma_wait3A_51 = tpu.memref_squeeze %dma_wait3A_50 : memref<1x80xi32, #tpu.memory_space<hbm>> -> memref<80xi32, #tpu.memory_space<hbm>>
    tpu.wait_dma2 semaphore(%arg20 : memref<!tpu.dma_semaphore, #tpu.memory_space<semaphore_mem>>) src(%dma_wait3A_51 : memref<80xi32, #tpu.memory_space<hbm>>) dst(%arg9 : memref<80xi32, #tpu.memory_space<vmem>>)
    %dma_wait3A_52 = arith.constant 1 : i32
    %dma_wait3A_53 = tpu.memref_slice %arg3[%dma_wait3A_52, %multiple_of3A_47] : memref<2x320000xi32, #tpu.memory_space<hbm>> -> memref<1x80xi32, #tpu.memory_space<hbm>>
    %dma_wait3A_54 = tpu.memref_squeeze %dma_wait3A_53 : memref<1x80xi32, #tpu.memory_space<hbm>> -> memref<80xi32, #tpu.memory_space<hbm>>
    %dma_wait3A_55 = tpu.memref_slice %arg3[%dma_wait3A_52, %multiple_of3A_47] : memref<2x320000xi32, #tpu.memory_space<hbm>> -> memref<1x80xi32, #tpu.memory_space<hbm>>
    %dma_wait3A_56 = tpu.memref_squeeze %dma_wait3A_55 : memref<1x80xi32, #tpu.memory_space<hbm>> -> memref<80xi32, #tpu.memory_space<hbm>>
    tpu.wait_dma2 semaphore(%arg20 : memref<!tpu.dma_semaphore, #tpu.memory_space<semaphore_mem>>) src(%dma_wait3A_56 : memref<80xi32, #tpu.memory_space<hbm>>) dst(%arg13 : memref<80xi32, #tpu.memory_space<vmem>>)
    %add3A_57 = arith.constant 80 : i32
    %add3A_58 = arith.addi %mul3A_2, %add3A_57 : i32
    %multiple_of3A_59 = tpu.assume_multiple %add3A_58, 8 : i32
    %dma_wait3A_60 = arith.constant 0 : i32
    %dma_wait3A_61 = tpu.memref_slice %arg3[%dma_wait3A_60, %multiple_of3A_59] : memref<2x320000xi32, #tpu.memory_space<hbm>> -> memref<1x80xi32, #tpu.memory_space<hbm>>
    %dma_wait3A_62 = tpu.memref_squeeze %dma_wait3A_61 : memref<1x80xi32, #tpu.memory_space<hbm>> -> memref<80xi32, #tpu.memory_space<hbm>>
    %dma_wait3A_63 = tpu.memref_slice %arg3[%dma_wait3A_60, %multiple_of3A_59] : memref<2x320000xi32, #tpu.memory_space<hbm>> -> memref<1x80xi32, #tpu.memory_space<hbm>>
    %dma_wait3A_64 = tpu.memref_squeeze %dma_wait3A_63 : memref<1x80xi32, #tpu.memory_space<hbm>> -> memref<80xi32, #tpu.memory_space<hbm>>
    tpu.wait_dma2 semaphore(%arg21 : memref<!tpu.dma_semaphore, #tpu.memory_space<semaphore_mem>>) src(%dma_wait3A_64 : memref<80xi32, #tpu.memory_space<hbm>>) dst(%arg10 : memref<80xi32, #tpu.memory_space<vmem>>)
    %dma_wait3A_65 = arith.constant 1 : i32
    %dma_wait3A_66 = tpu.memref_slice %arg3[%dma_wait3A_65, %multiple_of3A_59] : memref<2x320000xi32, #tpu.memory_space<hbm>> -> memref<1x80xi32, #tpu.memory_space<hbm>>
    %dma_wait3A_67 = tpu.memref_squeeze %dma_wait3A_66 : memref<1x80xi32, #tpu.memory_space<hbm>> -> memref<80xi32, #tpu.memory_space<hbm>>
    %dma_wait3A_68 = tpu.memref_slice %arg3[%dma_wait3A_65, %multiple_of3A_59] : memref<2x320000xi32, #tpu.memory_space<hbm>> -> memref<1x80xi32, #tpu.memory_space<hbm>>
    %dma_wait3A_69 = tpu.memref_squeeze %dma_wait3A_68 : memref<1x80xi32, #tpu.memory_space<hbm>> -> memref<80xi32, #tpu.memory_space<hbm>>
    tpu.wait_dma2 semaphore(%arg21 : memref<!tpu.dma_semaphore, #tpu.memory_space<semaphore_mem>>) src(%dma_wait3A_69 : memref<80xi32, #tpu.memory_space<hbm>>) dst(%arg14 : memref<80xi32, #tpu.memory_space<vmem>>)
    %dma_start3A_70 = arith.constant 0 : i32
    %dma_start3A_71 = arith.constant 0 : i32
    %dma_start3A_72 = tpu.memref_slice %arg2[%dma_start3A_70, %dma_start3A_71] : memref<10000x128xf32, #tpu.memory_space<hbm>> -> memref<10000x128xf32, #tpu.memory_space<hbm>>
    tpu.enqueue_indirect_dma source(%dma_start3A_72 : memref<10000x128xf32, #tpu.memory_space<hbm>>) target(%arg17 : memref<80x128xf32, #tpu.memory_space<vmem>>) offsets(%arg9 : memref<80xi32, #tpu.memory_space<vmem>>) semaphore(%arg24 : memref<!tpu.dma_semaphore, #tpu.memory_space<semaphore_mem>>)
    %dma_start3A_73 = arith.constant 0 : i32
    %dma_start3A_74 = arith.constant 0 : i32
    %dma_start3A_75 = tpu.memref_slice %arg2[%dma_start3A_73, %dma_start3A_74] : memref<10000x128xf32, #tpu.memory_space<hbm>> -> memref<10000x128xf32, #tpu.memory_space<hbm>>
    tpu.enqueue_indirect_dma source(%dma_start3A_75 : memref<10000x128xf32, #tpu.memory_space<hbm>>) target(%arg18 : memref<80x128xf32, #tpu.memory_space<vmem>>) offsets(%arg10 : memref<80xi32, #tpu.memory_space<vmem>>) semaphore(%arg25 : memref<!tpu.dma_semaphore, #tpu.memory_space<semaphore_mem>>)
    %add3A_76 = arith.constant 160 : i32
    %add3A_77 = arith.addi %mul3A_2, %add3A_76 : i32
    %multiple_of3A_78 = tpu.assume_multiple %add3A_77, 8 : i32
    %dma_start3A_79 = arith.constant 0 : i32
    %dma_start3A_80 = tpu.memref_slice %arg3[%dma_start3A_79, %multiple_of3A_78] : memref<2x320000xi32, #tpu.memory_space<hbm>> -> memref<1x80xi32, #tpu.memory_space<hbm>>
    %dma_start3A_81 = tpu.memref_squeeze %dma_start3A_80 : memref<1x80xi32, #tpu.memory_space<hbm>> -> memref<80xi32, #tpu.memory_space<hbm>>
    %dma_start3A_82 = tpu.memref_slice %arg3[%dma_start3A_79, %multiple_of3A_78] : memref<2x320000xi32, #tpu.memory_space<hbm>> -> memref<1x80xi32, #tpu.memory_space<hbm>>
    %dma_start3A_83 = tpu.memref_squeeze %dma_start3A_82 : memref<1x80xi32, #tpu.memory_space<hbm>> -> memref<80xi32, #tpu.memory_space<hbm>>
    tpu.enqueue_dma source(%dma_start3A_83 : memref<80xi32, #tpu.memory_space<hbm>>) target(%arg11 : memref<80xi32, #tpu.memory_space<vmem>>) target_semaphore(%arg22 : memref<!tpu.dma_semaphore, #tpu.memory_space<semaphore_mem>>)
    %dma_start3A_84 = arith.constant 1 : i32
    %dma_start3A_85 = tpu.memref_slice %arg3[%dma_start3A_84, %multiple_of3A_78] : memref<2x320000xi32, #tpu.memory_space<hbm>> -> memref<1x80xi32, #tpu.memory_space<hbm>>
    %dma_start3A_86 = tpu.memref_squeeze %dma_start3A_85 : memref<1x80xi32, #tpu.memory_space<hbm>> -> memref<80xi32, #tpu.memory_space<hbm>>
    %dma_start3A_87 = tpu.memref_slice %arg3[%dma_start3A_84, %multiple_of3A_78] : memref<2x320000xi32, #tpu.memory_space<hbm>> -> memref<1x80xi32, #tpu.memory_space<hbm>>
    %dma_start3A_88 = tpu.memref_squeeze %dma_start3A_87 : memref<1x80xi32, #tpu.memory_space<hbm>> -> memref<80xi32, #tpu.memory_space<hbm>>
    tpu.enqueue_dma source(%dma_start3A_88 : memref<80xi32, #tpu.memory_space<hbm>>) target(%arg15 : memref<80xi32, #tpu.memory_space<vmem>>) target_semaphore(%arg22 : memref<!tpu.dma_semaphore, #tpu.memory_space<semaphore_mem>>)
    %add3A_89 = arith.constant 240 : i32
    %add3A_90 = arith.addi %mul3A_2, %add3A_89 : i32
    %multiple_of3A_91 = tpu.assume_multiple %add3A_90, 8 : i32
    %dma_start3A_92 = arith.constant 0 : i32
    %dma_start3A_93 = tpu.memref_slice %arg3[%dma_start3A_92, %multiple_of3A_91] : memref<2x320000xi32, #tpu.memory_space<hbm>> -> memref<1x80xi32, #tpu.memory_space<hbm>>
    %dma_start3A_94 = tpu.memref_squeeze %dma_start3A_93 : memref<1x80xi32, #tpu.memory_space<hbm>> -> memref<80xi32, #tpu.memory_space<hbm>>
    %dma_start3A_95 = tpu.memref_slice %arg3[%dma_start3A_92, %multiple_of3A_91] : memref<2x320000xi32, #tpu.memory_space<hbm>> -> memref<1x80xi32, #tpu.memory_space<hbm>>
    %dma_start3A_96 = tpu.memref_squeeze %dma_start3A_95 : memref<1x80xi32, #tpu.memory_space<hbm>> -> memref<80xi32, #tpu.memory_space<hbm>>
    tpu.enqueue_dma source(%dma_start3A_96 : memref<80xi32, #tpu.memory_space<hbm>>) target(%arg12 : memref<80xi32, #tpu.memory_space<vmem>>) target_semaphore(%arg23 : memref<!tpu.dma_semaphore, #tpu.memory_space<semaphore_mem>>)
    %dma_start3A_97 = arith.constant 1 : i32
    %dma_start3A_98 = tpu.memref_slice %arg3[%dma_start3A_97, %multiple_of3A_91] : memref<2x320000xi32, #tpu.memory_space<hbm>> -> memref<1x80xi32, #tpu.memory_space<hbm>>
    %dma_start3A_99 = tpu.memref_squeeze %dma_start3A_98 : memref<1x80xi32, #tpu.memory_space<hbm>> -> memref<80xi32, #tpu.memory_space<hbm>>
    %dma_start3A_100 = tpu.memref_slice %arg3[%dma_start3A_97, %multiple_of3A_91] : memref<2x320000xi32, #tpu.memory_space<hbm>> -> memref<1x80xi32, #tpu.memory_space<hbm>>
    %dma_start3A_101 = tpu.memref_squeeze %dma_start3A_100 : memref<1x80xi32, #tpu.memory_space<hbm>> -> memref<80xi32, #tpu.memory_space<hbm>>
    tpu.enqueue_dma source(%dma_start3A_101 : memref<80xi32, #tpu.memory_space<hbm>>) target(%arg16 : memref<80xi32, #tpu.memory_space<vmem>>) target_semaphore(%arg23 : memref<!tpu.dma_semaphore, #tpu.memory_space<semaphore_mem>>)
    %scan3A = arith.constant 0 : i32
    %scan3A_102 = arith.constant 0 : i32
    %scan3A_103 = arith.constant 31 : i32
    %scan3A_104 = arith.addi %scan3A_102, %scan3A_103 : i32
    %scan3A_105 = arith.constant 1 : i32
    scf.for %scan3A_138 = %scan3A_102 to %scan3A_104 step %scan3A_105  : i32 {
      %mul3A_139 = arith.constant 4 : i32
      %mul3A_140 = arith.muli %scan3A_138, %mul3A_139 : i32
      %add3A_141 = arith.constant 0 : i32
      %add3A_142 = arith.addi %mul3A_140, %add3A_141 : i32
      %dma_wait3A_143 = arith.constant 0 : i32
      %dma_wait3A_144 = arith.constant 0 : i32
      %dma_wait3A_145 = tpu.memref_slice %arg2[%dma_wait3A_143, %dma_wait3A_144] : memref<10000x128xf32, #tpu.memory_space<hbm>> -> memref<10000x128xf32, #tpu.memory_space<hbm>>
      tpu.wait_indirect_dma semaphore(%arg24 : memref<!tpu.dma_semaphore, #tpu.memory_space<semaphore_mem>>) src(%dma_wait3A_145 : memref<10000x128xf32, #tpu.memory_space<hbm>>) dst(%arg17 : memref<80x128xf32, #tpu.memory_space<vmem>>)
      %dma_start3A_146 = arith.constant 0 : i32
      %dma_start3A_147 = arith.constant 0 : i32
      %dma_start3A_148 = tpu.memref_slice %arg19[%dma_start3A_146, %dma_start3A_147] : memref<10112x128xf32, #tpu.memory_space<vmem_shared>> -> memref<10112x128xf32, #tpu.memory_space<vmem_shared>>
      tpu.enqueue_indirect_dma source(%arg17 : memref<80x128xf32, #tpu.memory_space<vmem>>) target(%dma_start3A_148 : memref<10112x128xf32, #tpu.memory_space<vmem_shared>>) offsets(%arg13 : memref<80xi32, #tpu.memory_space<vmem>>) semaphore(%arg26 : memref<!tpu.dma_semaphore, #tpu.memory_space<semaphore_mem>>) {add = true}
      %mul3A_149 = arith.constant 80 : i32
      %mul3A_150 = arith.muli %add3A_142, %mul3A_149 : i32
      %add3A_151 = arith.addi %mul3A_2, %mul3A_150 : i32
      %multiple_of3A_152 = tpu.assume_multiple %add3A_151, 8 : i32
      %dma_wait3A_153 = arith.constant 0 : i32
      %dma_wait3A_154 = tpu.memref_slice %arg4[%dma_wait3A_153, %multiple_of3A_152] : memref<16x320000xf32, #tpu.memory_space<hbm>> -> memref<16x80xf32, #tpu.memory_space<hbm>>
      %dma_wait3A_155 = arith.constant 0 : i32
      %dma_wait3A_156 = tpu.memref_slice %arg4[%dma_wait3A_155, %multiple_of3A_152] : memref<16x320000xf32, #tpu.memory_space<hbm>> -> memref<16x80xf32, #tpu.memory_space<hbm>>
      tpu.wait_dma2 semaphore(%arg33 : memref<!tpu.dma_semaphore, #tpu.memory_space<semaphore_mem>>) src(%dma_wait3A_156 : memref<16x80xf32, #tpu.memory_space<hbm>>) dst(%arg28 : memref<16x80xf32, #tpu.memory_space<vmem>>)
      %scan3A_157 = arith.constant 0 : i32
      %scan3A_158 = arith.constant 0 : i32
      %scan3A_159 = arith.constant 80 : i32
      %scan3A_160 = arith.addi %scan3A_158, %scan3A_159 : i32
      %scan3A_161 = arith.constant 1 : i32
      scf.for %scan3A_328 = %scan3A_158 to %scan3A_160 step %scan3A_161  : i32 {
        %broadcast_in_dim3A = vector.broadcast %scan3A_328 : i32 to vector<16xi32>
        %gather3A = tpu.vector_load_idx %arg28[%iota3A, %broadcast_in_dim3A] : memref<16x80xf32, #tpu.memory_space<vmem>>[vector<16xi32>, vector<16xi32>], vector<16xf32>,
        %swap3A = arith.index_cast %scan3A_328 : i32 to index
        %swap3A_329 = arith.constant 0 : index
        %swap3A_330 = tpu.vector_load %arg30[%swap3A, %swap3A_329] {strides = array<i32>} : memref<80x16xf32, #tpu.memory_space<vmem>>, vector<16xf32>,
        tpu.vector_store %arg30[%swap3A, %swap3A_329], %gather3A {strides = array<i32>} : memref<80x16xf32, #tpu.memory_space<vmem>>, vector<16xf32>,
      }
      %scan3A_162 = arith.constant 80 : i32
      "tpu.region"() ({
        %run_scoped3A = tpu.sem_alloc : memref<!tpu.dma_semaphore, #tpu.memory_space<semaphore_mem>>
        %dma_start3A_328 = arith.constant 0 : i32
        %dma_start3A_329 = arith.constant 0 : i32
        %dma_start3A_330 = tpu.memref_slice %arg32[%dma_start3A_328, %dma_start3A_329] : memref<10112x16xf32, #tpu.memory_space<vmem_shared>> -> memref<10112x16xf32, #tpu.memory_space<vmem_shared>>
        tpu.enqueue_indirect_dma source(%arg30 : memref<80x16xf32, #tpu.memory_space<vmem>>) target(%dma_start3A_330 : memref<10112x16xf32, #tpu.memory_space<vmem_shared>>) offsets(%arg13 : memref<80xi32, #tpu.memory_space<vmem>>) semaphore(%run_scoped3A : memref<!tpu.dma_semaphore, #tpu.memory_space<semaphore_mem>>) {add = true}
        %dma_wait3A_331 = arith.constant 0 : i32
        %dma_wait3A_332 = arith.constant 0 : i32
        %dma_wait3A_333 = tpu.memref_slice %arg32[%dma_wait3A_331, %dma_wait3A_332] : memref<10112x16xf32, #tpu.memory_space<vmem_shared>> -> memref<10112x16xf32, #tpu.memory_space<vmem_shared>>
        tpu.wait_indirect_dma semaphore(%run_scoped3A : memref<!tpu.dma_semaphore, #tpu.memory_space<semaphore_mem>>) src(%arg30 : memref<80x16xf32, #tpu.memory_space<vmem>>) dst(%dma_wait3A_333 : memref<10112x16xf32, #tpu.memory_space<vmem_shared>>)
        tpu.yield
      }) : () -> ()
      %add3A_163 = arith.constant 2 : i32
      %add3A_164 = arith.addi %add3A_142, %add3A_163 : i32
      %lt3A = arith.constant 125 : i32
      %lt3A_165 = arith.cmpi slt, %add3A_164, %lt3A : i32
      %convert_element_type3A = arith.extui %lt3A_165 : i1 to i32
      %cond3A = arith.constant 0 : i32
      %cond3A_166 = arith.cmpi ne, %convert_element_type3A, %cond3A : i32
      scf.if %cond3A_166 {
        %add3A_328 = arith.constant 2 : i32
        %add3A_329 = arith.addi %add3A_142, %add3A_328 : i32
        %mul3A_330 = arith.constant 80 : i32
        %mul3A_331 = arith.muli %add3A_329, %mul3A_330 : i32
        %add3A_332 = arith.addi %mul3A_2, %mul3A_331 : i32
        %multiple_of3A_333 = tpu.assume_multiple %add3A_332, 8 : i32
        %dma_start3A_334 = arith.constant 0 : i32
        %dma_start3A_335 = tpu.memref_slice %arg4[%dma_start3A_334, %multiple_of3A_333] : memref<16x320000xf32, #tpu.memory_space<hbm>> -> memref<16x80xf32, #tpu.memory_space<hbm>>
        %dma_start3A_336 = arith.constant 0 : i32
        %dma_start3A_337 = tpu.memref_slice %arg4[%dma_start3A_336, %multiple_of3A_333] : memref<16x320000xf32, #tpu.memory_space<hbm>> -> memref<16x80xf32, #tpu.memory_space<hbm>>
        tpu.enqueue_dma source(%dma_start3A_337 : memref<16x80xf32, #tpu.memory_space<hbm>>) target(%arg28 : memref<16x80xf32, #tpu.memory_space<vmem>>) target_semaphore(%arg33 : memref<!tpu.dma_semaphore, #tpu.memory_space<semaphore_mem>>)
      } else {
      }
      %dma_wait3A_167 = arith.constant 0 : i32
      %dma_wait3A_168 = arith.constant 0 : i32
      %dma_wait3A_169 = tpu.memref_slice %arg19[%dma_wait3A_167, %dma_wait3A_168] : memref<10112x128xf32, #tpu.memory_space<vmem_shared>> -> memref<10112x128xf32, #tpu.memory_space<vmem_shared>>
      tpu.wait_indirect_dma semaphore(%arg26 : memref<!tpu.dma_semaphore, #tpu.memory_space<semaphore_mem>>) src(%arg17 : memref<80x128xf32, #tpu.memory_space<vmem>>) dst(%dma_wait3A_169 : memref<10112x128xf32, #tpu.memory_space<vmem_shared>>)
      %add3A_170 = arith.constant 2 : i32
      %add3A_171 = arith.addi %add3A_142, %add3A_170 : i32
      %lt3A_172 = arith.constant 125 : i32
      %lt3A_173 = arith.cmpi slt, %add3A_171, %lt3A_172 : i32
      %convert_element_type3A_174 = arith.extui %lt3A_173 : i1 to i32
      %cond3A_175 = arith.constant 0 : i32
      %cond3A_176 = arith.cmpi ne, %convert_element_type3A_174, %cond3A_175 : i32
      scf.if %cond3A_176 {
        %add3A_328 = arith.constant 2 : i32
        %add3A_329 = arith.addi %add3A_142, %add3A_328 : i32
        %mul3A_330 = arith.constant 80 : i32
        %mul3A_331 = arith.muli %add3A_329, %mul3A_330 : i32
        %add3A_332 = arith.addi %mul3A_2, %mul3A_331 : i32
        %multiple_of3A_333 = tpu.assume_multiple %add3A_332, 8 : i32
        %dma_wait3A_334 = arith.constant 0 : i32
        %dma_wait3A_335 = tpu.memref_slice %arg3[%dma_wait3A_334, %multiple_of3A_333] : memref<2x320000xi32, #tpu.memory_space<hbm>> -> memref<1x80xi32, #tpu.memory_space<hbm>>
        %dma_wait3A_336 = tpu.memref_squeeze %dma_wait3A_335 : memref<1x80xi32, #tpu.memory_space<hbm>> -> memref<80xi32, #tpu.memory_space<hbm>>
        %dma_wait3A_337 = tpu.memref_slice %arg3[%dma_wait3A_334, %multiple_of3A_333] : memref<2x320000xi32, #tpu.memory_space<hbm>> -> memref<1x80xi32, #tpu.memory_space<hbm>>
        %dma_wait3A_338 = tpu.memref_squeeze %dma_wait3A_337 : memref<1x80xi32, #tpu.memory_space<hbm>> -> memref<80xi32, #tpu.memory_space<hbm>>
        tpu.wait_dma2 semaphore(%arg22 : memref<!tpu.dma_semaphore, #tpu.memory_space<semaphore_mem>>) src(%dma_wait3A_338 : memref<80xi32, #tpu.memory_space<hbm>>) dst(%arg11 : memref<80xi32, #tpu.memory_space<vmem>>)
        %dma_wait3A_339 = arith.constant 1 : i32
        %dma_wait3A_340 = tpu.memref_slice %arg3[%dma_wait3A_339, %multiple_of3A_333] : memref<2x320000xi32, #tpu.memory_space<hbm>> -> memref<1x80xi32, #tpu.memory_space<hbm>>
        %dma_wait3A_341 = tpu.memref_squeeze %dma_wait3A_340 : memref<1x80xi32, #tpu.memory_space<hbm>> -> memref<80xi32, #tpu.memory_space<hbm>>
        %dma_wait3A_342 = tpu.memref_slice %arg3[%dma_wait3A_339, %multiple_of3A_333] : memref<2x320000xi32, #tpu.memory_space<hbm>> -> memref<1x80xi32, #tpu.memory_space<hbm>>
        %dma_wait3A_343 = tpu.memref_squeeze %dma_wait3A_342 : memref<1x80xi32, #tpu.memory_space<hbm>> -> memref<80xi32, #tpu.memory_space<hbm>>
        tpu.wait_dma2 semaphore(%arg22 : memref<!tpu.dma_semaphore, #tpu.memory_space<semaphore_mem>>) src(%dma_wait3A_343 : memref<80xi32, #tpu.memory_space<hbm>>) dst(%arg15 : memref<80xi32, #tpu.memory_space<vmem>>)
        %add3A_344 = arith.constant 2 : i32
        %add3A_345 = arith.addi %add3A_142, %add3A_344 : i32
        %dma_start3A_346 = arith.constant 0 : i32
        %dma_start3A_347 = arith.constant 0 : i32
        %dma_start3A_348 = tpu.memref_slice %arg2[%dma_start3A_346, %dma_start3A_347] : memref<10000x128xf32, #tpu.memory_space<hbm>> -> memref<10000x128xf32, #tpu.memory_space<hbm>>
        tpu.enqueue_indirect_dma source(%dma_start3A_348 : memref<10000x128xf32, #tpu.memory_space<hbm>>) target(%arg17 : memref<80x128xf32, #tpu.memory_space<vmem>>) offsets(%arg11 : memref<80xi32, #tpu.memory_space<vmem>>) semaphore(%arg24 : memref<!tpu.dma_semaphore, #tpu.memory_space<semaphore_mem>>)
      } else {
      }
      %add3A_177 = arith.constant 4 : i32
      %add3A_178 = arith.addi %add3A_142, %add3A_177 : i32
      %lt3A_179 = arith.constant 125 : i32
      %lt3A_180 = arith.cmpi slt, %add3A_178, %lt3A_179 : i32
      %convert_element_type3A_181 = arith.extui %lt3A_180 : i1 to i32
      %cond3A_182 = arith.constant 0 : i32
      %cond3A_183 = arith.cmpi ne, %convert_element_type3A_181, %cond3A_182 : i32
      scf.if %cond3A_183 {
        %add3A_328 = arith.constant 4 : i32
        %add3A_329 = arith.addi %add3A_142, %add3A_328 : i32
        %mul3A_330 = arith.constant 80 : i32
        %mul3A_331 = arith.muli %add3A_329, %mul3A_330 : i32
        %add3A_332 = arith.addi %mul3A_2, %mul3A_331 : i32
        %multiple_of3A_333 = tpu.assume_multiple %add3A_332, 8 : i32
        %dma_start3A_334 = arith.constant 0 : i32
        %dma_start3A_335 = tpu.memref_slice %arg3[%dma_start3A_334, %multiple_of3A_333] : memref<2x320000xi32, #tpu.memory_space<hbm>> -> memref<1x80xi32, #tpu.memory_space<hbm>>
        %dma_start3A_336 = tpu.memref_squeeze %dma_start3A_335 : memref<1x80xi32, #tpu.memory_space<hbm>> -> memref<80xi32, #tpu.memory_space<hbm>>
        %dma_start3A_337 = tpu.memref_slice %arg3[%dma_start3A_334, %multiple_of3A_333] : memref<2x320000xi32, #tpu.memory_space<hbm>> -> memref<1x80xi32, #tpu.memory_space<hbm>>
        %dma_start3A_338 = tpu.memref_squeeze %dma_start3A_337 : memref<1x80xi32, #tpu.memory_space<hbm>> -> memref<80xi32, #tpu.memory_space<hbm>>
        tpu.enqueue_dma source(%dma_start3A_338 : memref<80xi32, #tpu.memory_space<hbm>>) target(%arg9 : memref<80xi32, #tpu.memory_space<vmem>>) target_semaphore(%arg20 : memref<!tpu.dma_semaphore, #tpu.memory_space<semaphore_mem>>)
        %dma_start3A_339 = arith.constant 1 : i32
        %dma_start3A_340 = tpu.memref_slice %arg3[%dma_start3A_339, %multiple_of3A_333] : memref<2x320000xi32, #tpu.memory_space<hbm>> -> memref<1x80xi32, #tpu.memory_space<hbm>>
        %dma_start3A_341 = tpu.memref_squeeze %dma_start3A_340 : memref<1x80xi32, #tpu.memory_space<hbm>> -> memref<80xi32, #tpu.memory_space<hbm>>
        %dma_start3A_342 = tpu.memref_slice %arg3[%dma_start3A_339, %multiple_of3A_333] : memref<2x320000xi32, #tpu.memory_space<hbm>> -> memref<1x80xi32, #tpu.memory_space<hbm>>
        %dma_start3A_343 = tpu.memref_squeeze %dma_start3A_342 : memref<1x80xi32, #tpu.memory_space<hbm>> -> memref<80xi32, #tpu.memory_space<hbm>>
        tpu.enqueue_dma source(%dma_start3A_343 : memref<80xi32, #tpu.memory_space<hbm>>) target(%arg13 : memref<80xi32, #tpu.memory_space<vmem>>) target_semaphore(%arg20 : memref<!tpu.dma_semaphore, #tpu.memory_space<semaphore_mem>>)
      } else {
      }
      %mul3A_184 = arith.constant 4 : i32
      %mul3A_185 = arith.muli %scan3A_138, %mul3A_184 : i32
      %add3A_186 = arith.constant 1 : i32
      %add3A_187 = arith.addi %mul3A_185, %add3A_186 : i32
      %dma_wait3A_188 = arith.constant 0 : i32
      %dma_wait3A_189 = arith.constant 0 : i32
      %dma_wait3A_190 = tpu.memref_slice %arg2[%dma_wait3A_188, %dma_wait3A_189] : memref<10000x128xf32, #tpu.memory_space<hbm>> -> memref<10000x128xf32, #tpu.memory_space<hbm>>
      tpu.wait_indirect_dma semaphore(%arg25 : memref<!tpu.dma_semaphore, #tpu.memory_space<semaphore_mem>>) src(%dma_wait3A_190 : memref<10000x128xf32, #tpu.memory_space<hbm>>) dst(%arg18 : memref<80x128xf32, #tpu.memory_space<vmem>>)
      %dma_start3A_191 = arith.constant 0 : i32
      %dma_start3A_192 = arith.constant 0 : i32
      %dma_start3A_193 = tpu.memref_slice %arg19[%dma_start3A_191, %dma_start3A_192] : memref<10112x128xf32, #tpu.memory_space<vmem_shared>> -> memref<10112x128xf32, #tpu.memory_space<vmem_shared>>
      tpu.enqueue_indirect_dma source(%arg18 : memref<80x128xf32, #tpu.memory_space<vmem>>) target(%dma_start3A_193 : memref<10112x128xf32, #tpu.memory_space<vmem_shared>>) offsets(%arg14 : memref<80xi32, #tpu.memory_space<vmem>>) semaphore(%arg27 : memref<!tpu.dma_semaphore, #tpu.memory_space<semaphore_mem>>) {add = true}
      %mul3A_194 = arith.constant 80 : i32
      %mul3A_195 = arith.muli %add3A_187, %mul3A_194 : i32
      %add3A_196 = arith.addi %mul3A_2, %mul3A_195 : i32
      %multiple_of3A_197 = tpu.assume_multiple %add3A_196, 8 : i32
      %dma_wait3A_198 = arith.constant 0 : i32
      %dma_wait3A_199 = tpu.memref_slice %arg4[%dma_wait3A_198, %multiple_of3A_197] : memref<16x320000xf32, #tpu.memory_space<hbm>> -> memref<16x80xf32, #tpu.memory_space<hbm>>
      %dma_wait3A_200 = arith.constant 0 : i32
      %dma_wait3A_201 = tpu.memref_slice %arg4[%dma_wait3A_200, %multiple_of3A_197] : memref<16x320000xf32, #tpu.memory_space<hbm>> -> memref<16x80xf32, #tpu.memory_space<hbm>>
      tpu.wait_dma2 semaphore(%arg34 : memref<!tpu.dma_semaphore, #tpu.memory_space<semaphore_mem>>) src(%dma_wait3A_201 : memref<16x80xf32, #tpu.memory_space<hbm>>) dst(%arg29 : memref<16x80xf32, #tpu.memory_space<vmem>>)
      %scan3A_202 = arith.constant 0 : i32
      %scan3A_203 = arith.constant 0 : i32
      %scan3A_204 = arith.constant 80 : i32
      %scan3A_205 = arith.addi %scan3A_203, %scan3A_204 : i32
      %scan3A_206 = arith.constant 1 : i32
      scf.for %scan3A_328 = %scan3A_203 to %scan3A_205 step %scan3A_206  : i32 {
        %broadcast_in_dim3A = vector.broadcast %scan3A_328 : i32 to vector<16xi32>
        %gather3A = tpu.vector_load_idx %arg29[%iota3A, %broadcast_in_dim3A] : memref<16x80xf32, #tpu.memory_space<vmem>>[vector<16xi32>, vector<16xi32>], vector<16xf32>,
        %swap3A = arith.index_cast %scan3A_328 : i32 to index
        %swap3A_329 = arith.constant 0 : index
        %swap3A_330 = tpu.vector_load %arg31[%swap3A, %swap3A_329] {strides = array<i32>} : memref<80x16xf32, #tpu.memory_space<vmem>>, vector<16xf32>,
        tpu.vector_store %arg31[%swap3A, %swap3A_329], %gather3A {strides = array<i32>} : memref<80x16xf32, #tpu.memory_space<vmem>>, vector<16xf32>,
      }
      %scan3A_207 = arith.constant 80 : i32
      "tpu.region"() ({
        %run_scoped3A = tpu.sem_alloc : memref<!tpu.dma_semaphore, #tpu.memory_space<semaphore_mem>>
        %dma_start3A_328 = arith.constant 0 : i32
        %dma_start3A_329 = arith.constant 0 : i32
        %dma_start3A_330 = tpu.memref_slice %arg32[%dma_start3A_328, %dma_start3A_329] : memref<10112x16xf32, #tpu.memory_space<vmem_shared>> -> memref<10112x16xf32, #tpu.memory_space<vmem_shared>>
        tpu.enqueue_indirect_dma source(%arg31 : memref<80x16xf32, #tpu.memory_space<vmem>>) target(%dma_start3A_330 : memref<10112x16xf32, #tpu.memory_space<vmem_shared>>) offsets(%arg14 : memref<80xi32, #tpu.memory_space<vmem>>) semaphore(%run_scoped3A : memref<!tpu.dma_semaphore, #tpu.memory_space<semaphore_mem>>) {add = true}
        %dma_wait3A_331 = arith.constant 0 : i32
        %dma_wait3A_332 = arith.constant 0 : i32
        %dma_wait3A_333 = tpu.memref_slice %arg32[%dma_wait3A_331, %dma_wait3A_332] : memref<10112x16xf32, #tpu.memory_space<vmem_shared>> -> memref<10112x16xf32, #tpu.memory_space<vmem_shared>>
        tpu.wait_indirect_dma semaphore(%run_scoped3A : memref<!tpu.dma_semaphore, #tpu.memory_space<semaphore_mem>>) src(%arg31 : memref<80x16xf32, #tpu.memory_space<vmem>>) dst(%dma_wait3A_333 : memref<10112x16xf32, #tpu.memory_space<vmem_shared>>)
        tpu.yield
      }) : () -> ()
      %add3A_208 = arith.constant 2 : i32
      %add3A_209 = arith.addi %add3A_187, %add3A_208 : i32
      %lt3A_210 = arith.constant 125 : i32
      %lt3A_211 = arith.cmpi slt, %add3A_209, %lt3A_210 : i32
      %convert_element_type3A_212 = arith.extui %lt3A_211 : i1 to i32
      %cond3A_213 = arith.constant 0 : i32
      %cond3A_214 = arith.cmpi ne, %convert_element_type3A_212, %cond3A_213 : i32
      scf.if %cond3A_214 {
        %add3A_328 = arith.constant 2 : i32
        %add3A_329 = arith.addi %add3A_187, %add3A_328 : i32
        %mul3A_330 = arith.constant 80 : i32
        %mul3A_331 = arith.muli %add3A_329, %mul3A_330 : i32
        %add3A_332 = arith.addi %mul3A_2, %mul3A_331 : i32
        %multiple_of3A_333 = tpu.assume_multiple %add3A_332, 8 : i32
        %dma_start3A_334 = arith.constant 0 : i32
        %dma_start3A_335 = tpu.memref_slice %arg4[%dma_start3A_334, %multiple_of3A_333] : memref<16x320000xf32, #tpu.memory_space<hbm>> -> memref<16x80xf32, #tpu.memory_space<hbm>>
        %dma_start3A_336 = arith.constant 0 : i32
        %dma_start3A_337 = tpu.memref_slice %arg4[%dma_start3A_336, %multiple_of3A_333] : memref<16x320000xf32, #tpu.memory_space<hbm>> -> memref<16x80xf32, #tpu.memory_space<hbm>>
        tpu.enqueue_dma source(%dma_start3A_337 : memref<16x80xf32, #tpu.memory_space<hbm>>) target(%arg29 : memref<16x80xf32, #tpu.memory_space<vmem>>) target_semaphore(%arg34 : memref<!tpu.dma_semaphore, #tpu.memory_space<semaphore_mem>>)
      } else {
      }
      %dma_wait3A_215 = arith.constant 0 : i32
      %dma_wait3A_216 = arith.constant 0 : i32
      %dma_wait3A_217 = tpu.memref_slice %arg19[%dma_wait3A_215, %dma_wait3A_216] : memref<10112x128xf32, #tpu.memory_space<vmem_shared>> -> memref<10112x128xf32, #tpu.memory_space<vmem_shared>>
      tpu.wait_indirect_dma semaphore(%arg27 : memref<!tpu.dma_semaphore, #tpu.memory_space<semaphore_mem>>) src(%arg18 : memref<80x128xf32, #tpu.memory_space<vmem>>) dst(%dma_wait3A_217 : memref<10112x128xf32, #tpu.memory_space<vmem_shared>>)
      %add3A_218 = arith.constant 2 : i32
      %add3A_219 = arith.addi %add3A_187, %add3A_218 : i32
      %lt3A_220 = arith.constant 125 : i32
      %lt3A_221 = arith.cmpi slt, %add3A_219, %lt3A_220 : i32
      %convert_element_type3A_222 = arith.extui %lt3A_221 : i1 to i32
      %cond3A_223 = arith.constant 0 : i32
      %cond3A_224 = arith.cmpi ne, %convert_element_type3A_222, %cond3A_223 : i32
      scf.if %cond3A_224 {
        %add3A_328 = arith.constant 2 : i32
        %add3A_329 = arith.addi %add3A_187, %add3A_328 : i32
        %mul3A_330 = arith.constant 80 : i32
        %mul3A_331 = arith.muli %add3A_329, %mul3A_330 : i32
        %add3A_332 = arith.addi %mul3A_2, %mul3A_331 : i32
        %multiple_of3A_333 = tpu.assume_multiple %add3A_332, 8 : i32
        %dma_wait3A_334 = arith.constant 0 : i32
        %dma_wait3A_335 = tpu.memref_slice %arg3[%dma_wait3A_334, %multiple_of3A_333] : memref<2x320000xi32, #tpu.memory_space<hbm>> -> memref<1x80xi32, #tpu.memory_space<hbm>>
        %dma_wait3A_336 = tpu.memref_squeeze %dma_wait3A_335 : memref<1x80xi32, #tpu.memory_space<hbm>> -> memref<80xi32, #tpu.memory_space<hbm>>
        %dma_wait3A_337 = tpu.memref_slice %arg3[%dma_wait3A_334, %multiple_of3A_333] : memref<2x320000xi32, #tpu.memory_space<hbm>> -> memref<1x80xi32, #tpu.memory_space<hbm>>
        %dma_wait3A_338 = tpu.memref_squeeze %dma_wait3A_337 : memref<1x80xi32, #tpu.memory_space<hbm>> -> memref<80xi32, #tpu.memory_space<hbm>>
        tpu.wait_dma2 semaphore(%arg23 : memref<!tpu.dma_semaphore, #tpu.memory_space<semaphore_mem>>) src(%dma_wait3A_338 : memref<80xi32, #tpu.memory_space<hbm>>) dst(%arg12 : memref<80xi32, #tpu.memory_space<vmem>>)
        %dma_wait3A_339 = arith.constant 1 : i32
        %dma_wait3A_340 = tpu.memref_slice %arg3[%dma_wait3A_339, %multiple_of3A_333] : memref<2x320000xi32, #tpu.memory_space<hbm>> -> memref<1x80xi32, #tpu.memory_space<hbm>>
        %dma_wait3A_341 = tpu.memref_squeeze %dma_wait3A_340 : memref<1x80xi32, #tpu.memory_space<hbm>> -> memref<80xi32, #tpu.memory_space<hbm>>
        %dma_wait3A_342 = tpu.memref_slice %arg3[%dma_wait3A_339, %multiple_of3A_333] : memref<2x320000xi32, #tpu.memory_space<hbm>> -> memref<1x80xi32, #tpu.memory_space<hbm>>
        %dma_wait3A_343 = tpu.memref_squeeze %dma_wait3A_342 : memref<1x80xi32, #tpu.memory_space<hbm>> -> memref<80xi32, #tpu.memory_space<hbm>>
        tpu.wait_dma2 semaphore(%arg23 : memref<!tpu.dma_semaphore, #tpu.memory_space<semaphore_mem>>) src(%dma_wait3A_343 : memref<80xi32, #tpu.memory_space<hbm>>) dst(%arg16 : memref<80xi32, #tpu.memory_space<vmem>>)
        %add3A_344 = arith.constant 2 : i32
        %add3A_345 = arith.addi %add3A_187, %add3A_344 : i32
        %dma_start3A_346 = arith.constant 0 : i32
        %dma_start3A_347 = arith.constant 0 : i32
        %dma_start3A_348 = tpu.memref_slice %arg2[%dma_start3A_346, %dma_start3A_347] : memref<10000x128xf32, #tpu.memory_space<hbm>> -> memref<10000x128xf32, #tpu.memory_space<hbm>>
        tpu.enqueue_indirect_dma source(%dma_start3A_348 : memref<10000x128xf32, #tpu.memory_space<hbm>>) target(%arg18 : memref<80x128xf32, #tpu.memory_space<vmem>>) offsets(%arg12 : memref<80xi32, #tpu.memory_space<vmem>>) semaphore(%arg25 : memref<!tpu.dma_semaphore, #tpu.memory_space<semaphore_mem>>)
      } else {
      }
      %add3A_225 = arith.constant 4 : i32
      %add3A_226 = arith.addi %add3A_187, %add3A_225 : i32
      %lt3A_227 = arith.constant 125 : i32
      %lt3A_228 = arith.cmpi slt, %add3A_226, %lt3A_227 : i32
      %convert_element_type3A_229 = arith.extui %lt3A_228 : i1 to i32
      %cond3A_230 = arith.constant 0 : i32
      %cond3A_231 = arith.cmpi ne, %convert_element_type3A_229, %cond3A_230 : i32
      scf.if %cond3A_231 {
        %add3A_328 = arith.constant 4 : i32
        %add3A_329 = arith.addi %add3A_187, %add3A_328 : i32
        %mul3A_330 = arith.constant 80 : i32
        %mul3A_331 = arith.muli %add3A_329, %mul3A_330 : i32
        %add3A_332 = arith.addi %mul3A_2, %mul3A_331 : i32
        %multiple_of3A_333 = tpu.assume_multiple %add3A_332, 8 : i32
        %dma_start3A_334 = arith.constant 0 : i32
        %dma_start3A_335 = tpu.memref_slice %arg3[%dma_start3A_334, %multiple_of3A_333] : memref<2x320000xi32, #tpu.memory_space<hbm>> -> memref<1x80xi32, #tpu.memory_space<hbm>>
        %dma_start3A_336 = tpu.memref_squeeze %dma_start3A_335 : memref<1x80xi32, #tpu.memory_space<hbm>> -> memref<80xi32, #tpu.memory_space<hbm>>
        %dma_start3A_337 = tpu.memref_slice %arg3[%dma_start3A_334, %multiple_of3A_333] : memref<2x320000xi32, #tpu.memory_space<hbm>> -> memref<1x80xi32, #tpu.memory_space<hbm>>
        %dma_start3A_338 = tpu.memref_squeeze %dma_start3A_337 : memref<1x80xi32, #tpu.memory_space<hbm>> -> memref<80xi32, #tpu.memory_space<hbm>>
        tpu.enqueue_dma source(%dma_start3A_338 : memref<80xi32, #tpu.memory_space<hbm>>) target(%arg10 : memref<80xi32, #tpu.memory_space<vmem>>) target_semaphore(%arg21 : memref<!tpu.dma_semaphore, #tpu.memory_space<semaphore_mem>>)
        %dma_start3A_339 = arith.constant 1 : i32
        %dma_start3A_340 = tpu.memref_slice %arg3[%dma_start3A_339, %multiple_of3A_333] : memref<2x320000xi32, #tpu.memory_space<hbm>> -> memref<1x80xi32, #tpu.memory_space<hbm>>
        %dma_start3A_341 = tpu.memref_squeeze %dma_start3A_340 : memref<1x80xi32, #tpu.memory_space<hbm>> -> memref<80xi32, #tpu.memory_space<hbm>>
        %dma_start3A_342 = tpu.memref_slice %arg3[%dma_start3A_339, %multiple_of3A_333] : memref<2x320000xi32, #tpu.memory_space<hbm>> -> memref<1x80xi32, #tpu.memory_space<hbm>>
        %dma_start3A_343 = tpu.memref_squeeze %dma_start3A_342 : memref<1x80xi32, #tpu.memory_space<hbm>> -> memref<80xi32, #tpu.memory_space<hbm>>
        tpu.enqueue_dma source(%dma_start3A_343 : memref<80xi32, #tpu.memory_space<hbm>>) target(%arg14 : memref<80xi32, #tpu.memory_space<vmem>>) target_semaphore(%arg21 : memref<!tpu.dma_semaphore, #tpu.memory_space<semaphore_mem>>)
      } else {
      }
      %mul3A_232 = arith.constant 4 : i32
      %mul3A_233 = arith.muli %scan3A_138, %mul3A_232 : i32
      %add3A_234 = arith.constant 2 : i32
      %add3A_235 = arith.addi %mul3A_233, %add3A_234 : i32
      %dma_wait3A_236 = arith.constant 0 : i32
      %dma_wait3A_237 = arith.constant 0 : i32
      %dma_wait3A_238 = tpu.memref_slice %arg2[%dma_wait3A_236, %dma_wait3A_237] : memref<10000x128xf32, #tpu.memory_space<hbm>> -> memref<10000x128xf32, #tpu.memory_space<hbm>>
      tpu.wait_indirect_dma semaphore(%arg24 : memref<!tpu.dma_semaphore, #tpu.memory_space<semaphore_mem>>) src(%dma_wait3A_238 : memref<10000x128xf32, #tpu.memory_space<hbm>>) dst(%arg17 : memref<80x128xf32, #tpu.memory_space<vmem>>)
      %dma_start3A_239 = arith.constant 0 : i32
      %dma_start3A_240 = arith.constant 0 : i32
      %dma_start3A_241 = tpu.memref_slice %arg19[%dma_start3A_239, %dma_start3A_240] : memref<10112x128xf32, #tpu.memory_space<vmem_shared>> -> memref<10112x128xf32, #tpu.memory_space<vmem_shared>>
      tpu.enqueue_indirect_dma source(%arg17 : memref<80x128xf32, #tpu.memory_space<vmem>>) target(%dma_start3A_241 : memref<10112x128xf32, #tpu.memory_space<vmem_shared>>) offsets(%arg15 : memref<80xi32, #tpu.memory_space<vmem>>) semaphore(%arg26 : memref<!tpu.dma_semaphore, #tpu.memory_space<semaphore_mem>>) {add = true}
      %mul3A_242 = arith.constant 80 : i32
      %mul3A_243 = arith.muli %add3A_235, %mul3A_242 : i32
      %add3A_244 = arith.addi %mul3A_2, %mul3A_243 : i32
      %multiple_of3A_245 = tpu.assume_multiple %add3A_244, 8 : i32
      %dma_wait3A_246 = arith.constant 0 : i32
      %dma_wait3A_247 = tpu.memref_slice %arg4[%dma_wait3A_246, %multiple_of3A_245] : memref<16x320000xf32, #tpu.memory_space<hbm>> -> memref<16x80xf32, #tpu.memory_space<hbm>>
      %dma_wait3A_248 = arith.constant 0 : i32
      %dma_wait3A_249 = tpu.memref_slice %arg4[%dma_wait3A_248, %multiple_of3A_245] : memref<16x320000xf32, #tpu.memory_space<hbm>> -> memref<16x80xf32, #tpu.memory_space<hbm>>
      tpu.wait_dma2 semaphore(%arg33 : memref<!tpu.dma_semaphore, #tpu.memory_space<semaphore_mem>>) src(%dma_wait3A_249 : memref<16x80xf32, #tpu.memory_space<hbm>>) dst(%arg28 : memref<16x80xf32, #tpu.memory_space<vmem>>)
      %scan3A_250 = arith.constant 0 : i32
      %scan3A_251 = arith.constant 0 : i32
      %scan3A_252 = arith.constant 80 : i32
      %scan3A_253 = arith.addi %scan3A_251, %scan3A_252 : i32
      %scan3A_254 = arith.constant 1 : i32
      scf.for %scan3A_328 = %scan3A_251 to %scan3A_253 step %scan3A_254  : i32 {
        %broadcast_in_dim3A = vector.broadcast %scan3A_328 : i32 to vector<16xi32>
        %gather3A = tpu.vector_load_idx %arg28[%iota3A, %broadcast_in_dim3A] : memref<16x80xf32, #tpu.memory_space<vmem>>[vector<16xi32>, vector<16xi32>], vector<16xf32>,
        %swap3A = arith.index_cast %scan3A_328 : i32 to index
        %swap3A_329 = arith.constant 0 : index
        %swap3A_330 = tpu.vector_load %arg30[%swap3A, %swap3A_329] {strides = array<i32>} : memref<80x16xf32, #tpu.memory_space<vmem>>, vector<16xf32>,
        tpu.vector_store %arg30[%swap3A, %swap3A_329], %gather3A {strides = array<i32>} : memref<80x16xf32, #tpu.memory_space<vmem>>, vector<16xf32>,
      }
      %scan3A_255 = arith.constant 80 : i32
      "tpu.region"() ({
        %run_scoped3A = tpu.sem_alloc : memref<!tpu.dma_semaphore, #tpu.memory_space<semaphore_mem>>
        %dma_start3A_328 = arith.constant 0 : i32
        %dma_start3A_329 = arith.constant 0 : i32
        %dma_start3A_330 = tpu.memref_slice %arg32[%dma_start3A_328, %dma_start3A_329] : memref<10112x16xf32, #tpu.memory_space<vmem_shared>> -> memref<10112x16xf32, #tpu.memory_space<vmem_shared>>
        tpu.enqueue_indirect_dma source(%arg30 : memref<80x16xf32, #tpu.memory_space<vmem>>) target(%dma_start3A_330 : memref<10112x16xf32, #tpu.memory_space<vmem_shared>>) offsets(%arg15 : memref<80xi32, #tpu.memory_space<vmem>>) semaphore(%run_scoped3A : memref<!tpu.dma_semaphore, #tpu.memory_space<semaphore_mem>>) {add = true}
        %dma_wait3A_331 = arith.constant 0 : i32
        %dma_wait3A_332 = arith.constant 0 : i32
        %dma_wait3A_333 = tpu.memref_slice %arg32[%dma_wait3A_331, %dma_wait3A_332] : memref<10112x16xf32, #tpu.memory_space<vmem_shared>> -> memref<10112x16xf32, #tpu.memory_space<vmem_shared>>
        tpu.wait_indirect_dma semaphore(%run_scoped3A : memref<!tpu.dma_semaphore, #tpu.memory_space<semaphore_mem>>) src(%arg30 : memref<80x16xf32, #tpu.memory_space<vmem>>) dst(%dma_wait3A_333 : memref<10112x16xf32, #tpu.memory_space<vmem_shared>>)
        tpu.yield
      }) : () -> ()
      %add3A_256 = arith.constant 2 : i32
      %add3A_257 = arith.addi %add3A_235, %add3A_256 : i32
      %lt3A_258 = arith.constant 125 : i32
      %lt3A_259 = arith.cmpi slt, %add3A_257, %lt3A_258 : i32
      %convert_element_type3A_260 = arith.extui %lt3A_259 : i1 to i32
      %cond3A_261 = arith.constant 0 : i32
      %cond3A_262 = arith.cmpi ne, %convert_element_type3A_260, %cond3A_261 : i32
      scf.if %cond3A_262 {
        %add3A_328 = arith.constant 2 : i32
        %add3A_329 = arith.addi %add3A_235, %add3A_328 : i32
        %mul3A_330 = arith.constant 80 : i32
        %mul3A_331 = arith.muli %add3A_329, %mul3A_330 : i32
        %add3A_332 = arith.addi %mul3A_2, %mul3A_331 : i32
        %multiple_of3A_333 = tpu.assume_multiple %add3A_332, 8 : i32
        %dma_start3A_334 = arith.constant 0 : i32
        %dma_start3A_335 = tpu.memref_slice %arg4[%dma_start3A_334, %multiple_of3A_333] : memref<16x320000xf32, #tpu.memory_space<hbm>> -> memref<16x80xf32, #tpu.memory_space<hbm>>
        %dma_start3A_336 = arith.constant 0 : i32
        %dma_start3A_337 = tpu.memref_slice %arg4[%dma_start3A_336, %multiple_of3A_333] : memref<16x320000xf32, #tpu.memory_space<hbm>> -> memref<16x80xf32, #tpu.memory_space<hbm>>
        tpu.enqueue_dma source(%dma_start3A_337 : memref<16x80xf32, #tpu.memory_space<hbm>>) target(%arg28 : memref<16x80xf32, #tpu.memory_space<vmem>>) target_semaphore(%arg33 : memref<!tpu.dma_semaphore, #tpu.memory_space<semaphore_mem>>)
      } else {
      }
      %dma_wait3A_263 = arith.constant 0 : i32
      %dma_wait3A_264 = arith.constant 0 : i32
      %dma_wait3A_265 = tpu.memref_slice %arg19[%dma_wait3A_263, %dma_wait3A_264] : memref<10112x128xf32, #tpu.memory_space<vmem_shared>> -> memref<10112x128xf32, #tpu.memory_space<vmem_shared>>
      tpu.wait_indirect_dma semaphore(%arg26 : memref<!tpu.dma_semaphore, #tpu.memory_space<semaphore_mem>>) src(%arg17 : memref<80x128xf32, #tpu.memory_space<vmem>>) dst(%dma_wait3A_265 : memref<10112x128xf32, #tpu.memory_space<vmem_shared>>)
      %add3A_266 = arith.constant 2 : i32
      %add3A_267 = arith.addi %add3A_235, %add3A_266 : i32
      %lt3A_268 = arith.constant 125 : i32
      %lt3A_269 = arith.cmpi slt, %add3A_267, %lt3A_268 : i32
      %convert_element_type3A_270 = arith.extui %lt3A_269 : i1 to i32
      %cond3A_271 = arith.constant 0 : i32
      %cond3A_272 = arith.cmpi ne, %convert_element_type3A_270, %cond3A_271 : i32
      scf.if %cond3A_272 {
        %add3A_328 = arith.constant 2 : i32
        %add3A_329 = arith.addi %add3A_235, %add3A_328 : i32
        %mul3A_330 = arith.constant 80 : i32
        %mul3A_331 = arith.muli %add3A_329, %mul3A_330 : i32
        %add3A_332 = arith.addi %mul3A_2, %mul3A_331 : i32
        %multiple_of3A_333 = tpu.assume_multiple %add3A_332, 8 : i32
        %dma_wait3A_334 = arith.constant 0 : i32
        %dma_wait3A_335 = tpu.memref_slice %arg3[%dma_wait3A_334, %multiple_of3A_333] : memref<2x320000xi32, #tpu.memory_space<hbm>> -> memref<1x80xi32, #tpu.memory_space<hbm>>
        %dma_wait3A_336 = tpu.memref_squeeze %dma_wait3A_335 : memref<1x80xi32, #tpu.memory_space<hbm>> -> memref<80xi32, #tpu.memory_space<hbm>>
        %dma_wait3A_337 = tpu.memref_slice %arg3[%dma_wait3A_334, %multiple_of3A_333] : memref<2x320000xi32, #tpu.memory_space<hbm>> -> memref<1x80xi32, #tpu.memory_space<hbm>>
        %dma_wait3A_338 = tpu.memref_squeeze %dma_wait3A_337 : memref<1x80xi32, #tpu.memory_space<hbm>> -> memref<80xi32, #tpu.memory_space<hbm>>
        tpu.wait_dma2 semaphore(%arg20 : memref<!tpu.dma_semaphore, #tpu.memory_space<semaphore_mem>>) src(%dma_wait3A_338 : memref<80xi32, #tpu.memory_space<hbm>>) dst(%arg9 : memref<80xi32, #tpu.memory_space<vmem>>)
        %dma_wait3A_339 = arith.constant 1 : i32
        %dma_wait3A_340 = tpu.memref_slice %arg3[%dma_wait3A_339, %multiple_of3A_333] : memref<2x320000xi32, #tpu.memory_space<hbm>> -> memref<1x80xi32, #tpu.memory_space<hbm>>
        %dma_wait3A_341 = tpu.memref_squeeze %dma_wait3A_340 : memref<1x80xi32, #tpu.memory_space<hbm>> -> memref<80xi32, #tpu.memory_space<hbm>>
        %dma_wait3A_342 = tpu.memref_slice %arg3[%dma_wait3A_339, %multiple_of3A_333] : memref<2x320000xi32, #tpu.memory_space<hbm>> -> memref<1x80xi32, #tpu.memory_space<hbm>>
        %dma_wait3A_343 = tpu.memref_squeeze %dma_wait3A_342 : memref<1x80xi32, #tpu.memory_space<hbm>> -> memref<80xi32, #tpu.memory_space<hbm>>
        tpu.wait_dma2 semaphore(%arg20 : memref<!tpu.dma_semaphore, #tpu.memory_space<semaphore_mem>>) src(%dma_wait3A_343 : memref<80xi32, #tpu.memory_space<hbm>>) dst(%arg13 : memref<80xi32, #tpu.memory_space<vmem>>)
        %add3A_344 = arith.constant 2 : i32
        %add3A_345 = arith.addi %add3A_235, %add3A_344 : i32
        %dma_start3A_346 = arith.constant 0 : i32
        %dma_start3A_347 = arith.constant 0 : i32
        %dma_start3A_348 = tpu.memref_slice %arg2[%dma_start3A_346, %dma_start3A_347] : memref<10000x128xf32, #tpu.memory_space<hbm>> -> memref<10000x128xf32, #tpu.memory_space<hbm>>
        tpu.enqueue_indirect_dma source(%dma_start3A_348 : memref<10000x128xf32, #tpu.memory_space<hbm>>) target(%arg17 : memref<80x128xf32, #tpu.memory_space<vmem>>) offsets(%arg9 : memref<80xi32, #tpu.memory_space<vmem>>) semaphore(%arg24 : memref<!tpu.dma_semaphore, #tpu.memory_space<semaphore_mem>>)
      } else {
      }
      %add3A_273 = arith.constant 4 : i32
      %add3A_274 = arith.addi %add3A_235, %add3A_273 : i32
      %lt3A_275 = arith.constant 125 : i32
      %lt3A_276 = arith.cmpi slt, %add3A_274, %lt3A_275 : i32
      %convert_element_type3A_277 = arith.extui %lt3A_276 : i1 to i32
      %cond3A_278 = arith.constant 0 : i32
      %cond3A_279 = arith.cmpi ne, %convert_element_type3A_277, %cond3A_278 : i32
      scf.if %cond3A_279 {
        %add3A_328 = arith.constant 4 : i32
        %add3A_329 = arith.addi %add3A_235, %add3A_328 : i32
        %mul3A_330 = arith.constant 80 : i32
        %mul3A_331 = arith.muli %add3A_329, %mul3A_330 : i32
        %add3A_332 = arith.addi %mul3A_2, %mul3A_331 : i32
        %multiple_of3A_333 = tpu.assume_multiple %add3A_332, 8 : i32
        %dma_start3A_334 = arith.constant 0 : i32
        %dma_start3A_335 = tpu.memref_slice %arg3[%dma_start3A_334, %multiple_of3A_333] : memref<2x320000xi32, #tpu.memory_space<hbm>> -> memref<1x80xi32, #tpu.memory_space<hbm>>
        %dma_start3A_336 = tpu.memref_squeeze %dma_start3A_335 : memref<1x80xi32, #tpu.memory_space<hbm>> -> memref<80xi32, #tpu.memory_space<hbm>>
        %dma_start3A_337 = tpu.memref_slice %arg3[%dma_start3A_334, %multiple_of3A_333] : memref<2x320000xi32, #tpu.memory_space<hbm>> -> memref<1x80xi32, #tpu.memory_space<hbm>>
        %dma_start3A_338 = tpu.memref_squeeze %dma_start3A_337 : memref<1x80xi32, #tpu.memory_space<hbm>> -> memref<80xi32, #tpu.memory_space<hbm>>
        tpu.enqueue_dma source(%dma_start3A_338 : memref<80xi32, #tpu.memory_space<hbm>>) target(%arg11 : memref<80xi32, #tpu.memory_space<vmem>>) target_semaphore(%arg22 : memref<!tpu.dma_semaphore, #tpu.memory_space<semaphore_mem>>)
        %dma_start3A_339 = arith.constant 1 : i32
        %dma_start3A_340 = tpu.memref_slice %arg3[%dma_start3A_339, %multiple_of3A_333] : memref<2x320000xi32, #tpu.memory_space<hbm>> -> memref<1x80xi32, #tpu.memory_space<hbm>>
        %dma_start3A_341 = tpu.memref_squeeze %dma_start3A_340 : memref<1x80xi32, #tpu.memory_space<hbm>> -> memref<80xi32, #tpu.memory_space<hbm>>
        %dma_start3A_342 = tpu.memref_slice %arg3[%dma_start3A_339, %multiple_of3A_333] : memref<2x320000xi32, #tpu.memory_space<hbm>> -> memref<1x80xi32, #tpu.memory_space<hbm>>
        %dma_start3A_343 = tpu.memref_squeeze %dma_start3A_342 : memref<1x80xi32, #tpu.memory_space<hbm>> -> memref<80xi32, #tpu.memory_space<hbm>>
        tpu.enqueue_dma source(%dma_start3A_343 : memref<80xi32, #tpu.memory_space<hbm>>) target(%arg15 : memref<80xi32, #tpu.memory_space<vmem>>) target_semaphore(%arg22 : memref<!tpu.dma_semaphore, #tpu.memory_space<semaphore_mem>>)
      } else {
      }
      %mul3A_280 = arith.constant 4 : i32
      %mul3A_281 = arith.muli %scan3A_138, %mul3A_280 : i32
      %add3A_282 = arith.constant 3 : i32
      %add3A_283 = arith.addi %mul3A_281, %add3A_282 : i32
      %dma_wait3A_284 = arith.constant 0 : i32
      %dma_wait3A_285 = arith.constant 0 : i32
      %dma_wait3A_286 = tpu.memref_slice %arg2[%dma_wait3A_284, %dma_wait3A_285] : memref<10000x128xf32, #tpu.memory_space<hbm>> -> memref<10000x128xf32, #tpu.memory_space<hbm>>
      tpu.wait_indirect_dma semaphore(%arg25 : memref<!tpu.dma_semaphore, #tpu.memory_space<semaphore_mem>>) src(%dma_wait3A_286 : memref<10000x128xf32, #tpu.memory_space<hbm>>) dst(%arg18 : memref<80x128xf32, #tpu.memory_space<vmem>>)
      %dma_start3A_287 = arith.constant 0 : i32
      %dma_start3A_288 = arith.constant 0 : i32
      %dma_start3A_289 = tpu.memref_slice %arg19[%dma_start3A_287, %dma_start3A_288] : memref<10112x128xf32, #tpu.memory_space<vmem_shared>> -> memref<10112x128xf32, #tpu.memory_space<vmem_shared>>
      tpu.enqueue_indirect_dma source(%arg18 : memref<80x128xf32, #tpu.memory_space<vmem>>) target(%dma_start3A_289 : memref<10112x128xf32, #tpu.memory_space<vmem_shared>>) offsets(%arg16 : memref<80xi32, #tpu.memory_space<vmem>>) semaphore(%arg27 : memref<!tpu.dma_semaphore, #tpu.memory_space<semaphore_mem>>) {add = true}
      %mul3A_290 = arith.constant 80 : i32
      %mul3A_291 = arith.muli %add3A_283, %mul3A_290 : i32
      %add3A_292 = arith.addi %mul3A_2, %mul3A_291 : i32
      %multiple_of3A_293 = tpu.assume_multiple %add3A_292, 8 : i32
      %dma_wait3A_294 = arith.constant 0 : i32
      %dma_wait3A_295 = tpu.memref_slice %arg4[%dma_wait3A_294, %multiple_of3A_293] : memref<16x320000xf32, #tpu.memory_space<hbm>> -> memref<16x80xf32, #tpu.memory_space<hbm>>
      %dma_wait3A_296 = arith.constant 0 : i32
      %dma_wait3A_297 = tpu.memref_slice %arg4[%dma_wait3A_296, %multiple_of3A_293] : memref<16x320000xf32, #tpu.memory_space<hbm>> -> memref<16x80xf32, #tpu.memory_space<hbm>>
      tpu.wait_dma2 semaphore(%arg34 : memref<!tpu.dma_semaphore, #tpu.memory_space<semaphore_mem>>) src(%dma_wait3A_297 : memref<16x80xf32, #tpu.memory_space<hbm>>) dst(%arg29 : memref<16x80xf32, #tpu.memory_space<vmem>>)
      %scan3A_298 = arith.constant 0 : i32
      %scan3A_299 = arith.constant 0 : i32
      %scan3A_300 = arith.constant 80 : i32
      %scan3A_301 = arith.addi %scan3A_299, %scan3A_300 : i32
      %scan3A_302 = arith.constant 1 : i32
      scf.for %scan3A_328 = %scan3A_299 to %scan3A_301 step %scan3A_302  : i32 {
        %broadcast_in_dim3A = vector.broadcast %scan3A_328 : i32 to vector<16xi32>
        %gather3A = tpu.vector_load_idx %arg29[%iota3A, %broadcast_in_dim3A] : memref<16x80xf32, #tpu.memory_space<vmem>>[vector<16xi32>, vector<16xi32>], vector<16xf32>,
        %swap3A = arith.index_cast %scan3A_328 : i32 to index
        %swap3A_329 = arith.constant 0 : index
        %swap3A_330 = tpu.vector_load %arg31[%swap3A, %swap3A_329] {strides = array<i32>} : memref<80x16xf32, #tpu.memory_space<vmem>>, vector<16xf32>,
        tpu.vector_store %arg31[%swap3A, %swap3A_329], %gather3A {strides = array<i32>} : memref<80x16xf32, #tpu.memory_space<vmem>>, vector<16xf32>,
      }
      %scan3A_303 = arith.constant 80 : i32
      "tpu.region"() ({
        %run_scoped3A = tpu.sem_alloc : memref<!tpu.dma_semaphore, #tpu.memory_space<semaphore_mem>>
        %dma_start3A_328 = arith.constant 0 : i32
        %dma_start3A_329 = arith.constant 0 : i32
        %dma_start3A_330 = tpu.memref_slice %arg32[%dma_start3A_328, %dma_start3A_329] : memref<10112x16xf32, #tpu.memory_space<vmem_shared>> -> memref<10112x16xf32, #tpu.memory_space<vmem_shared>>
        tpu.enqueue_indirect_dma source(%arg31 : memref<80x16xf32, #tpu.memory_space<vmem>>) target(%dma_start3A_330 : memref<10112x16xf32, #tpu.memory_space<vmem_shared>>) offsets(%arg16 : memref<80xi32, #tpu.memory_space<vmem>>) semaphore(%run_scoped3A : memref<!tpu.dma_semaphore, #tpu.memory_space<semaphore_mem>>) {add = true}
        %dma_wait3A_331 = arith.constant 0 : i32
        %dma_wait3A_332 = arith.constant 0 : i32
        %dma_wait3A_333 = tpu.memref_slice %arg32[%dma_wait3A_331, %dma_wait3A_332] : memref<10112x16xf32, #tpu.memory_space<vmem_shared>> -> memref<10112x16xf32, #tpu.memory_space<vmem_shared>>
        tpu.wait_indirect_dma semaphore(%run_scoped3A : memref<!tpu.dma_semaphore, #tpu.memory_space<semaphore_mem>>) src(%arg31 : memref<80x16xf32, #tpu.memory_space<vmem>>) dst(%dma_wait3A_333 : memref<10112x16xf32, #tpu.memory_space<vmem_shared>>)
        tpu.yield
      }) : () -> ()
      %add3A_304 = arith.constant 2 : i32
      %add3A_305 = arith.addi %add3A_283, %add3A_304 : i32
      %lt3A_306 = arith.constant 125 : i32
      %lt3A_307 = arith.cmpi slt, %add3A_305, %lt3A_306 : i32
      %convert_element_type3A_308 = arith.extui %lt3A_307 : i1 to i32
      %cond3A_309 = arith.constant 0 : i32
      %cond3A_310 = arith.cmpi ne, %convert_element_type3A_308, %cond3A_309 : i32
      scf.if %cond3A_310 {
        %add3A_328 = arith.constant 2 : i32
        %add3A_329 = arith.addi %add3A_283, %add3A_328 : i32
        %mul3A_330 = arith.constant 80 : i32
        %mul3A_331 = arith.muli %add3A_329, %mul3A_330 : i32
        %add3A_332 = arith.addi %mul3A_2, %mul3A_331 : i32
        %multiple_of3A_333 = tpu.assume_multiple %add3A_332, 8 : i32
        %dma_start3A_334 = arith.constant 0 : i32
        %dma_start3A_335 = tpu.memref_slice %arg4[%dma_start3A_334, %multiple_of3A_333] : memref<16x320000xf32, #tpu.memory_space<hbm>> -> memref<16x80xf32, #tpu.memory_space<hbm>>
        %dma_start3A_336 = arith.constant 0 : i32
        %dma_start3A_337 = tpu.memref_slice %arg4[%dma_start3A_336, %multiple_of3A_333] : memref<16x320000xf32, #tpu.memory_space<hbm>> -> memref<16x80xf32, #tpu.memory_space<hbm>>
        tpu.enqueue_dma source(%dma_start3A_337 : memref<16x80xf32, #tpu.memory_space<hbm>>) target(%arg29 : memref<16x80xf32, #tpu.memory_space<vmem>>) target_semaphore(%arg34 : memref<!tpu.dma_semaphore, #tpu.memory_space<semaphore_mem>>)
      } else {
      }
      %dma_wait3A_311 = arith.constant 0 : i32
      %dma_wait3A_312 = arith.constant 0 : i32
      %dma_wait3A_313 = tpu.memref_slice %arg19[%dma_wait3A_311, %dma_wait3A_312] : memref<10112x128xf32, #tpu.memory_space<vmem_shared>> -> memref<10112x128xf32, #tpu.memory_space<vmem_shared>>
      tpu.wait_indirect_dma semaphore(%arg27 : memref<!tpu.dma_semaphore, #tpu.memory_space<semaphore_mem>>) src(%arg18 : memref<80x128xf32, #tpu.memory_space<vmem>>) dst(%dma_wait3A_313 : memref<10112x128xf32, #tpu.memory_space<vmem_shared>>)
      %add3A_314 = arith.constant 2 : i32
      %add3A_315 = arith.addi %add3A_283, %add3A_314 : i32
      %lt3A_316 = arith.constant 125 : i32
      %lt3A_317 = arith.cmpi slt, %add3A_315, %lt3A_316 : i32
      %convert_element_type3A_318 = arith.extui %lt3A_317 : i1 to i32
      %cond3A_319 = arith.constant 0 : i32
      %cond3A_320 = arith.cmpi ne, %convert_element_type3A_318, %cond3A_319 : i32
      scf.if %cond3A_320 {
        %add3A_328 = arith.constant 2 : i32
        %add3A_329 = arith.addi %add3A_283, %add3A_328 : i32
        %mul3A_330 = arith.constant 80 : i32
        %mul3A_331 = arith.muli %add3A_329, %mul3A_330 : i32
        %add3A_332 = arith.addi %mul3A_2, %mul3A_331 : i32
        %multiple_of3A_333 = tpu.assume_multiple %add3A_332, 8 : i32
        %dma_wait3A_334 = arith.constant 0 : i32
        %dma_wait3A_335 = tpu.memref_slice %arg3[%dma_wait3A_334, %multiple_of3A_333] : memref<2x320000xi32, #tpu.memory_space<hbm>> -> memref<1x80xi32, #tpu.memory_space<hbm>>
        %dma_wait3A_336 = tpu.memref_squeeze %dma_wait3A_335 : memref<1x80xi32, #tpu.memory_space<hbm>> -> memref<80xi32, #tpu.memory_space<hbm>>
        %dma_wait3A_337 = tpu.memref_slice %arg3[%dma_wait3A_334, %multiple_of3A_333] : memref<2x320000xi32, #tpu.memory_space<hbm>> -> memref<1x80xi32, #tpu.memory_space<hbm>>
        %dma_wait3A_338 = tpu.memref_squeeze %dma_wait3A_337 : memref<1x80xi32, #tpu.memory_space<hbm>> -> memref<80xi32, #tpu.memory_space<hbm>>
        tpu.wait_dma2 semaphore(%arg21 : memref<!tpu.dma_semaphore, #tpu.memory_space<semaphore_mem>>) src(%dma_wait3A_338 : memref<80xi32, #tpu.memory_space<hbm>>) dst(%arg10 : memref<80xi32, #tpu.memory_space<vmem>>)
        %dma_wait3A_339 = arith.constant 1 : i32
        %dma_wait3A_340 = tpu.memref_slice %arg3[%dma_wait3A_339, %multiple_of3A_333] : memref<2x320000xi32, #tpu.memory_space<hbm>> -> memref<1x80xi32, #tpu.memory_space<hbm>>
        %dma_wait3A_341 = tpu.memref_squeeze %dma_wait3A_340 : memref<1x80xi32, #tpu.memory_space<hbm>> -> memref<80xi32, #tpu.memory_space<hbm>>
        %dma_wait3A_342 = tpu.memref_slice %arg3[%dma_wait3A_339, %multiple_of3A_333] : memref<2x320000xi32, #tpu.memory_space<hbm>> -> memref<1x80xi32, #tpu.memory_space<hbm>>
        %dma_wait3A_343 = tpu.memref_squeeze %dma_wait3A_342 : memref<1x80xi32, #tpu.memory_space<hbm>> -> memref<80xi32, #tpu.memory_space<hbm>>
        tpu.wait_dma2 semaphore(%arg21 : memref<!tpu.dma_semaphore, #tpu.memory_space<semaphore_mem>>) src(%dma_wait3A_343 : memref<80xi32, #tpu.memory_space<hbm>>) dst(%arg14 : memref<80xi32, #tpu.memory_space<vmem>>)
        %add3A_344 = arith.constant 2 : i32
        %add3A_345 = arith.addi %add3A_283, %add3A_344 : i32
        %dma_start3A_346 = arith.constant 0 : i32
        %dma_start3A_347 = arith.constant 0 : i32
        %dma_start3A_348 = tpu.memref_slice %arg2[%dma_start3A_346, %dma_start3A_347] : memref<10000x128xf32, #tpu.memory_space<hbm>> -> memref<10000x128xf32, #tpu.memory_space<hbm>>
        tpu.enqueue_indirect_dma source(%dma_start3A_348 : memref<10000x128xf32, #tpu.memory_space<hbm>>) target(%arg18 : memref<80x128xf32, #tpu.memory_space<vmem>>) offsets(%arg10 : memref<80xi32, #tpu.memory_space<vmem>>) semaphore(%arg25 : memref<!tpu.dma_semaphore, #tpu.memory_space<semaphore_mem>>)
      } else {
      }
      %add3A_321 = arith.constant 4 : i32
      %add3A_322 = arith.addi %add3A_283, %add3A_321 : i32
      %lt3A_323 = arith.constant 125 : i32
      %lt3A_324 = arith.cmpi slt, %add3A_322, %lt3A_323 : i32
      %convert_element_type3A_325 = arith.extui %lt3A_324 : i1 to i32
      %cond3A_326 = arith.constant 0 : i32
      %cond3A_327 = arith.cmpi ne, %convert_element_type3A_325, %cond3A_326 : i32
      scf.if %cond3A_327 {
        %add3A_328 = arith.constant 4 : i32
        %add3A_329 = arith.addi %add3A_283, %add3A_328 : i32
        %mul3A_330 = arith.constant 80 : i32
        %mul3A_331 = arith.muli %add3A_329, %mul3A_330 : i32
        %add3A_332 = arith.addi %mul3A_2, %mul3A_331 : i32
        %multiple_of3A_333 = tpu.assume_multiple %add3A_332, 8 : i32
        %dma_start3A_334 = arith.constant 0 : i32
        %dma_start3A_335 = tpu.memref_slice %arg3[%dma_start3A_334, %multiple_of3A_333] : memref<2x320000xi32, #tpu.memory_space<hbm>> -> memref<1x80xi32, #tpu.memory_space<hbm>>
        %dma_start3A_336 = tpu.memref_squeeze %dma_start3A_335 : memref<1x80xi32, #tpu.memory_space<hbm>> -> memref<80xi32, #tpu.memory_space<hbm>>
        %dma_start3A_337 = tpu.memref_slice %arg3[%dma_start3A_334, %multiple_of3A_333] : memref<2x320000xi32, #tpu.memory_space<hbm>> -> memref<1x80xi32, #tpu.memory_space<hbm>>
        %dma_start3A_338 = tpu.memref_squeeze %dma_start3A_337 : memref<1x80xi32, #tpu.memory_space<hbm>> -> memref<80xi32, #tpu.memory_space<hbm>>
        tpu.enqueue_dma source(%dma_start3A_338 : memref<80xi32, #tpu.memory_space<hbm>>) target(%arg12 : memref<80xi32, #tpu.memory_space<vmem>>) target_semaphore(%arg23 : memref<!tpu.dma_semaphore, #tpu.memory_space<semaphore_mem>>)
        %dma_start3A_339 = arith.constant 1 : i32
        %dma_start3A_340 = tpu.memref_slice %arg3[%dma_start3A_339, %multiple_of3A_333] : memref<2x320000xi32, #tpu.memory_space<hbm>> -> memref<1x80xi32, #tpu.memory_space<hbm>>
        %dma_start3A_341 = tpu.memref_squeeze %dma_start3A_340 : memref<1x80xi32, #tpu.memory_space<hbm>> -> memref<80xi32, #tpu.memory_space<hbm>>
        %dma_start3A_342 = tpu.memref_slice %arg3[%dma_start3A_339, %multiple_of3A_333] : memref<2x320000xi32, #tpu.memory_space<hbm>> -> memref<1x80xi32, #tpu.memory_space<hbm>>
        %dma_start3A_343 = tpu.memref_squeeze %dma_start3A_342 : memref<1x80xi32, #tpu.memory_space<hbm>> -> memref<80xi32, #tpu.memory_space<hbm>>
        tpu.enqueue_dma source(%dma_start3A_343 : memref<80xi32, #tpu.memory_space<hbm>>) target(%arg16 : memref<80xi32, #tpu.memory_space<vmem>>) target_semaphore(%arg23 : memref<!tpu.dma_semaphore, #tpu.memory_space<semaphore_mem>>)
      } else {
      }
    }
    %scan3A_106 = arith.constant 31 : i32
    %dma_wait3A_107 = arith.constant 0 : i32
    %dma_wait3A_108 = arith.constant 0 : i32
    %dma_wait3A_109 = tpu.memref_slice %arg2[%dma_wait3A_107, %dma_wait3A_108] : memref<10000x128xf32, #tpu.memory_space<hbm>> -> memref<10000x128xf32, #tpu.memory_space<hbm>>
    tpu.wait_indirect_dma semaphore(%arg24 : memref<!tpu.dma_semaphore, #tpu.memory_space<semaphore_mem>>) src(%dma_wait3A_109 : memref<10000x128xf32, #tpu.memory_space<hbm>>) dst(%arg17 : memref<80x128xf32, #tpu.memory_space<vmem>>)
    %dma_start3A_110 = arith.constant 0 : i32
    %dma_start3A_111 = arith.constant 0 : i32
    %dma_start3A_112 = tpu.memref_slice %arg19[%dma_start3A_110, %dma_start3A_111] : memref<10112x128xf32, #tpu.memory_space<vmem_shared>> -> memref<10112x128xf32, #tpu.memory_space<vmem_shared>>
    tpu.enqueue_indirect_dma source(%arg17 : memref<80x128xf32, #tpu.memory_space<vmem>>) target(%dma_start3A_112 : memref<10112x128xf32, #tpu.memory_space<vmem_shared>>) offsets(%arg13 : memref<80xi32, #tpu.memory_space<vmem>>) semaphore(%arg26 : memref<!tpu.dma_semaphore, #tpu.memory_space<semaphore_mem>>) {add = true}
    %add3A_113 = arith.constant 9920 : i32
    %add3A_114 = arith.addi %mul3A_2, %add3A_113 : i32
    %multiple_of3A_115 = tpu.assume_multiple %add3A_114, 8 : i32
    %dma_wait3A_116 = arith.constant 0 : i32
    %dma_wait3A_117 = tpu.memref_slice %arg4[%dma_wait3A_116, %multiple_of3A_115] : memref<16x320000xf32, #tpu.memory_space<hbm>> -> memref<16x80xf32, #tpu.memory_space<hbm>>
    %dma_wait3A_118 = arith.constant 0 : i32
    %dma_wait3A_119 = tpu.memref_slice %arg4[%dma_wait3A_118, %multiple_of3A_115] : memref<16x320000xf32, #tpu.memory_space<hbm>> -> memref<16x80xf32, #tpu.memory_space<hbm>>
    tpu.wait_dma2 semaphore(%arg33 : memref<!tpu.dma_semaphore, #tpu.memory_space<semaphore_mem>>) src(%dma_wait3A_119 : memref<16x80xf32, #tpu.memory_space<hbm>>) dst(%arg28 : memref<16x80xf32, #tpu.memory_space<vmem>>)
    %scan3A_120 = arith.constant 0 : i32
    %scan3A_121 = arith.constant 0 : i32
    %scan3A_122 = arith.constant 80 : i32
    %scan3A_123 = arith.addi %scan3A_121, %scan3A_122 : i32
    %scan3A_124 = arith.constant 1 : i32
    scf.for %scan3A_138 = %scan3A_121 to %scan3A_123 step %scan3A_124  : i32 {
      %broadcast_in_dim3A = vector.broadcast %scan3A_138 : i32 to vector<16xi32>
      %gather3A = tpu.vector_load_idx %arg28[%iota3A, %broadcast_in_dim3A] : memref<16x80xf32, #tpu.memory_space<vmem>>[vector<16xi32>, vector<16xi32>], vector<16xf32>,
      %swap3A = arith.index_cast %scan3A_138 : i32 to index
      %swap3A_139 = arith.constant 0 : index
      %swap3A_140 = tpu.vector_load %arg30[%swap3A, %swap3A_139] {strides = array<i32>} : memref<80x16xf32, #tpu.memory_space<vmem>>, vector<16xf32>,
      tpu.vector_store %arg30[%swap3A, %swap3A_139], %gather3A {strides = array<i32>} : memref<80x16xf32, #tpu.memory_space<vmem>>, vector<16xf32>,
    }
    %scan3A_125 = arith.constant 80 : i32
    "tpu.region"() ({
      %run_scoped3A = tpu.sem_alloc : memref<!tpu.dma_semaphore, #tpu.memory_space<semaphore_mem>>
      %dma_start3A_138 = arith.constant 0 : i32
      %dma_start3A_139 = arith.constant 0 : i32
      %dma_start3A_140 = tpu.memref_slice %arg32[%dma_start3A_138, %dma_start3A_139] : memref<10112x16xf32, #tpu.memory_space<vmem_shared>> -> memref<10112x16xf32, #tpu.memory_space<vmem_shared>>
      tpu.enqueue_indirect_dma source(%arg30 : memref<80x16xf32, #tpu.memory_space<vmem>>) target(%dma_start3A_140 : memref<10112x16xf32, #tpu.memory_space<vmem_shared>>) offsets(%arg13 : memref<80xi32, #tpu.memory_space<vmem>>) semaphore(%run_scoped3A : memref<!tpu.dma_semaphore, #tpu.memory_space<semaphore_mem>>) {add = true}
      %dma_wait3A_141 = arith.constant 0 : i32
      %dma_wait3A_142 = arith.constant 0 : i32
      %dma_wait3A_143 = tpu.memref_slice %arg32[%dma_wait3A_141, %dma_wait3A_142] : memref<10112x16xf32, #tpu.memory_space<vmem_shared>> -> memref<10112x16xf32, #tpu.memory_space<vmem_shared>>
      tpu.wait_indirect_dma semaphore(%run_scoped3A : memref<!tpu.dma_semaphore, #tpu.memory_space<semaphore_mem>>) src(%arg30 : memref<80x16xf32, #tpu.memory_space<vmem>>) dst(%dma_wait3A_143 : memref<10112x16xf32, #tpu.memory_space<vmem_shared>>)
      tpu.yield
    }) : () -> ()
    %dma_wait3A_126 = arith.constant 0 : i32
    %dma_wait3A_127 = arith.constant 0 : i32
    %dma_wait3A_128 = tpu.memref_slice %arg19[%dma_wait3A_126, %dma_wait3A_127] : memref<10112x128xf32, #tpu.memory_space<vmem_shared>> -> memref<10112x128xf32, #tpu.memory_space<vmem_shared>>
    tpu.wait_indirect_dma semaphore(%arg26 : memref<!tpu.dma_semaphore, #tpu.memory_space<semaphore_mem>>) src(%arg17 : memref<80x128xf32, #tpu.memory_space<vmem>>) dst(%dma_wait3A_128 : memref<10112x128xf32, #tpu.memory_space<vmem_shared>>)
    %barrier3A_129 = arith.constant 0 : index
    tpu.barrier barrier_id(%barrier3A_129)
    %mul3A_130 = arith.constant 632 : i32
    %mul3A_131 = arith.muli %arg1, %mul3A_130 : i32
    %mul3A_132 = arith.constant 632 : i32
    %mul3A_133 = arith.muli %arg1, %mul3A_132 : i32
    "tpu.region"() ({
      %run_scoped3A = tpu.sem_alloc : memref<!tpu.dma_semaphore, #tpu.memory_space<semaphore_mem>>
      %dma_start3A_138 = arith.constant 0 : i32
      %dma_start3A_139 = tpu.memref_slice %arg7[%arg0, %mul3A_133, %dma_start3A_138] : memref<2x10112x128xf32, #tpu.memory_space<hbm>> -> memref<1x632x128xf32, #tpu.memory_space<hbm>>
      %dma_start3A_140 = tpu.memref_squeeze %dma_start3A_139 : memref<1x632x128xf32, #tpu.memory_space<hbm>> -> memref<632x128xf32, #tpu.memory_space<hbm>>
      %dma_start3A_141 = arith.constant 0 : i32
      %dma_start3A_142 = tpu.memref_slice %arg19[%mul3A_131, %dma_start3A_141] : memref<10112x128xf32, #tpu.memory_space<vmem_shared>> -> memref<632x128xf32, #tpu.memory_space<vmem_shared>>
      tpu.enqueue_dma source(%dma_start3A_142 : memref<632x128xf32, #tpu.memory_space<vmem_shared>>) target(%dma_start3A_140 : memref<632x128xf32, #tpu.memory_space<hbm>>) target_semaphore(%run_scoped3A : memref<!tpu.dma_semaphore, #tpu.memory_space<semaphore_mem>>)
      %dma_wait3A_143 = arith.constant 0 : i32
      %dma_wait3A_144 = tpu.memref_slice %arg7[%arg0, %mul3A_133, %dma_wait3A_143] : memref<2x10112x128xf32, #tpu.memory_space<hbm>> -> memref<1x632x128xf32, #tpu.memory_space<hbm>>
      %dma_wait3A_145 = tpu.memref_squeeze %dma_wait3A_144 : memref<1x632x128xf32, #tpu.memory_space<hbm>> -> memref<632x128xf32, #tpu.memory_space<hbm>>
      %dma_wait3A_146 = arith.constant 0 : i32
      %dma_wait3A_147 = tpu.memref_slice %arg19[%mul3A_131, %dma_wait3A_146] : memref<10112x128xf32, #tpu.memory_space<vmem_shared>> -> memref<632x128xf32, #tpu.memory_space<vmem_shared>>
      tpu.wait_dma2 semaphore(%run_scoped3A : memref<!tpu.dma_semaphore, #tpu.memory_space<semaphore_mem>>) src(%dma_wait3A_147 : memref<632x128xf32, #tpu.memory_space<vmem_shared>>) dst(%dma_wait3A_145 : memref<632x128xf32, #tpu.memory_space<hbm>>)
      tpu.yield
    }) : () -> ()
    %mul3A_134 = arith.constant 632 : i32
    %mul3A_135 = arith.muli %arg1, %mul3A_134 : i32
    %mul3A_136 = arith.constant 632 : i32
    %mul3A_137 = arith.muli %arg1, %mul3A_136 : i32
    "tpu.region"() ({
      %run_scoped3A = tpu.sem_alloc : memref<!tpu.dma_semaphore, #tpu.memory_space<semaphore_mem>>
      %dma_start3A_138 = arith.constant 0 : i32
      %dma_start3A_139 = tpu.memref_slice %arg8[%arg0, %mul3A_137, %dma_start3A_138] : memref<2x10112x16xf32, #tpu.memory_space<hbm>> -> memref<1x632x16xf32, #tpu.memory_space<hbm>>
      %dma_start3A_140 = tpu.memref_squeeze %dma_start3A_139 : memref<1x632x16xf32, #tpu.memory_space<hbm>> -> memref<632x16xf32, #tpu.memory_space<hbm>>
      %dma_start3A_141 = arith.constant 0 : i32
      %dma_start3A_142 = tpu.memref_slice %arg32[%mul3A_135, %dma_start3A_141] : memref<10112x16xf32, #tpu.memory_space<vmem_shared>> -> memref<632x16xf32, #tpu.memory_space<vmem_shared>>
      tpu.enqueue_dma source(%dma_start3A_142 : memref<632x16xf32, #tpu.memory_space<vmem_shared>>) target(%dma_start3A_140 : memref<632x16xf32, #tpu.memory_space<hbm>>) target_semaphore(%run_scoped3A : memref<!tpu.dma_semaphore, #tpu.memory_space<semaphore_mem>>)
      %dma_wait3A_143 = arith.constant 0 : i32
      %dma_wait3A_144 = tpu.memref_slice %arg8[%arg0, %mul3A_137, %dma_wait3A_143] : memref<2x10112x16xf32, #tpu.memory_space<hbm>> -> memref<1x632x16xf32, #tpu.memory_space<hbm>>
      %dma_wait3A_145 = tpu.memref_squeeze %dma_wait3A_144 : memref<1x632x16xf32, #tpu.memory_space<hbm>> -> memref<632x16xf32, #tpu.memory_space<hbm>>
      %dma_wait3A_146 = arith.constant 0 : i32
      %dma_wait3A_147 = tpu.memref_slice %arg32[%mul3A_135, %dma_wait3A_146] : memref<10112x16xf32, #tpu.memory_space<vmem_shared>> -> memref<632x16xf32, #tpu.memory_space<vmem_shared>>
      tpu.wait_dma2 semaphore(%run_scoped3A : memref<!tpu.dma_semaphore, #tpu.memory_space<semaphore_mem>>) src(%dma_wait3A_147 : memref<632x16xf32, #tpu.memory_space<vmem_shared>>) dst(%dma_wait3A_145 : memref<632x16xf32, #tpu.memory_space<hbm>>)
      tpu.yield
    }) : () -> ()
    return
  }
}

#map = affine_map<(d0, d1) -> (0, 0)>
#map1 = affine_map<(d0, d1) -> (0, 0, 0)>
module attributes {stable_mosaic.version = 14 : i64} {
  func.func @body(%arg0: i32, %arg1: i32, %arg2: memref<10000x128xf32, #tpu.memory_space<hbm>>, %arg3: memref<2x320000xi32, #tpu.memory_space<hbm>>, %arg4: memref<632x128xf32, #tpu.memory_space<hbm>>, %arg5: memref<2x10112x128xf32, #tpu.memory_space<hbm>>, %arg6: memref<80xi32, #tpu.memory_space<vmem>>, %arg7: memref<80xi32, #tpu.memory_space<vmem>>, %arg8: memref<80xi32, #tpu.memory_space<vmem>>, %arg9: memref<80xi32, #tpu.memory_space<vmem>>, %arg10: memref<80xi32, #tpu.memory_space<vmem>>, %arg11: memref<80xi32, #tpu.memory_space<vmem>>, %arg12: memref<80xi32, #tpu.memory_space<vmem>>, %arg13: memref<80xi32, #tpu.memory_space<vmem>>, %arg14: memref<80x128xf32, #tpu.memory_space<vmem>>, %arg15: memref<80x128xf32, #tpu.memory_space<vmem>>, %arg16: memref<10112x128xf32, #tpu.memory_space<vmem_shared>>, %arg17: memref<!tpu.dma_semaphore, #tpu.memory_space<semaphore_mem>>, %arg18: memref<!tpu.dma_semaphore, #tpu.memory_space<semaphore_mem>>, %arg19: memref<!tpu.dma_semaphore, #tpu.memory_space<semaphore_mem>>, %arg20: memref<!tpu.dma_semaphore, #tpu.memory_space<semaphore_mem>>, %arg21: memref<!tpu.dma_semaphore, #tpu.memory_space<semaphore_mem>>, %arg22: memref<!tpu.dma_semaphore, #tpu.memory_space<semaphore_mem>>, %arg23: memref<!tpu.dma_semaphore, #tpu.memory_space<semaphore_mem>>, %arg24: memref<!tpu.dma_semaphore, #tpu.memory_space<semaphore_mem>>) attributes {dimension_semantics = [#tpu.dimension_semantics<core_parallel>, #tpu.dimension_semantics<subcore_parallel>], iteration_bounds = array<i64: 2, 16>, scalar_prefetch = 0 : i64, scratch_operands = 19 : i64, tpu.core_type = #tpu.core_type<sc_vector_subcore>, window_params = [{transform_indices = #map}, {transform_indices = #map}, {transform_indices = #map}, {transform_indices = #map1}]} {
    %mul3A = arith.constant 2 : i32
    %mul3A_0 = arith.muli %arg1, %mul3A : i32
    %add3A = arith.addi %mul3A_0, %arg0 : i32
    %mul3A_1 = arith.constant 10000 : i32
    %mul3A_2 = arith.muli %add3A, %mul3A_1 : i32
    %mul3A_3 = arith.constant 632 : i32
    %mul3A_4 = arith.muli %arg1, %mul3A_3 : i32
    "tpu.region"() ({
      %run_scoped3A = tpu.sem_alloc : memref<!tpu.dma_semaphore, #tpu.memory_space<semaphore_mem>>
      %dma_start3A_105 = arith.constant 0 : i32
      %dma_start3A_106 = tpu.memref_slice %arg16[%mul3A_4, %dma_start3A_105] : memref<10112x128xf32, #tpu.memory_space<vmem_shared>> -> memref<632x128xf32, #tpu.memory_space<vmem_shared>>
      tpu.enqueue_dma source(%arg4 : memref<632x128xf32, #tpu.memory_space<hbm>>) target(%dma_start3A_106 : memref<632x128xf32, #tpu.memory_space<vmem_shared>>) target_semaphore(%run_scoped3A : memref<!tpu.dma_semaphore, #tpu.memory_space<semaphore_mem>>)
      %dma_wait3A_107 = arith.constant 0 : i32
      %dma_wait3A_108 = tpu.memref_slice %arg16[%mul3A_4, %dma_wait3A_107] : memref<10112x128xf32, #tpu.memory_space<vmem_shared>> -> memref<632x128xf32, #tpu.memory_space<vmem_shared>>
      tpu.wait_dma2 semaphore(%run_scoped3A : memref<!tpu.dma_semaphore, #tpu.memory_space<semaphore_mem>>) src(%arg4 : memref<632x128xf32, #tpu.memory_space<hbm>>) dst(%dma_wait3A_108 : memref<632x128xf32, #tpu.memory_space<vmem_shared>>)
      tpu.yield
    }) : () -> ()
    %barrier3A = arith.constant 0 : index
    tpu.barrier barrier_id(%barrier3A)
    %iota3A = tpu.iota {dimensions = array<i32: 0>} : vector<16xi32>
    %add3A_5 = arith.constant 0 : i32
    %add3A_6 = arith.addi %mul3A_2, %add3A_5 : i32
    %multiple_of3A = tpu.assume_multiple %add3A_6, 8 : i32
    %dma_start3A = arith.constant 0 : i32
    %dma_start3A_7 = tpu.memref_slice %arg3[%dma_start3A, %multiple_of3A] : memref<2x320000xi32, #tpu.memory_space<hbm>> -> memref<1x80xi32, #tpu.memory_space<hbm>>
    %dma_start3A_8 = tpu.memref_squeeze %dma_start3A_7 : memref<1x80xi32, #tpu.memory_space<hbm>> -> memref<80xi32, #tpu.memory_space<hbm>>
    %dma_start3A_9 = tpu.memref_slice %arg3[%dma_start3A, %multiple_of3A] : memref<2x320000xi32, #tpu.memory_space<hbm>> -> memref<1x80xi32, #tpu.memory_space<hbm>>
    %dma_start3A_10 = tpu.memref_squeeze %dma_start3A_9 : memref<1x80xi32, #tpu.memory_space<hbm>> -> memref<80xi32, #tpu.memory_space<hbm>>
    tpu.enqueue_dma source(%dma_start3A_10 : memref<80xi32, #tpu.memory_space<hbm>>) target(%arg6 : memref<80xi32, #tpu.memory_space<vmem>>) target_semaphore(%arg17 : memref<!tpu.dma_semaphore, #tpu.memory_space<semaphore_mem>>)
    %dma_start3A_11 = arith.constant 1 : i32
    %dma_start3A_12 = tpu.memref_slice %arg3[%dma_start3A_11, %multiple_of3A] : memref<2x320000xi32, #tpu.memory_space<hbm>> -> memref<1x80xi32, #tpu.memory_space<hbm>>
    %dma_start3A_13 = tpu.memref_squeeze %dma_start3A_12 : memref<1x80xi32, #tpu.memory_space<hbm>> -> memref<80xi32, #tpu.memory_space<hbm>>
    %dma_start3A_14 = tpu.memref_slice %arg3[%dma_start3A_11, %multiple_of3A] : memref<2x320000xi32, #tpu.memory_space<hbm>> -> memref<1x80xi32, #tpu.memory_space<hbm>>
    %dma_start3A_15 = tpu.memref_squeeze %dma_start3A_14 : memref<1x80xi32, #tpu.memory_space<hbm>> -> memref<80xi32, #tpu.memory_space<hbm>>
    tpu.enqueue_dma source(%dma_start3A_15 : memref<80xi32, #tpu.memory_space<hbm>>) target(%arg10 : memref<80xi32, #tpu.memory_space<vmem>>) target_semaphore(%arg17 : memref<!tpu.dma_semaphore, #tpu.memory_space<semaphore_mem>>)
    %add3A_16 = arith.constant 80 : i32
    %add3A_17 = arith.addi %mul3A_2, %add3A_16 : i32
    %multiple_of3A_18 = tpu.assume_multiple %add3A_17, 8 : i32
    %dma_start3A_19 = arith.constant 0 : i32
    %dma_start3A_20 = tpu.memref_slice %arg3[%dma_start3A_19, %multiple_of3A_18] : memref<2x320000xi32, #tpu.memory_space<hbm>> -> memref<1x80xi32, #tpu.memory_space<hbm>>
    %dma_start3A_21 = tpu.memref_squeeze %dma_start3A_20 : memref<1x80xi32, #tpu.memory_space<hbm>> -> memref<80xi32, #tpu.memory_space<hbm>>
    %dma_start3A_22 = tpu.memref_slice %arg3[%dma_start3A_19, %multiple_of3A_18] : memref<2x320000xi32, #tpu.memory_space<hbm>> -> memref<1x80xi32, #tpu.memory_space<hbm>>
    %dma_start3A_23 = tpu.memref_squeeze %dma_start3A_22 : memref<1x80xi32, #tpu.memory_space<hbm>> -> memref<80xi32, #tpu.memory_space<hbm>>
    tpu.enqueue_dma source(%dma_start3A_23 : memref<80xi32, #tpu.memory_space<hbm>>) target(%arg7 : memref<80xi32, #tpu.memory_space<vmem>>) target_semaphore(%arg18 : memref<!tpu.dma_semaphore, #tpu.memory_space<semaphore_mem>>)
    %dma_start3A_24 = arith.constant 1 : i32
    %dma_start3A_25 = tpu.memref_slice %arg3[%dma_start3A_24, %multiple_of3A_18] : memref<2x320000xi32, #tpu.memory_space<hbm>> -> memref<1x80xi32, #tpu.memory_space<hbm>>
    %dma_start3A_26 = tpu.memref_squeeze %dma_start3A_25 : memref<1x80xi32, #tpu.memory_space<hbm>> -> memref<80xi32, #tpu.memory_space<hbm>>
    %dma_start3A_27 = tpu.memref_slice %arg3[%dma_start3A_24, %multiple_of3A_18] : memref<2x320000xi32, #tpu.memory_space<hbm>> -> memref<1x80xi32, #tpu.memory_space<hbm>>
    %dma_start3A_28 = tpu.memref_squeeze %dma_start3A_27 : memref<1x80xi32, #tpu.memory_space<hbm>> -> memref<80xi32, #tpu.memory_space<hbm>>
    tpu.enqueue_dma source(%dma_start3A_28 : memref<80xi32, #tpu.memory_space<hbm>>) target(%arg11 : memref<80xi32, #tpu.memory_space<vmem>>) target_semaphore(%arg18 : memref<!tpu.dma_semaphore, #tpu.memory_space<semaphore_mem>>)
    %add3A_29 = arith.constant 0 : i32
    %add3A_30 = arith.addi %mul3A_2, %add3A_29 : i32
    %multiple_of3A_31 = tpu.assume_multiple %add3A_30, 8 : i32
    %dma_wait3A = arith.constant 0 : i32
    %dma_wait3A_32 = tpu.memref_slice %arg3[%dma_wait3A, %multiple_of3A_31] : memref<2x320000xi32, #tpu.memory_space<hbm>> -> memref<1x80xi32, #tpu.memory_space<hbm>>
    %dma_wait3A_33 = tpu.memref_squeeze %dma_wait3A_32 : memref<1x80xi32, #tpu.memory_space<hbm>> -> memref<80xi32, #tpu.memory_space<hbm>>
    %dma_wait3A_34 = tpu.memref_slice %arg3[%dma_wait3A, %multiple_of3A_31] : memref<2x320000xi32, #tpu.memory_space<hbm>> -> memref<1x80xi32, #tpu.memory_space<hbm>>
    %dma_wait3A_35 = tpu.memref_squeeze %dma_wait3A_34 : memref<1x80xi32, #tpu.memory_space<hbm>> -> memref<80xi32, #tpu.memory_space<hbm>>
    tpu.wait_dma2 semaphore(%arg17 : memref<!tpu.dma_semaphore, #tpu.memory_space<semaphore_mem>>) src(%dma_wait3A_35 : memref<80xi32, #tpu.memory_space<hbm>>) dst(%arg6 : memref<80xi32, #tpu.memory_space<vmem>>)
    %dma_wait3A_36 = arith.constant 1 : i32
    %dma_wait3A_37 = tpu.memref_slice %arg3[%dma_wait3A_36, %multiple_of3A_31] : memref<2x320000xi32, #tpu.memory_space<hbm>> -> memref<1x80xi32, #tpu.memory_space<hbm>>
    %dma_wait3A_38 = tpu.memref_squeeze %dma_wait3A_37 : memref<1x80xi32, #tpu.memory_space<hbm>> -> memref<80xi32, #tpu.memory_space<hbm>>
    %dma_wait3A_39 = tpu.memref_slice %arg3[%dma_wait3A_36, %multiple_of3A_31] : memref<2x320000xi32, #tpu.memory_space<hbm>> -> memref<1x80xi32, #tpu.memory_space<hbm>>
    %dma_wait3A_40 = tpu.memref_squeeze %dma_wait3A_39 : memref<1x80xi32, #tpu.memory_space<hbm>> -> memref<80xi32, #tpu.memory_space<hbm>>
    tpu.wait_dma2 semaphore(%arg17 : memref<!tpu.dma_semaphore, #tpu.memory_space<semaphore_mem>>) src(%dma_wait3A_40 : memref<80xi32, #tpu.memory_space<hbm>>) dst(%arg10 : memref<80xi32, #tpu.memory_space<vmem>>)
    %add3A_41 = arith.constant 80 : i32
    %add3A_42 = arith.addi %mul3A_2, %add3A_41 : i32
    %multiple_of3A_43 = tpu.assume_multiple %add3A_42, 8 : i32
    %dma_wait3A_44 = arith.constant 0 : i32
    %dma_wait3A_45 = tpu.memref_slice %arg3[%dma_wait3A_44, %multiple_of3A_43] : memref<2x320000xi32, #tpu.memory_space<hbm>> -> memref<1x80xi32, #tpu.memory_space<hbm>>
    %dma_wait3A_46 = tpu.memref_squeeze %dma_wait3A_45 : memref<1x80xi32, #tpu.memory_space<hbm>> -> memref<80xi32, #tpu.memory_space<hbm>>
    %dma_wait3A_47 = tpu.memref_slice %arg3[%dma_wait3A_44, %multiple_of3A_43] : memref<2x320000xi32, #tpu.memory_space<hbm>> -> memref<1x80xi32, #tpu.memory_space<hbm>>
    %dma_wait3A_48 = tpu.memref_squeeze %dma_wait3A_47 : memref<1x80xi32, #tpu.memory_space<hbm>> -> memref<80xi32, #tpu.memory_space<hbm>>
    tpu.wait_dma2 semaphore(%arg18 : memref<!tpu.dma_semaphore, #tpu.memory_space<semaphore_mem>>) src(%dma_wait3A_48 : memref<80xi32, #tpu.memory_space<hbm>>) dst(%arg7 : memref<80xi32, #tpu.memory_space<vmem>>)
    %dma_wait3A_49 = arith.constant 1 : i32
    %dma_wait3A_50 = tpu.memref_slice %arg3[%dma_wait3A_49, %multiple_of3A_43] : memref<2x320000xi32, #tpu.memory_space<hbm>> -> memref<1x80xi32, #tpu.memory_space<hbm>>
    %dma_wait3A_51 = tpu.memref_squeeze %dma_wait3A_50 : memref<1x80xi32, #tpu.memory_space<hbm>> -> memref<80xi32, #tpu.memory_space<hbm>>
    %dma_wait3A_52 = tpu.memref_slice %arg3[%dma_wait3A_49, %multiple_of3A_43] : memref<2x320000xi32, #tpu.memory_space<hbm>> -> memref<1x80xi32, #tpu.memory_space<hbm>>
    %dma_wait3A_53 = tpu.memref_squeeze %dma_wait3A_52 : memref<1x80xi32, #tpu.memory_space<hbm>> -> memref<80xi32, #tpu.memory_space<hbm>>
    tpu.wait_dma2 semaphore(%arg18 : memref<!tpu.dma_semaphore, #tpu.memory_space<semaphore_mem>>) src(%dma_wait3A_53 : memref<80xi32, #tpu.memory_space<hbm>>) dst(%arg11 : memref<80xi32, #tpu.memory_space<vmem>>)
    %dma_start3A_54 = arith.constant 0 : i32
    %dma_start3A_55 = arith.constant 0 : i32
    %dma_start3A_56 = tpu.memref_slice %arg2[%dma_start3A_54, %dma_start3A_55] : memref<10000x128xf32, #tpu.memory_space<hbm>> -> memref<10000x128xf32, #tpu.memory_space<hbm>>
    tpu.enqueue_indirect_dma source(%dma_start3A_56 : memref<10000x128xf32, #tpu.memory_space<hbm>>) target(%arg14 : memref<80x128xf32, #tpu.memory_space<vmem>>) offsets(%arg6 : memref<80xi32, #tpu.memory_space<vmem>>) semaphore(%arg21 : memref<!tpu.dma_semaphore, #tpu.memory_space<semaphore_mem>>)
    %dma_start3A_57 = arith.constant 0 : i32
    %dma_start3A_58 = arith.constant 0 : i32
    %dma_start3A_59 = tpu.memref_slice %arg2[%dma_start3A_57, %dma_start3A_58] : memref<10000x128xf32, #tpu.memory_space<hbm>> -> memref<10000x128xf32, #tpu.memory_space<hbm>>
    tpu.enqueue_indirect_dma source(%dma_start3A_59 : memref<10000x128xf32, #tpu.memory_space<hbm>>) target(%arg15 : memref<80x128xf32, #tpu.memory_space<vmem>>) offsets(%arg7 : memref<80xi32, #tpu.memory_space<vmem>>) semaphore(%arg22 : memref<!tpu.dma_semaphore, #tpu.memory_space<semaphore_mem>>)
    %add3A_60 = arith.constant 160 : i32
    %add3A_61 = arith.addi %mul3A_2, %add3A_60 : i32
    %multiple_of3A_62 = tpu.assume_multiple %add3A_61, 8 : i32
    %dma_start3A_63 = arith.constant 0 : i32
    %dma_start3A_64 = tpu.memref_slice %arg3[%dma_start3A_63, %multiple_of3A_62] : memref<2x320000xi32, #tpu.memory_space<hbm>> -> memref<1x80xi32, #tpu.memory_space<hbm>>
    %dma_start3A_65 = tpu.memref_squeeze %dma_start3A_64 : memref<1x80xi32, #tpu.memory_space<hbm>> -> memref<80xi32, #tpu.memory_space<hbm>>
    %dma_start3A_66 = tpu.memref_slice %arg3[%dma_start3A_63, %multiple_of3A_62] : memref<2x320000xi32, #tpu.memory_space<hbm>> -> memref<1x80xi32, #tpu.memory_space<hbm>>
    %dma_start3A_67 = tpu.memref_squeeze %dma_start3A_66 : memref<1x80xi32, #tpu.memory_space<hbm>> -> memref<80xi32, #tpu.memory_space<hbm>>
    tpu.enqueue_dma source(%dma_start3A_67 : memref<80xi32, #tpu.memory_space<hbm>>) target(%arg8 : memref<80xi32, #tpu.memory_space<vmem>>) target_semaphore(%arg19 : memref<!tpu.dma_semaphore, #tpu.memory_space<semaphore_mem>>)
    %dma_start3A_68 = arith.constant 1 : i32
    %dma_start3A_69 = tpu.memref_slice %arg3[%dma_start3A_68, %multiple_of3A_62] : memref<2x320000xi32, #tpu.memory_space<hbm>> -> memref<1x80xi32, #tpu.memory_space<hbm>>
    %dma_start3A_70 = tpu.memref_squeeze %dma_start3A_69 : memref<1x80xi32, #tpu.memory_space<hbm>> -> memref<80xi32, #tpu.memory_space<hbm>>
    %dma_start3A_71 = tpu.memref_slice %arg3[%dma_start3A_68, %multiple_of3A_62] : memref<2x320000xi32, #tpu.memory_space<hbm>> -> memref<1x80xi32, #tpu.memory_space<hbm>>
    %dma_start3A_72 = tpu.memref_squeeze %dma_start3A_71 : memref<1x80xi32, #tpu.memory_space<hbm>> -> memref<80xi32, #tpu.memory_space<hbm>>
    tpu.enqueue_dma source(%dma_start3A_72 : memref<80xi32, #tpu.memory_space<hbm>>) target(%arg12 : memref<80xi32, #tpu.memory_space<vmem>>) target_semaphore(%arg19 : memref<!tpu.dma_semaphore, #tpu.memory_space<semaphore_mem>>)
    %add3A_73 = arith.constant 240 : i32
    %add3A_74 = arith.addi %mul3A_2, %add3A_73 : i32
    %multiple_of3A_75 = tpu.assume_multiple %add3A_74, 8 : i32
    %dma_start3A_76 = arith.constant 0 : i32
    %dma_start3A_77 = tpu.memref_slice %arg3[%dma_start3A_76, %multiple_of3A_75] : memref<2x320000xi32, #tpu.memory_space<hbm>> -> memref<1x80xi32, #tpu.memory_space<hbm>>
    %dma_start3A_78 = tpu.memref_squeeze %dma_start3A_77 : memref<1x80xi32, #tpu.memory_space<hbm>> -> memref<80xi32, #tpu.memory_space<hbm>>
    %dma_start3A_79 = tpu.memref_slice %arg3[%dma_start3A_76, %multiple_of3A_75] : memref<2x320000xi32, #tpu.memory_space<hbm>> -> memref<1x80xi32, #tpu.memory_space<hbm>>
    %dma_start3A_80 = tpu.memref_squeeze %dma_start3A_79 : memref<1x80xi32, #tpu.memory_space<hbm>> -> memref<80xi32, #tpu.memory_space<hbm>>
    tpu.enqueue_dma source(%dma_start3A_80 : memref<80xi32, #tpu.memory_space<hbm>>) target(%arg9 : memref<80xi32, #tpu.memory_space<vmem>>) target_semaphore(%arg20 : memref<!tpu.dma_semaphore, #tpu.memory_space<semaphore_mem>>)
    %dma_start3A_81 = arith.constant 1 : i32
    %dma_start3A_82 = tpu.memref_slice %arg3[%dma_start3A_81, %multiple_of3A_75] : memref<2x320000xi32, #tpu.memory_space<hbm>> -> memref<1x80xi32, #tpu.memory_space<hbm>>
    %dma_start3A_83 = tpu.memref_squeeze %dma_start3A_82 : memref<1x80xi32, #tpu.memory_space<hbm>> -> memref<80xi32, #tpu.memory_space<hbm>>
    %dma_start3A_84 = tpu.memref_slice %arg3[%dma_start3A_81, %multiple_of3A_75] : memref<2x320000xi32, #tpu.memory_space<hbm>> -> memref<1x80xi32, #tpu.memory_space<hbm>>
    %dma_start3A_85 = tpu.memref_squeeze %dma_start3A_84 : memref<1x80xi32, #tpu.memory_space<hbm>> -> memref<80xi32, #tpu.memory_space<hbm>>
    tpu.enqueue_dma source(%dma_start3A_85 : memref<80xi32, #tpu.memory_space<hbm>>) target(%arg13 : memref<80xi32, #tpu.memory_space<vmem>>) target_semaphore(%arg20 : memref<!tpu.dma_semaphore, #tpu.memory_space<semaphore_mem>>)
    %scan3A = arith.constant 0 : i32
    %scan3A_86 = arith.constant 0 : i32
    %scan3A_87 = arith.constant 31 : i32
    %scan3A_88 = arith.addi %scan3A_86, %scan3A_87 : i32
    %scan3A_89 = arith.constant 1 : i32
    scf.for %scan3A_105 = %scan3A_86 to %scan3A_88 step %scan3A_89  : i32 {
      %mul3A_106 = arith.constant 4 : i32
      %mul3A_107 = arith.muli %scan3A_105, %mul3A_106 : i32
      %add3A_108 = arith.constant 0 : i32
      %add3A_109 = arith.addi %mul3A_107, %add3A_108 : i32
      %dma_wait3A_110 = arith.constant 0 : i32
      %dma_wait3A_111 = arith.constant 0 : i32
      %dma_wait3A_112 = tpu.memref_slice %arg2[%dma_wait3A_110, %dma_wait3A_111] : memref<10000x128xf32, #tpu.memory_space<hbm>> -> memref<10000x128xf32, #tpu.memory_space<hbm>>
      tpu.wait_indirect_dma semaphore(%arg21 : memref<!tpu.dma_semaphore, #tpu.memory_space<semaphore_mem>>) src(%dma_wait3A_112 : memref<10000x128xf32, #tpu.memory_space<hbm>>) dst(%arg14 : memref<80x128xf32, #tpu.memory_space<vmem>>)
      %dma_start3A_113 = arith.constant 0 : i32
      %dma_start3A_114 = arith.constant 0 : i32
      %dma_start3A_115 = tpu.memref_slice %arg16[%dma_start3A_113, %dma_start3A_114] : memref<10112x128xf32, #tpu.memory_space<vmem_shared>> -> memref<10112x128xf32, #tpu.memory_space<vmem_shared>>
      tpu.enqueue_indirect_dma source(%arg14 : memref<80x128xf32, #tpu.memory_space<vmem>>) target(%dma_start3A_115 : memref<10112x128xf32, #tpu.memory_space<vmem_shared>>) offsets(%arg10 : memref<80xi32, #tpu.memory_space<vmem>>) semaphore(%arg23 : memref<!tpu.dma_semaphore, #tpu.memory_space<semaphore_mem>>) {add = true}
      %dma_wait3A_116 = arith.constant 0 : i32
      %dma_wait3A_117 = arith.constant 0 : i32
      %dma_wait3A_118 = tpu.memref_slice %arg16[%dma_wait3A_116, %dma_wait3A_117] : memref<10112x128xf32, #tpu.memory_space<vmem_shared>> -> memref<10112x128xf32, #tpu.memory_space<vmem_shared>>
      tpu.wait_indirect_dma semaphore(%arg23 : memref<!tpu.dma_semaphore, #tpu.memory_space<semaphore_mem>>) src(%arg14 : memref<80x128xf32, #tpu.memory_space<vmem>>) dst(%dma_wait3A_118 : memref<10112x128xf32, #tpu.memory_space<vmem_shared>>)
      %add3A_119 = arith.constant 2 : i32
      %add3A_120 = arith.addi %add3A_109, %add3A_119 : i32
      %lt3A = arith.constant 125 : i32
      %lt3A_121 = arith.cmpi slt, %add3A_120, %lt3A : i32
      %convert_element_type3A = arith.extui %lt3A_121 : i1 to i32
      %cond3A = arith.constant 0 : i32
      %cond3A_122 = arith.cmpi ne, %convert_element_type3A, %cond3A : i32
      scf.if %cond3A_122 {
        %add3A_211 = arith.constant 2 : i32
        %add3A_212 = arith.addi %add3A_109, %add3A_211 : i32
        %mul3A_213 = arith.constant 80 : i32
        %mul3A_214 = arith.muli %add3A_212, %mul3A_213 : i32
        %add3A_215 = arith.addi %mul3A_2, %mul3A_214 : i32
        %multiple_of3A_216 = tpu.assume_multiple %add3A_215, 8 : i32
        %dma_wait3A_217 = arith.constant 0 : i32
        %dma_wait3A_218 = tpu.memref_slice %arg3[%dma_wait3A_217, %multiple_of3A_216] : memref<2x320000xi32, #tpu.memory_space<hbm>> -> memref<1x80xi32, #tpu.memory_space<hbm>>
        %dma_wait3A_219 = tpu.memref_squeeze %dma_wait3A_218 : memref<1x80xi32, #tpu.memory_space<hbm>> -> memref<80xi32, #tpu.memory_space<hbm>>
        %dma_wait3A_220 = tpu.memref_slice %arg3[%dma_wait3A_217, %multiple_of3A_216] : memref<2x320000xi32, #tpu.memory_space<hbm>> -> memref<1x80xi32, #tpu.memory_space<hbm>>
        %dma_wait3A_221 = tpu.memref_squeeze %dma_wait3A_220 : memref<1x80xi32, #tpu.memory_space<hbm>> -> memref<80xi32, #tpu.memory_space<hbm>>
        tpu.wait_dma2 semaphore(%arg19 : memref<!tpu.dma_semaphore, #tpu.memory_space<semaphore_mem>>) src(%dma_wait3A_221 : memref<80xi32, #tpu.memory_space<hbm>>) dst(%arg8 : memref<80xi32, #tpu.memory_space<vmem>>)
        %dma_wait3A_222 = arith.constant 1 : i32
        %dma_wait3A_223 = tpu.memref_slice %arg3[%dma_wait3A_222, %multiple_of3A_216] : memref<2x320000xi32, #tpu.memory_space<hbm>> -> memref<1x80xi32, #tpu.memory_space<hbm>>
        %dma_wait3A_224 = tpu.memref_squeeze %dma_wait3A_223 : memref<1x80xi32, #tpu.memory_space<hbm>> -> memref<80xi32, #tpu.memory_space<hbm>>
        %dma_wait3A_225 = tpu.memref_slice %arg3[%dma_wait3A_222, %multiple_of3A_216] : memref<2x320000xi32, #tpu.memory_space<hbm>> -> memref<1x80xi32, #tpu.memory_space<hbm>>
        %dma_wait3A_226 = tpu.memref_squeeze %dma_wait3A_225 : memref<1x80xi32, #tpu.memory_space<hbm>> -> memref<80xi32, #tpu.memory_space<hbm>>
        tpu.wait_dma2 semaphore(%arg19 : memref<!tpu.dma_semaphore, #tpu.memory_space<semaphore_mem>>) src(%dma_wait3A_226 : memref<80xi32, #tpu.memory_space<hbm>>) dst(%arg12 : memref<80xi32, #tpu.memory_space<vmem>>)
        %add3A_227 = arith.constant 2 : i32
        %add3A_228 = arith.addi %add3A_109, %add3A_227 : i32
        %dma_start3A_229 = arith.constant 0 : i32
        %dma_start3A_230 = arith.constant 0 : i32
        %dma_start3A_231 = tpu.memref_slice %arg2[%dma_start3A_229, %dma_start3A_230] : memref<10000x128xf32, #tpu.memory_space<hbm>> -> memref<10000x128xf32, #tpu.memory_space<hbm>>
        tpu.enqueue_indirect_dma source(%dma_start3A_231 : memref<10000x128xf32, #tpu.memory_space<hbm>>) target(%arg14 : memref<80x128xf32, #tpu.memory_space<vmem>>) offsets(%arg8 : memref<80xi32, #tpu.memory_space<vmem>>) semaphore(%arg21 : memref<!tpu.dma_semaphore, #tpu.memory_space<semaphore_mem>>)
      } else {
      }
      %add3A_123 = arith.constant 4 : i32
      %add3A_124 = arith.addi %add3A_109, %add3A_123 : i32
      %lt3A_125 = arith.constant 125 : i32
      %lt3A_126 = arith.cmpi slt, %add3A_124, %lt3A_125 : i32
      %convert_element_type3A_127 = arith.extui %lt3A_126 : i1 to i32
      %cond3A_128 = arith.constant 0 : i32
      %cond3A_129 = arith.cmpi ne, %convert_element_type3A_127, %cond3A_128 : i32
      scf.if %cond3A_129 {
        %add3A_211 = arith.constant 4 : i32
        %add3A_212 = arith.addi %add3A_109, %add3A_211 : i32
        %mul3A_213 = arith.constant 80 : i32
        %mul3A_214 = arith.muli %add3A_212, %mul3A_213 : i32
        %add3A_215 = arith.addi %mul3A_2, %mul3A_214 : i32
        %multiple_of3A_216 = tpu.assume_multiple %add3A_215, 8 : i32
        %dma_start3A_217 = arith.constant 0 : i32
        %dma_start3A_218 = tpu.memref_slice %arg3[%dma_start3A_217, %multiple_of3A_216] : memref<2x320000xi32, #tpu.memory_space<hbm>> -> memref<1x80xi32, #tpu.memory_space<hbm>>
        %dma_start3A_219 = tpu.memref_squeeze %dma_start3A_218 : memref<1x80xi32, #tpu.memory_space<hbm>> -> memref<80xi32, #tpu.memory_space<hbm>>
        %dma_start3A_220 = tpu.memref_slice %arg3[%dma_start3A_217, %multiple_of3A_216] : memref<2x320000xi32, #tpu.memory_space<hbm>> -> memref<1x80xi32, #tpu.memory_space<hbm>>
        %dma_start3A_221 = tpu.memref_squeeze %dma_start3A_220 : memref<1x80xi32, #tpu.memory_space<hbm>> -> memref<80xi32, #tpu.memory_space<hbm>>
        tpu.enqueue_dma source(%dma_start3A_221 : memref<80xi32, #tpu.memory_space<hbm>>) target(%arg6 : memref<80xi32, #tpu.memory_space<vmem>>) target_semaphore(%arg17 : memref<!tpu.dma_semaphore, #tpu.memory_space<semaphore_mem>>)
        %dma_start3A_222 = arith.constant 1 : i32
        %dma_start3A_223 = tpu.memref_slice %arg3[%dma_start3A_222, %multiple_of3A_216] : memref<2x320000xi32, #tpu.memory_space<hbm>> -> memref<1x80xi32, #tpu.memory_space<hbm>>
        %dma_start3A_224 = tpu.memref_squeeze %dma_start3A_223 : memref<1x80xi32, #tpu.memory_space<hbm>> -> memref<80xi32, #tpu.memory_space<hbm>>
        %dma_start3A_225 = tpu.memref_slice %arg3[%dma_start3A_222, %multiple_of3A_216] : memref<2x320000xi32, #tpu.memory_space<hbm>> -> memref<1x80xi32, #tpu.memory_space<hbm>>
        %dma_start3A_226 = tpu.memref_squeeze %dma_start3A_225 : memref<1x80xi32, #tpu.memory_space<hbm>> -> memref<80xi32, #tpu.memory_space<hbm>>
        tpu.enqueue_dma source(%dma_start3A_226 : memref<80xi32, #tpu.memory_space<hbm>>) target(%arg10 : memref<80xi32, #tpu.memory_space<vmem>>) target_semaphore(%arg17 : memref<!tpu.dma_semaphore, #tpu.memory_space<semaphore_mem>>)
      } else {
      }
      %mul3A_130 = arith.constant 4 : i32
      %mul3A_131 = arith.muli %scan3A_105, %mul3A_130 : i32
      %add3A_132 = arith.constant 1 : i32
      %add3A_133 = arith.addi %mul3A_131, %add3A_132 : i32
      %dma_wait3A_134 = arith.constant 0 : i32
      %dma_wait3A_135 = arith.constant 0 : i32
      %dma_wait3A_136 = tpu.memref_slice %arg2[%dma_wait3A_134, %dma_wait3A_135] : memref<10000x128xf32, #tpu.memory_space<hbm>> -> memref<10000x128xf32, #tpu.memory_space<hbm>>
      tpu.wait_indirect_dma semaphore(%arg22 : memref<!tpu.dma_semaphore, #tpu.memory_space<semaphore_mem>>) src(%dma_wait3A_136 : memref<10000x128xf32, #tpu.memory_space<hbm>>) dst(%arg15 : memref<80x128xf32, #tpu.memory_space<vmem>>)
      %dma_start3A_137 = arith.constant 0 : i32
      %dma_start3A_138 = arith.constant 0 : i32
      %dma_start3A_139 = tpu.memref_slice %arg16[%dma_start3A_137, %dma_start3A_138] : memref<10112x128xf32, #tpu.memory_space<vmem_shared>> -> memref<10112x128xf32, #tpu.memory_space<vmem_shared>>
      tpu.enqueue_indirect_dma source(%arg15 : memref<80x128xf32, #tpu.memory_space<vmem>>) target(%dma_start3A_139 : memref<10112x128xf32, #tpu.memory_space<vmem_shared>>) offsets(%arg11 : memref<80xi32, #tpu.memory_space<vmem>>) semaphore(%arg24 : memref<!tpu.dma_semaphore, #tpu.memory_space<semaphore_mem>>) {add = true}
      %dma_wait3A_140 = arith.constant 0 : i32
      %dma_wait3A_141 = arith.constant 0 : i32
      %dma_wait3A_142 = tpu.memref_slice %arg16[%dma_wait3A_140, %dma_wait3A_141] : memref<10112x128xf32, #tpu.memory_space<vmem_shared>> -> memref<10112x128xf32, #tpu.memory_space<vmem_shared>>
      tpu.wait_indirect_dma semaphore(%arg24 : memref<!tpu.dma_semaphore, #tpu.memory_space<semaphore_mem>>) src(%arg15 : memref<80x128xf32, #tpu.memory_space<vmem>>) dst(%dma_wait3A_142 : memref<10112x128xf32, #tpu.memory_space<vmem_shared>>)
      %add3A_143 = arith.constant 2 : i32
      %add3A_144 = arith.addi %add3A_133, %add3A_143 : i32
      %lt3A_145 = arith.constant 125 : i32
      %lt3A_146 = arith.cmpi slt, %add3A_144, %lt3A_145 : i32
      %convert_element_type3A_147 = arith.extui %lt3A_146 : i1 to i32
      %cond3A_148 = arith.constant 0 : i32
      %cond3A_149 = arith.cmpi ne, %convert_element_type3A_147, %cond3A_148 : i32
      scf.if %cond3A_149 {
        %add3A_211 = arith.constant 2 : i32
        %add3A_212 = arith.addi %add3A_133, %add3A_211 : i32
        %mul3A_213 = arith.constant 80 : i32
        %mul3A_214 = arith.muli %add3A_212, %mul3A_213 : i32
        %add3A_215 = arith.addi %mul3A_2, %mul3A_214 : i32
        %multiple_of3A_216 = tpu.assume_multiple %add3A_215, 8 : i32
        %dma_wait3A_217 = arith.constant 0 : i32
        %dma_wait3A_218 = tpu.memref_slice %arg3[%dma_wait3A_217, %multiple_of3A_216] : memref<2x320000xi32, #tpu.memory_space<hbm>> -> memref<1x80xi32, #tpu.memory_space<hbm>>
        %dma_wait3A_219 = tpu.memref_squeeze %dma_wait3A_218 : memref<1x80xi32, #tpu.memory_space<hbm>> -> memref<80xi32, #tpu.memory_space<hbm>>
        %dma_wait3A_220 = tpu.memref_slice %arg3[%dma_wait3A_217, %multiple_of3A_216] : memref<2x320000xi32, #tpu.memory_space<hbm>> -> memref<1x80xi32, #tpu.memory_space<hbm>>
        %dma_wait3A_221 = tpu.memref_squeeze %dma_wait3A_220 : memref<1x80xi32, #tpu.memory_space<hbm>> -> memref<80xi32, #tpu.memory_space<hbm>>
        tpu.wait_dma2 semaphore(%arg20 : memref<!tpu.dma_semaphore, #tpu.memory_space<semaphore_mem>>) src(%dma_wait3A_221 : memref<80xi32, #tpu.memory_space<hbm>>) dst(%arg9 : memref<80xi32, #tpu.memory_space<vmem>>)
        %dma_wait3A_222 = arith.constant 1 : i32
        %dma_wait3A_223 = tpu.memref_slice %arg3[%dma_wait3A_222, %multiple_of3A_216] : memref<2x320000xi32, #tpu.memory_space<hbm>> -> memref<1x80xi32, #tpu.memory_space<hbm>>
        %dma_wait3A_224 = tpu.memref_squeeze %dma_wait3A_223 : memref<1x80xi32, #tpu.memory_space<hbm>> -> memref<80xi32, #tpu.memory_space<hbm>>
        %dma_wait3A_225 = tpu.memref_slice %arg3[%dma_wait3A_222, %multiple_of3A_216] : memref<2x320000xi32, #tpu.memory_space<hbm>> -> memref<1x80xi32, #tpu.memory_space<hbm>>
        %dma_wait3A_226 = tpu.memref_squeeze %dma_wait3A_225 : memref<1x80xi32, #tpu.memory_space<hbm>> -> memref<80xi32, #tpu.memory_space<hbm>>
        tpu.wait_dma2 semaphore(%arg20 : memref<!tpu.dma_semaphore, #tpu.memory_space<semaphore_mem>>) src(%dma_wait3A_226 : memref<80xi32, #tpu.memory_space<hbm>>) dst(%arg13 : memref<80xi32, #tpu.memory_space<vmem>>)
        %add3A_227 = arith.constant 2 : i32
        %add3A_228 = arith.addi %add3A_133, %add3A_227 : i32
        %dma_start3A_229 = arith.constant 0 : i32
        %dma_start3A_230 = arith.constant 0 : i32
        %dma_start3A_231 = tpu.memref_slice %arg2[%dma_start3A_229, %dma_start3A_230] : memref<10000x128xf32, #tpu.memory_space<hbm>> -> memref<10000x128xf32, #tpu.memory_space<hbm>>
        tpu.enqueue_indirect_dma source(%dma_start3A_231 : memref<10000x128xf32, #tpu.memory_space<hbm>>) target(%arg15 : memref<80x128xf32, #tpu.memory_space<vmem>>) offsets(%arg9 : memref<80xi32, #tpu.memory_space<vmem>>) semaphore(%arg22 : memref<!tpu.dma_semaphore, #tpu.memory_space<semaphore_mem>>)
      } else {
      }
      %add3A_150 = arith.constant 4 : i32
      %add3A_151 = arith.addi %add3A_133, %add3A_150 : i32
      %lt3A_152 = arith.constant 125 : i32
      %lt3A_153 = arith.cmpi slt, %add3A_151, %lt3A_152 : i32
      %convert_element_type3A_154 = arith.extui %lt3A_153 : i1 to i32
      %cond3A_155 = arith.constant 0 : i32
      %cond3A_156 = arith.cmpi ne, %convert_element_type3A_154, %cond3A_155 : i32
      scf.if %cond3A_156 {
        %add3A_211 = arith.constant 4 : i32
        %add3A_212 = arith.addi %add3A_133, %add3A_211 : i32
        %mul3A_213 = arith.constant 80 : i32
        %mul3A_214 = arith.muli %add3A_212, %mul3A_213 : i32
        %add3A_215 = arith.addi %mul3A_2, %mul3A_214 : i32
        %multiple_of3A_216 = tpu.assume_multiple %add3A_215, 8 : i32
        %dma_start3A_217 = arith.constant 0 : i32
        %dma_start3A_218 = tpu.memref_slice %arg3[%dma_start3A_217, %multiple_of3A_216] : memref<2x320000xi32, #tpu.memory_space<hbm>> -> memref<1x80xi32, #tpu.memory_space<hbm>>
        %dma_start3A_219 = tpu.memref_squeeze %dma_start3A_218 : memref<1x80xi32, #tpu.memory_space<hbm>> -> memref<80xi32, #tpu.memory_space<hbm>>
        %dma_start3A_220 = tpu.memref_slice %arg3[%dma_start3A_217, %multiple_of3A_216] : memref<2x320000xi32, #tpu.memory_space<hbm>> -> memref<1x80xi32, #tpu.memory_space<hbm>>
        %dma_start3A_221 = tpu.memref_squeeze %dma_start3A_220 : memref<1x80xi32, #tpu.memory_space<hbm>> -> memref<80xi32, #tpu.memory_space<hbm>>
        tpu.enqueue_dma source(%dma_start3A_221 : memref<80xi32, #tpu.memory_space<hbm>>) target(%arg7 : memref<80xi32, #tpu.memory_space<vmem>>) target_semaphore(%arg18 : memref<!tpu.dma_semaphore, #tpu.memory_space<semaphore_mem>>)
        %dma_start3A_222 = arith.constant 1 : i32
        %dma_start3A_223 = tpu.memref_slice %arg3[%dma_start3A_222, %multiple_of3A_216] : memref<2x320000xi32, #tpu.memory_space<hbm>> -> memref<1x80xi32, #tpu.memory_space<hbm>>
        %dma_start3A_224 = tpu.memref_squeeze %dma_start3A_223 : memref<1x80xi32, #tpu.memory_space<hbm>> -> memref<80xi32, #tpu.memory_space<hbm>>
        %dma_start3A_225 = tpu.memref_slice %arg3[%dma_start3A_222, %multiple_of3A_216] : memref<2x320000xi32, #tpu.memory_space<hbm>> -> memref<1x80xi32, #tpu.memory_space<hbm>>
        %dma_start3A_226 = tpu.memref_squeeze %dma_start3A_225 : memref<1x80xi32, #tpu.memory_space<hbm>> -> memref<80xi32, #tpu.memory_space<hbm>>
        tpu.enqueue_dma source(%dma_start3A_226 : memref<80xi32, #tpu.memory_space<hbm>>) target(%arg11 : memref<80xi32, #tpu.memory_space<vmem>>) target_semaphore(%arg18 : memref<!tpu.dma_semaphore, #tpu.memory_space<semaphore_mem>>)
      } else {
      }
      %mul3A_157 = arith.constant 4 : i32
      %mul3A_158 = arith.muli %scan3A_105, %mul3A_157 : i32
      %add3A_159 = arith.constant 2 : i32
      %add3A_160 = arith.addi %mul3A_158, %add3A_159 : i32
      %dma_wait3A_161 = arith.constant 0 : i32
      %dma_wait3A_162 = arith.constant 0 : i32
      %dma_wait3A_163 = tpu.memref_slice %arg2[%dma_wait3A_161, %dma_wait3A_162] : memref<10000x128xf32, #tpu.memory_space<hbm>> -> memref<10000x128xf32, #tpu.memory_space<hbm>>
      tpu.wait_indirect_dma semaphore(%arg21 : memref<!tpu.dma_semaphore, #tpu.memory_space<semaphore_mem>>) src(%dma_wait3A_163 : memref<10000x128xf32, #tpu.memory_space<hbm>>) dst(%arg14 : memref<80x128xf32, #tpu.memory_space<vmem>>)
      %dma_start3A_164 = arith.constant 0 : i32
      %dma_start3A_165 = arith.constant 0 : i32
      %dma_start3A_166 = tpu.memref_slice %arg16[%dma_start3A_164, %dma_start3A_165] : memref<10112x128xf32, #tpu.memory_space<vmem_shared>> -> memref<10112x128xf32, #tpu.memory_space<vmem_shared>>
      tpu.enqueue_indirect_dma source(%arg14 : memref<80x128xf32, #tpu.memory_space<vmem>>) target(%dma_start3A_166 : memref<10112x128xf32, #tpu.memory_space<vmem_shared>>) offsets(%arg12 : memref<80xi32, #tpu.memory_space<vmem>>) semaphore(%arg23 : memref<!tpu.dma_semaphore, #tpu.memory_space<semaphore_mem>>) {add = true}
      %dma_wait3A_167 = arith.constant 0 : i32
      %dma_wait3A_168 = arith.constant 0 : i32
      %dma_wait3A_169 = tpu.memref_slice %arg16[%dma_wait3A_167, %dma_wait3A_168] : memref<10112x128xf32, #tpu.memory_space<vmem_shared>> -> memref<10112x128xf32, #tpu.memory_space<vmem_shared>>
      tpu.wait_indirect_dma semaphore(%arg23 : memref<!tpu.dma_semaphore, #tpu.memory_space<semaphore_mem>>) src(%arg14 : memref<80x128xf32, #tpu.memory_space<vmem>>) dst(%dma_wait3A_169 : memref<10112x128xf32, #tpu.memory_space<vmem_shared>>)
      %add3A_170 = arith.constant 2 : i32
      %add3A_171 = arith.addi %add3A_160, %add3A_170 : i32
      %lt3A_172 = arith.constant 125 : i32
      %lt3A_173 = arith.cmpi slt, %add3A_171, %lt3A_172 : i32
      %convert_element_type3A_174 = arith.extui %lt3A_173 : i1 to i32
      %cond3A_175 = arith.constant 0 : i32
      %cond3A_176 = arith.cmpi ne, %convert_element_type3A_174, %cond3A_175 : i32
      scf.if %cond3A_176 {
        %add3A_211 = arith.constant 2 : i32
        %add3A_212 = arith.addi %add3A_160, %add3A_211 : i32
        %mul3A_213 = arith.constant 80 : i32
        %mul3A_214 = arith.muli %add3A_212, %mul3A_213 : i32
        %add3A_215 = arith.addi %mul3A_2, %mul3A_214 : i32
        %multiple_of3A_216 = tpu.assume_multiple %add3A_215, 8 : i32
        %dma_wait3A_217 = arith.constant 0 : i32
        %dma_wait3A_218 = tpu.memref_slice %arg3[%dma_wait3A_217, %multiple_of3A_216] : memref<2x320000xi32, #tpu.memory_space<hbm>> -> memref<1x80xi32, #tpu.memory_space<hbm>>
        %dma_wait3A_219 = tpu.memref_squeeze %dma_wait3A_218 : memref<1x80xi32, #tpu.memory_space<hbm>> -> memref<80xi32, #tpu.memory_space<hbm>>
        %dma_wait3A_220 = tpu.memref_slice %arg3[%dma_wait3A_217, %multiple_of3A_216] : memref<2x320000xi32, #tpu.memory_space<hbm>> -> memref<1x80xi32, #tpu.memory_space<hbm>>
        %dma_wait3A_221 = tpu.memref_squeeze %dma_wait3A_220 : memref<1x80xi32, #tpu.memory_space<hbm>> -> memref<80xi32, #tpu.memory_space<hbm>>
        tpu.wait_dma2 semaphore(%arg17 : memref<!tpu.dma_semaphore, #tpu.memory_space<semaphore_mem>>) src(%dma_wait3A_221 : memref<80xi32, #tpu.memory_space<hbm>>) dst(%arg6 : memref<80xi32, #tpu.memory_space<vmem>>)
        %dma_wait3A_222 = arith.constant 1 : i32
        %dma_wait3A_223 = tpu.memref_slice %arg3[%dma_wait3A_222, %multiple_of3A_216] : memref<2x320000xi32, #tpu.memory_space<hbm>> -> memref<1x80xi32, #tpu.memory_space<hbm>>
        %dma_wait3A_224 = tpu.memref_squeeze %dma_wait3A_223 : memref<1x80xi32, #tpu.memory_space<hbm>> -> memref<80xi32, #tpu.memory_space<hbm>>
        %dma_wait3A_225 = tpu.memref_slice %arg3[%dma_wait3A_222, %multiple_of3A_216] : memref<2x320000xi32, #tpu.memory_space<hbm>> -> memref<1x80xi32, #tpu.memory_space<hbm>>
        %dma_wait3A_226 = tpu.memref_squeeze %dma_wait3A_225 : memref<1x80xi32, #tpu.memory_space<hbm>> -> memref<80xi32, #tpu.memory_space<hbm>>
        tpu.wait_dma2 semaphore(%arg17 : memref<!tpu.dma_semaphore, #tpu.memory_space<semaphore_mem>>) src(%dma_wait3A_226 : memref<80xi32, #tpu.memory_space<hbm>>) dst(%arg10 : memref<80xi32, #tpu.memory_space<vmem>>)
        %add3A_227 = arith.constant 2 : i32
        %add3A_228 = arith.addi %add3A_160, %add3A_227 : i32
        %dma_start3A_229 = arith.constant 0 : i32
        %dma_start3A_230 = arith.constant 0 : i32
        %dma_start3A_231 = tpu.memref_slice %arg2[%dma_start3A_229, %dma_start3A_230] : memref<10000x128xf32, #tpu.memory_space<hbm>> -> memref<10000x128xf32, #tpu.memory_space<hbm>>
        tpu.enqueue_indirect_dma source(%dma_start3A_231 : memref<10000x128xf32, #tpu.memory_space<hbm>>) target(%arg14 : memref<80x128xf32, #tpu.memory_space<vmem>>) offsets(%arg6 : memref<80xi32, #tpu.memory_space<vmem>>) semaphore(%arg21 : memref<!tpu.dma_semaphore, #tpu.memory_space<semaphore_mem>>)
      } else {
      }
      %add3A_177 = arith.constant 4 : i32
      %add3A_178 = arith.addi %add3A_160, %add3A_177 : i32
      %lt3A_179 = arith.constant 125 : i32
      %lt3A_180 = arith.cmpi slt, %add3A_178, %lt3A_179 : i32
      %convert_element_type3A_181 = arith.extui %lt3A_180 : i1 to i32
      %cond3A_182 = arith.constant 0 : i32
      %cond3A_183 = arith.cmpi ne, %convert_element_type3A_181, %cond3A_182 : i32
      scf.if %cond3A_183 {
        %add3A_211 = arith.constant 4 : i32
        %add3A_212 = arith.addi %add3A_160, %add3A_211 : i32
        %mul3A_213 = arith.constant 80 : i32
        %mul3A_214 = arith.muli %add3A_212, %mul3A_213 : i32
        %add3A_215 = arith.addi %mul3A_2, %mul3A_214 : i32
        %multiple_of3A_216 = tpu.assume_multiple %add3A_215, 8 : i32
        %dma_start3A_217 = arith.constant 0 : i32
        %dma_start3A_218 = tpu.memref_slice %arg3[%dma_start3A_217, %multiple_of3A_216] : memref<2x320000xi32, #tpu.memory_space<hbm>> -> memref<1x80xi32, #tpu.memory_space<hbm>>
        %dma_start3A_219 = tpu.memref_squeeze %dma_start3A_218 : memref<1x80xi32, #tpu.memory_space<hbm>> -> memref<80xi32, #tpu.memory_space<hbm>>
        %dma_start3A_220 = tpu.memref_slice %arg3[%dma_start3A_217, %multiple_of3A_216] : memref<2x320000xi32, #tpu.memory_space<hbm>> -> memref<1x80xi32, #tpu.memory_space<hbm>>
        %dma_start3A_221 = tpu.memref_squeeze %dma_start3A_220 : memref<1x80xi32, #tpu.memory_space<hbm>> -> memref<80xi32, #tpu.memory_space<hbm>>
        tpu.enqueue_dma source(%dma_start3A_221 : memref<80xi32, #tpu.memory_space<hbm>>) target(%arg8 : memref<80xi32, #tpu.memory_space<vmem>>) target_semaphore(%arg19 : memref<!tpu.dma_semaphore, #tpu.memory_space<semaphore_mem>>)
        %dma_start3A_222 = arith.constant 1 : i32
        %dma_start3A_223 = tpu.memref_slice %arg3[%dma_start3A_222, %multiple_of3A_216] : memref<2x320000xi32, #tpu.memory_space<hbm>> -> memref<1x80xi32, #tpu.memory_space<hbm>>
        %dma_start3A_224 = tpu.memref_squeeze %dma_start3A_223 : memref<1x80xi32, #tpu.memory_space<hbm>> -> memref<80xi32, #tpu.memory_space<hbm>>
        %dma_start3A_225 = tpu.memref_slice %arg3[%dma_start3A_222, %multiple_of3A_216] : memref<2x320000xi32, #tpu.memory_space<hbm>> -> memref<1x80xi32, #tpu.memory_space<hbm>>
        %dma_start3A_226 = tpu.memref_squeeze %dma_start3A_225 : memref<1x80xi32, #tpu.memory_space<hbm>> -> memref<80xi32, #tpu.memory_space<hbm>>
        tpu.enqueue_dma source(%dma_start3A_226 : memref<80xi32, #tpu.memory_space<hbm>>) target(%arg12 : memref<80xi32, #tpu.memory_space<vmem>>) target_semaphore(%arg19 : memref<!tpu.dma_semaphore, #tpu.memory_space<semaphore_mem>>)
      } else {
      }
      %mul3A_184 = arith.constant 4 : i32
      %mul3A_185 = arith.muli %scan3A_105, %mul3A_184 : i32
      %add3A_186 = arith.constant 3 : i32
      %add3A_187 = arith.addi %mul3A_185, %add3A_186 : i32
      %dma_wait3A_188 = arith.constant 0 : i32
      %dma_wait3A_189 = arith.constant 0 : i32
      %dma_wait3A_190 = tpu.memref_slice %arg2[%dma_wait3A_188, %dma_wait3A_189] : memref<10000x128xf32, #tpu.memory_space<hbm>> -> memref<10000x128xf32, #tpu.memory_space<hbm>>
      tpu.wait_indirect_dma semaphore(%arg22 : memref<!tpu.dma_semaphore, #tpu.memory_space<semaphore_mem>>) src(%dma_wait3A_190 : memref<10000x128xf32, #tpu.memory_space<hbm>>) dst(%arg15 : memref<80x128xf32, #tpu.memory_space<vmem>>)
      %dma_start3A_191 = arith.constant 0 : i32
      %dma_start3A_192 = arith.constant 0 : i32
      %dma_start3A_193 = tpu.memref_slice %arg16[%dma_start3A_191, %dma_start3A_192] : memref<10112x128xf32, #tpu.memory_space<vmem_shared>> -> memref<10112x128xf32, #tpu.memory_space<vmem_shared>>
      tpu.enqueue_indirect_dma source(%arg15 : memref<80x128xf32, #tpu.memory_space<vmem>>) target(%dma_start3A_193 : memref<10112x128xf32, #tpu.memory_space<vmem_shared>>) offsets(%arg13 : memref<80xi32, #tpu.memory_space<vmem>>) semaphore(%arg24 : memref<!tpu.dma_semaphore, #tpu.memory_space<semaphore_mem>>) {add = true}
      %dma_wait3A_194 = arith.constant 0 : i32
      %dma_wait3A_195 = arith.constant 0 : i32
      %dma_wait3A_196 = tpu.memref_slice %arg16[%dma_wait3A_194, %dma_wait3A_195] : memref<10112x128xf32, #tpu.memory_space<vmem_shared>> -> memref<10112x128xf32, #tpu.memory_space<vmem_shared>>
      tpu.wait_indirect_dma semaphore(%arg24 : memref<!tpu.dma_semaphore, #tpu.memory_space<semaphore_mem>>) src(%arg15 : memref<80x128xf32, #tpu.memory_space<vmem>>) dst(%dma_wait3A_196 : memref<10112x128xf32, #tpu.memory_space<vmem_shared>>)
      %add3A_197 = arith.constant 2 : i32
      %add3A_198 = arith.addi %add3A_187, %add3A_197 : i32
      %lt3A_199 = arith.constant 125 : i32
      %lt3A_200 = arith.cmpi slt, %add3A_198, %lt3A_199 : i32
      %convert_element_type3A_201 = arith.extui %lt3A_200 : i1 to i32
      %cond3A_202 = arith.constant 0 : i32
      %cond3A_203 = arith.cmpi ne, %convert_element_type3A_201, %cond3A_202 : i32
      scf.if %cond3A_203 {
        %add3A_211 = arith.constant 2 : i32
        %add3A_212 = arith.addi %add3A_187, %add3A_211 : i32
        %mul3A_213 = arith.constant 80 : i32
        %mul3A_214 = arith.muli %add3A_212, %mul3A_213 : i32
        %add3A_215 = arith.addi %mul3A_2, %mul3A_214 : i32
        %multiple_of3A_216 = tpu.assume_multiple %add3A_215, 8 : i32
        %dma_wait3A_217 = arith.constant 0 : i32
        %dma_wait3A_218 = tpu.memref_slice %arg3[%dma_wait3A_217, %multiple_of3A_216] : memref<2x320000xi32, #tpu.memory_space<hbm>> -> memref<1x80xi32, #tpu.memory_space<hbm>>
        %dma_wait3A_219 = tpu.memref_squeeze %dma_wait3A_218 : memref<1x80xi32, #tpu.memory_space<hbm>> -> memref<80xi32, #tpu.memory_space<hbm>>
        %dma_wait3A_220 = tpu.memref_slice %arg3[%dma_wait3A_217, %multiple_of3A_216] : memref<2x320000xi32, #tpu.memory_space<hbm>> -> memref<1x80xi32, #tpu.memory_space<hbm>>
        %dma_wait3A_221 = tpu.memref_squeeze %dma_wait3A_220 : memref<1x80xi32, #tpu.memory_space<hbm>> -> memref<80xi32, #tpu.memory_space<hbm>>
        tpu.wait_dma2 semaphore(%arg18 : memref<!tpu.dma_semaphore, #tpu.memory_space<semaphore_mem>>) src(%dma_wait3A_221 : memref<80xi32, #tpu.memory_space<hbm>>) dst(%arg7 : memref<80xi32, #tpu.memory_space<vmem>>)
        %dma_wait3A_222 = arith.constant 1 : i32
        %dma_wait3A_223 = tpu.memref_slice %arg3[%dma_wait3A_222, %multiple_of3A_216] : memref<2x320000xi32, #tpu.memory_space<hbm>> -> memref<1x80xi32, #tpu.memory_space<hbm>>
        %dma_wait3A_224 = tpu.memref_squeeze %dma_wait3A_223 : memref<1x80xi32, #tpu.memory_space<hbm>> -> memref<80xi32, #tpu.memory_space<hbm>>
        %dma_wait3A_225 = tpu.memref_slice %arg3[%dma_wait3A_222, %multiple_of3A_216] : memref<2x320000xi32, #tpu.memory_space<hbm>> -> memref<1x80xi32, #tpu.memory_space<hbm>>
        %dma_wait3A_226 = tpu.memref_squeeze %dma_wait3A_225 : memref<1x80xi32, #tpu.memory_space<hbm>> -> memref<80xi32, #tpu.memory_space<hbm>>
        tpu.wait_dma2 semaphore(%arg18 : memref<!tpu.dma_semaphore, #tpu.memory_space<semaphore_mem>>) src(%dma_wait3A_226 : memref<80xi32, #tpu.memory_space<hbm>>) dst(%arg11 : memref<80xi32, #tpu.memory_space<vmem>>)
        %add3A_227 = arith.constant 2 : i32
        %add3A_228 = arith.addi %add3A_187, %add3A_227 : i32
        %dma_start3A_229 = arith.constant 0 : i32
        %dma_start3A_230 = arith.constant 0 : i32
        %dma_start3A_231 = tpu.memref_slice %arg2[%dma_start3A_229, %dma_start3A_230] : memref<10000x128xf32, #tpu.memory_space<hbm>> -> memref<10000x128xf32, #tpu.memory_space<hbm>>
        tpu.enqueue_indirect_dma source(%dma_start3A_231 : memref<10000x128xf32, #tpu.memory_space<hbm>>) target(%arg15 : memref<80x128xf32, #tpu.memory_space<vmem>>) offsets(%arg7 : memref<80xi32, #tpu.memory_space<vmem>>) semaphore(%arg22 : memref<!tpu.dma_semaphore, #tpu.memory_space<semaphore_mem>>)
      } else {
      }
      %add3A_204 = arith.constant 4 : i32
      %add3A_205 = arith.addi %add3A_187, %add3A_204 : i32
      %lt3A_206 = arith.constant 125 : i32
      %lt3A_207 = arith.cmpi slt, %add3A_205, %lt3A_206 : i32
      %convert_element_type3A_208 = arith.extui %lt3A_207 : i1 to i32
      %cond3A_209 = arith.constant 0 : i32
      %cond3A_210 = arith.cmpi ne, %convert_element_type3A_208, %cond3A_209 : i32
      scf.if %cond3A_210 {
        %add3A_211 = arith.constant 4 : i32
        %add3A_212 = arith.addi %add3A_187, %add3A_211 : i32
        %mul3A_213 = arith.constant 80 : i32
        %mul3A_214 = arith.muli %add3A_212, %mul3A_213 : i32
        %add3A_215 = arith.addi %mul3A_2, %mul3A_214 : i32
        %multiple_of3A_216 = tpu.assume_multiple %add3A_215, 8 : i32
        %dma_start3A_217 = arith.constant 0 : i32
        %dma_start3A_218 = tpu.memref_slice %arg3[%dma_start3A_217, %multiple_of3A_216] : memref<2x320000xi32, #tpu.memory_space<hbm>> -> memref<1x80xi32, #tpu.memory_space<hbm>>
        %dma_start3A_219 = tpu.memref_squeeze %dma_start3A_218 : memref<1x80xi32, #tpu.memory_space<hbm>> -> memref<80xi32, #tpu.memory_space<hbm>>
        %dma_start3A_220 = tpu.memref_slice %arg3[%dma_start3A_217, %multiple_of3A_216] : memref<2x320000xi32, #tpu.memory_space<hbm>> -> memref<1x80xi32, #tpu.memory_space<hbm>>
        %dma_start3A_221 = tpu.memref_squeeze %dma_start3A_220 : memref<1x80xi32, #tpu.memory_space<hbm>> -> memref<80xi32, #tpu.memory_space<hbm>>
        tpu.enqueue_dma source(%dma_start3A_221 : memref<80xi32, #tpu.memory_space<hbm>>) target(%arg9 : memref<80xi32, #tpu.memory_space<vmem>>) target_semaphore(%arg20 : memref<!tpu.dma_semaphore, #tpu.memory_space<semaphore_mem>>)
        %dma_start3A_222 = arith.constant 1 : i32
        %dma_start3A_223 = tpu.memref_slice %arg3[%dma_start3A_222, %multiple_of3A_216] : memref<2x320000xi32, #tpu.memory_space<hbm>> -> memref<1x80xi32, #tpu.memory_space<hbm>>
        %dma_start3A_224 = tpu.memref_squeeze %dma_start3A_223 : memref<1x80xi32, #tpu.memory_space<hbm>> -> memref<80xi32, #tpu.memory_space<hbm>>
        %dma_start3A_225 = tpu.memref_slice %arg3[%dma_start3A_222, %multiple_of3A_216] : memref<2x320000xi32, #tpu.memory_space<hbm>> -> memref<1x80xi32, #tpu.memory_space<hbm>>
        %dma_start3A_226 = tpu.memref_squeeze %dma_start3A_225 : memref<1x80xi32, #tpu.memory_space<hbm>> -> memref<80xi32, #tpu.memory_space<hbm>>
        tpu.enqueue_dma source(%dma_start3A_226 : memref<80xi32, #tpu.memory_space<hbm>>) target(%arg13 : memref<80xi32, #tpu.memory_space<vmem>>) target_semaphore(%arg20 : memref<!tpu.dma_semaphore, #tpu.memory_space<semaphore_mem>>)
      } else {
      }
    }
    %scan3A_90 = arith.constant 31 : i32
    %dma_wait3A_91 = arith.constant 0 : i32
    %dma_wait3A_92 = arith.constant 0 : i32
    %dma_wait3A_93 = tpu.memref_slice %arg2[%dma_wait3A_91, %dma_wait3A_92] : memref<10000x128xf32, #tpu.memory_space<hbm>> -> memref<10000x128xf32, #tpu.memory_space<hbm>>
    tpu.wait_indirect_dma semaphore(%arg21 : memref<!tpu.dma_semaphore, #tpu.memory_space<semaphore_mem>>) src(%dma_wait3A_93 : memref<10000x128xf32, #tpu.memory_space<hbm>>) dst(%arg14 : memref<80x128xf32, #tpu.memory_space<vmem>>)
    %dma_start3A_94 = arith.constant 0 : i32
    %dma_start3A_95 = arith.constant 0 : i32
    %dma_start3A_96 = tpu.memref_slice %arg16[%dma_start3A_94, %dma_start3A_95] : memref<10112x128xf32, #tpu.memory_space<vmem_shared>> -> memref<10112x128xf32, #tpu.memory_space<vmem_shared>>
    tpu.enqueue_indirect_dma source(%arg14 : memref<80x128xf32, #tpu.memory_space<vmem>>) target(%dma_start3A_96 : memref<10112x128xf32, #tpu.memory_space<vmem_shared>>) offsets(%arg10 : memref<80xi32, #tpu.memory_space<vmem>>) semaphore(%arg23 : memref<!tpu.dma_semaphore, #tpu.memory_space<semaphore_mem>>) {add = true}
    %dma_wait3A_97 = arith.constant 0 : i32
    %dma_wait3A_98 = arith.constant 0 : i32
    %dma_wait3A_99 = tpu.memref_slice %arg16[%dma_wait3A_97, %dma_wait3A_98] : memref<10112x128xf32, #tpu.memory_space<vmem_shared>> -> memref<10112x128xf32, #tpu.memory_space<vmem_shared>>
    tpu.wait_indirect_dma semaphore(%arg23 : memref<!tpu.dma_semaphore, #tpu.memory_space<semaphore_mem>>) src(%arg14 : memref<80x128xf32, #tpu.memory_space<vmem>>) dst(%dma_wait3A_99 : memref<10112x128xf32, #tpu.memory_space<vmem_shared>>)
    %barrier3A_100 = arith.constant 0 : index
    tpu.barrier barrier_id(%barrier3A_100)
    %mul3A_101 = arith.constant 632 : i32
    %mul3A_102 = arith.muli %arg1, %mul3A_101 : i32
    %mul3A_103 = arith.constant 632 : i32
    %mul3A_104 = arith.muli %arg1, %mul3A_103 : i32
    "tpu.region"() ({
      %run_scoped3A = tpu.sem_alloc : memref<!tpu.dma_semaphore, #tpu.memory_space<semaphore_mem>>
      %dma_start3A_105 = arith.constant 0 : i32
      %dma_start3A_106 = tpu.memref_slice %arg5[%arg0, %mul3A_104, %dma_start3A_105] : memref<2x10112x128xf32, #tpu.memory_space<hbm>> -> memref<1x632x128xf32, #tpu.memory_space<hbm>>
      %dma_start3A_107 = tpu.memref_squeeze %dma_start3A_106 : memref<1x632x128xf32, #tpu.memory_space<hbm>> -> memref<632x128xf32, #tpu.memory_space<hbm>>
      %dma_start3A_108 = arith.constant 0 : i32
      %dma_start3A_109 = tpu.memref_slice %arg16[%mul3A_102, %dma_start3A_108] : memref<10112x128xf32, #tpu.memory_space<vmem_shared>> -> memref<632x128xf32, #tpu.memory_space<vmem_shared>>
      tpu.enqueue_dma source(%dma_start3A_109 : memref<632x128xf32, #tpu.memory_space<vmem_shared>>) target(%dma_start3A_107 : memref<632x128xf32, #tpu.memory_space<hbm>>) target_semaphore(%run_scoped3A : memref<!tpu.dma_semaphore, #tpu.memory_space<semaphore_mem>>)
      %dma_wait3A_110 = arith.constant 0 : i32
      %dma_wait3A_111 = tpu.memref_slice %arg5[%arg0, %mul3A_104, %dma_wait3A_110] : memref<2x10112x128xf32, #tpu.memory_space<hbm>> -> memref<1x632x128xf32, #tpu.memory_space<hbm>>
      %dma_wait3A_112 = tpu.memref_squeeze %dma_wait3A_111 : memref<1x632x128xf32, #tpu.memory_space<hbm>> -> memref<632x128xf32, #tpu.memory_space<hbm>>
      %dma_wait3A_113 = arith.constant 0 : i32
      %dma_wait3A_114 = tpu.memref_slice %arg16[%mul3A_102, %dma_wait3A_113] : memref<10112x128xf32, #tpu.memory_space<vmem_shared>> -> memref<632x128xf32, #tpu.memory_space<vmem_shared>>
      tpu.wait_dma2 semaphore(%run_scoped3A : memref<!tpu.dma_semaphore, #tpu.memory_space<semaphore_mem>>) src(%dma_wait3A_114 : memref<632x128xf32, #tpu.memory_space<vmem_shared>>) dst(%dma_wait3A_112 : memref<632x128xf32, #tpu.memory_space<hbm>>)
      tpu.yield
    }) : () -> ()
    return
  }
}

module attributes {stable_mosaic.version = 14 : i64} {
  func.func @_tc_conv1_body(%arg0: memref<10000x128xf32, #tpu.memory_space<vmem>>, %arg1: memref<2x10112x128xf32, #tpu.memory_space<vmem>>, %arg2: memref<10000x1xi32, #tpu.memory_space<vmem>>, %arg3: memref<128x128xf32, #tpu.memory_space<vmem>>, %arg4: memref<1x128xf32, #tpu.memory_space<vmem>>, %arg5: memref<10000x128xf32, #tpu.memory_space<vmem>>, %arg6: memref<10000x128xf32, #tpu.memory_space<vmem>>) attributes {dimension_semantics = [], scalar_prefetch = 0 : i64, scratch_operands = 0 : i64, tpu.core_type = #tpu.core_type<tc>} {
    %get3A = arith.constant 0 : index
    %get3A_0 = arith.constant 0 : index
    %get3A_1 = vector.load %arg0[%get3A, %get3A_0] : memref<10000x128xf32, #tpu.memory_space<vmem>>, vector<10000x128xf32>
    %get3A_2 = arith.constant 0 : index
    %get3A_3 = arith.constant 0 : index
    %get3A_4 = arith.constant 0 : index
    %get3A_5 = vector.load %arg1[%get3A_2, %get3A_3, %get3A_4] : memref<2x10112x128xf32, #tpu.memory_space<vmem>>, vector<1x10000x128xf32>
    %get3A_6 = vector.shape_cast %get3A_5 : vector<1x10000x128xf32> to vector<10000x128xf32>
    %add3A = arith.addf %get3A_1, %get3A_6 : vector<10000x128xf32>
    %get3A_7 = arith.constant 1 : index
    %get3A_8 = arith.constant 0 : index
    %get3A_9 = arith.constant 0 : index
    %get3A_10 = vector.load %arg1[%get3A_7, %get3A_8, %get3A_9] : memref<2x10112x128xf32, #tpu.memory_space<vmem>>, vector<1x10000x128xf32>
    %get3A_11 = vector.shape_cast %get3A_10 : vector<1x10000x128xf32> to vector<10000x128xf32>
    %add3A_12 = arith.addf %add3A, %get3A_11 : vector<10000x128xf32>
    %get3A_13 = arith.constant 0 : index
    %get3A_14 = arith.constant 0 : index
    %get3A_15 = vector.load %arg2[%get3A_13, %get3A_14] : memref<10000x1xi32, #tpu.memory_space<vmem>>, vector<10000x1xi32>
    %iota3A = tpu.iota {dimensions = array<i32: 1>} : vector<1x64xi32>
    %eq3A = vector.broadcast %get3A_15 : vector<10000x1xi32> to vector<10000x64xi32>
    %eq3A_16 = vector.broadcast %iota3A : vector<1x64xi32> to vector<10000x64xi32>
    %eq3A_17 = arith.cmpi eq, %eq3A, %eq3A_16 : vector<10000x64xi32>
    %convert_element_type3A = arith.extui %eq3A_17 : vector<10000x64xi1> to vector<10000x64xi32>
    %convert_element_type3A_18 = arith.sitofp %convert_element_type3A : vector<10000x64xi32> to vector<10000x64xf32>
    %broadcast_in_dim3A = arith.constant 1.000000e+00 : f32
    %broadcast_in_dim3A_19 = vector.broadcast %broadcast_in_dim3A : f32 to vector<10000x1xf32>
    %dot_general3A = arith.constant dense<0.000000e+00> : vector<64x1xf32>
    %dot_general3A_20 = tpu.matmul %convert_element_type3A_18, %broadcast_in_dim3A_19, %dot_general3A {dimension_numbers = #tpu.dot_dimension_numbers<[0], [0], [1], [1], [0, 1, 1, 1], [], []>, transpose_lhs_hint = false} : vector<10000x64xf32>, vector<10000x1xf32>, vector<64x1xf32> -> vector<64x1xf32>
    %max3A = arith.constant 1.000000e+00 : f32
    %max3A_21 = vector.broadcast %max3A : f32 to vector<64x1xf32>
    %max3A_22 = arith.maximumf %dot_general3A_20, %max3A_21 : vector<64x1xf32>
    %div3A = arith.constant 1.000000e+00 : f32
    %div3A_23 = vector.broadcast %div3A : f32 to vector<64x1xf32>
    %div3A_24 = arith.divf %div3A_23, %max3A_22 : vector<64x1xf32>
    %dot_general3A_25 = arith.constant dense<0.000000e+00> : vector<64x128xf32>
    %dot_general3A_26 = tpu.matmul %convert_element_type3A_18, %add3A_12, %dot_general3A_25 {dimension_numbers = #tpu.dot_dimension_numbers<[0], [0], [1], [1], [0, 1, 1, 1], [], []>, transpose_lhs_hint = false} : vector<10000x64xf32>, vector<10000x128xf32>, vector<64x128xf32> -> vector<64x128xf32>
    %mul3A = vector.broadcast %div3A_24 : vector<64x1xf32> to vector<64x128xf32>
    %mul3A_27 = arith.mulf %dot_general3A_26, %mul3A : vector<64x128xf32>
    %dot_general3A_28 = arith.constant dense<0.000000e+00> : vector<10000x128xf32>
    %dot_general3A_29 = tpu.matmul %convert_element_type3A_18, %mul3A_27, %dot_general3A_28 {dimension_numbers = #tpu.dot_dimension_numbers<[1], [0], [0], [1], [0, 0, 1, 1], [], []>, transpose_lhs_hint = false} : vector<10000x64xf32>, vector<64x128xf32>, vector<10000x128xf32> -> vector<10000x128xf32>
    %add3A_30 = arith.addf %add3A_12, %dot_general3A_29 : vector<10000x128xf32>
    %get3A_31 = arith.constant 0 : index
    %get3A_32 = arith.constant 0 : index
    %get3A_33 = vector.load %arg3[%get3A_31, %get3A_32] : memref<128x128xf32, #tpu.memory_space<vmem>>, vector<128x128xf32>
    %dot_general3A_34 = arith.constant dense<0.000000e+00> : vector<10000x128xf32>
    %dot_general3A_35 = tpu.matmul %add3A_30, %get3A_33, %dot_general3A_34 {dimension_numbers = #tpu.dot_dimension_numbers<[1], [0], [0], [1], [0, 0, 1, 1], [], []>, transpose_lhs_hint = false} : vector<10000x128xf32>, vector<128x128xf32>, vector<10000x128xf32> -> vector<10000x128xf32>
    %max3A_36 = arith.constant 0.000000e+00 : f32
    %max3A_37 = vector.broadcast %max3A_36 : f32 to vector<10000x128xf32>
    %max3A_38 = arith.maximumf %dot_general3A_35, %max3A_37 : vector<10000x128xf32>
    %add3A_39 = arith.addf %max3A_38, %get3A_1 : vector<10000x128xf32>
    %swap3A = arith.constant 0 : index
    %swap3A_40 = arith.constant 0 : index
    %swap3A_41 = vector.load %arg5[%swap3A, %swap3A_40] : memref<10000x128xf32, #tpu.memory_space<vmem>>, vector<10000x128xf32>
    tpu.vector_store %arg5[%swap3A, %swap3A_40], %add3A_39 {strides = array<i32>} : memref<10000x128xf32, #tpu.memory_space<vmem>>, vector<10000x128xf32>,
    %get3A_42 = arith.constant 0 : index
    %get3A_43 = arith.constant 0 : index
    %get3A_44 = vector.load %arg4[%get3A_42, %get3A_43] : memref<1x128xf32, #tpu.memory_space<vmem>>, vector<1x128xf32>
    %add3A_45 = vector.broadcast %get3A_44 : vector<1x128xf32> to vector<10000x128xf32>
    %add3A_46 = arith.addf %add3A_39, %add3A_45 : vector<10000x128xf32>
    %swap3A_47 = arith.constant 0 : index
    %swap3A_48 = arith.constant 0 : index
    %swap3A_49 = vector.load %arg6[%swap3A_47, %swap3A_48] : memref<10000x128xf32, #tpu.memory_space<vmem>>, vector<10000x128xf32>
    tpu.vector_store %arg6[%swap3A_47, %swap3A_48], %add3A_46 {strides = array<i32>} : memref<10000x128xf32, #tpu.memory_space<vmem>>, vector<10000x128xf32>,
    return
  }
}

module attributes {stable_mosaic.version = 14 : i64} {
  func.func @_tc_conv2_body(%arg0: memref<10000x128xf32, #tpu.memory_space<vmem>>, %arg1: memref<2x10112x128xf32, #tpu.memory_space<vmem>>, %arg2: memref<2x10112x16xf32, #tpu.memory_space<vmem>>, %arg3: memref<10000x1xi32, #tpu.memory_space<vmem>>, %arg4: memref<16x128xf32, #tpu.memory_space<vmem>>, %arg5: memref<128x128xf32, #tpu.memory_space<vmem>>, %arg6: memref<1x128xf32, #tpu.memory_space<vmem>>, %arg7: memref<128x128xf32, #tpu.memory_space<vmem>>, %arg8: memref<1x128xf32, #tpu.memory_space<vmem>>, %arg9: memref<128x128xf32, #tpu.memory_space<vmem>>, %arg10: memref<1x128xf32, #tpu.memory_space<vmem>>, %arg11: memref<64x128xf32, #tpu.memory_space<vmem>>) attributes {dimension_semantics = [], scalar_prefetch = 0 : i64, scratch_operands = 0 : i64, tpu.core_type = #tpu.core_type<tc>} {
    %get3A = arith.constant 0 : index
    %get3A_0 = arith.constant 0 : index
    %get3A_1 = vector.load %arg0[%get3A, %get3A_0] : memref<10000x128xf32, #tpu.memory_space<vmem>>, vector<10000x128xf32>
    %get3A_2 = arith.constant 0 : index
    %get3A_3 = arith.constant 0 : index
    %get3A_4 = arith.constant 0 : index
    %get3A_5 = vector.load %arg2[%get3A_2, %get3A_3, %get3A_4] : memref<2x10112x16xf32, #tpu.memory_space<vmem>>, vector<1x10000x16xf32>
    %get3A_6 = vector.shape_cast %get3A_5 : vector<1x10000x16xf32> to vector<10000x16xf32>
    %get3A_7 = arith.constant 1 : index
    %get3A_8 = arith.constant 0 : index
    %get3A_9 = arith.constant 0 : index
    %get3A_10 = vector.load %arg2[%get3A_7, %get3A_8, %get3A_9] : memref<2x10112x16xf32, #tpu.memory_space<vmem>>, vector<1x10000x16xf32>
    %get3A_11 = vector.shape_cast %get3A_10 : vector<1x10000x16xf32> to vector<10000x16xf32>
    %add3A = arith.addf %get3A_6, %get3A_11 : vector<10000x16xf32>
    %get3A_12 = arith.constant 0 : index
    %get3A_13 = arith.constant 0 : index
    %get3A_14 = arith.constant 0 : index
    %get3A_15 = vector.load %arg1[%get3A_12, %get3A_13, %get3A_14] : memref<2x10112x128xf32, #tpu.memory_space<vmem>>, vector<1x10000x128xf32>
    %get3A_16 = vector.shape_cast %get3A_15 : vector<1x10000x128xf32> to vector<10000x128xf32>
    %get3A_17 = arith.constant 1 : index
    %get3A_18 = arith.constant 0 : index
    %get3A_19 = arith.constant 0 : index
    %get3A_20 = vector.load %arg1[%get3A_17, %get3A_18, %get3A_19] : memref<2x10112x128xf32, #tpu.memory_space<vmem>>, vector<1x10000x128xf32>
    %get3A_21 = vector.shape_cast %get3A_20 : vector<1x10000x128xf32> to vector<10000x128xf32>
    %add3A_22 = arith.addf %get3A_16, %get3A_21 : vector<10000x128xf32>
    %get3A_23 = arith.constant 0 : index
    %get3A_24 = arith.constant 0 : index
    %get3A_25 = vector.load %arg4[%get3A_23, %get3A_24] : memref<16x128xf32, #tpu.memory_space<vmem>>, vector<16x128xf32>
    %dot_general3A = arith.constant dense<0.000000e+00> : vector<10000x128xf32>
    %dot_general3A_26 = tpu.matmul %add3A, %get3A_25, %dot_general3A {dimension_numbers = #tpu.dot_dimension_numbers<[1], [0], [0], [1], [0, 0, 1, 1], [], []>, transpose_lhs_hint = false} : vector<10000x16xf32>, vector<16x128xf32>, vector<10000x128xf32> -> vector<10000x128xf32>
    %add3A_27 = arith.addf %add3A_22, %dot_general3A_26 : vector<10000x128xf32>
    %get3A_28 = arith.constant 0 : index
    %get3A_29 = arith.constant 0 : index
    %get3A_30 = vector.load %arg5[%get3A_28, %get3A_29] : memref<128x128xf32, #tpu.memory_space<vmem>>, vector<128x128xf32>
    %dot_general3A_31 = arith.constant dense<0.000000e+00> : vector<10000x128xf32>
    %dot_general3A_32 = tpu.matmul %add3A_27, %get3A_30, %dot_general3A_31 {dimension_numbers = #tpu.dot_dimension_numbers<[1], [0], [0], [1], [0, 0, 1, 1], [], []>, transpose_lhs_hint = false} : vector<10000x128xf32>, vector<128x128xf32>, vector<10000x128xf32> -> vector<10000x128xf32>
    %get3A_33 = arith.constant 0 : index
    %get3A_34 = arith.constant 0 : index
    %get3A_35 = vector.load %arg6[%get3A_33, %get3A_34] : memref<1x128xf32, #tpu.memory_space<vmem>>, vector<1x128xf32>
    %add3A_36 = vector.broadcast %get3A_35 : vector<1x128xf32> to vector<10000x128xf32>
    %add3A_37 = arith.addf %dot_general3A_32, %add3A_36 : vector<10000x128xf32>
    %max3A = arith.constant 0.000000e+00 : f32
    %max3A_38 = vector.broadcast %max3A : f32 to vector<10000x128xf32>
    %max3A_39 = arith.maximumf %add3A_37, %max3A_38 : vector<10000x128xf32>
    %get3A_40 = arith.constant 0 : index
    %get3A_41 = arith.constant 0 : index
    %get3A_42 = vector.load %arg7[%get3A_40, %get3A_41] : memref<128x128xf32, #tpu.memory_space<vmem>>, vector<128x128xf32>
    %dot_general3A_43 = arith.constant dense<0.000000e+00> : vector<10000x128xf32>
    %dot_general3A_44 = tpu.matmul %max3A_39, %get3A_42, %dot_general3A_43 {dimension_numbers = #tpu.dot_dimension_numbers<[1], [0], [0], [1], [0, 0, 1, 1], [], []>, transpose_lhs_hint = false} : vector<10000x128xf32>, vector<128x128xf32>, vector<10000x128xf32> -> vector<10000x128xf32>
    %get3A_45 = arith.constant 0 : index
    %get3A_46 = arith.constant 0 : index
    %get3A_47 = vector.load %arg8[%get3A_45, %get3A_46] : memref<1x128xf32, #tpu.memory_space<vmem>>, vector<1x128xf32>
    %add3A_48 = vector.broadcast %get3A_47 : vector<1x128xf32> to vector<10000x128xf32>
    %add3A_49 = arith.addf %dot_general3A_44, %add3A_48 : vector<10000x128xf32>
    %add3A_50 = arith.addf %add3A_49, %get3A_1 : vector<10000x128xf32>
    %get3A_51 = arith.constant 0 : index
    %get3A_52 = arith.constant 0 : index
    %get3A_53 = vector.load %arg3[%get3A_51, %get3A_52] : memref<10000x1xi32, #tpu.memory_space<vmem>>, vector<10000x1xi32>
    %iota3A = tpu.iota {dimensions = array<i32: 1>} : vector<1x64xi32>
    %eq3A = vector.broadcast %get3A_53 : vector<10000x1xi32> to vector<10000x64xi32>
    %eq3A_54 = vector.broadcast %iota3A : vector<1x64xi32> to vector<10000x64xi32>
    %eq3A_55 = arith.cmpi eq, %eq3A, %eq3A_54 : vector<10000x64xi32>
    %convert_element_type3A = arith.extui %eq3A_55 : vector<10000x64xi1> to vector<10000x64xi32>
    %convert_element_type3A_56 = arith.sitofp %convert_element_type3A : vector<10000x64xi32> to vector<10000x64xf32>
    %broadcast_in_dim3A = arith.constant 1.000000e+00 : f32
    %broadcast_in_dim3A_57 = vector.broadcast %broadcast_in_dim3A : f32 to vector<10000x1xf32>
    %dot_general3A_58 = arith.constant dense<0.000000e+00> : vector<64x1xf32>
    %dot_general3A_59 = tpu.matmul %convert_element_type3A_56, %broadcast_in_dim3A_57, %dot_general3A_58 {dimension_numbers = #tpu.dot_dimension_numbers<[0], [0], [1], [1], [0, 1, 1, 1], [], []>, transpose_lhs_hint = false} : vector<10000x64xf32>, vector<10000x1xf32>, vector<64x1xf32> -> vector<64x1xf32>
    %max3A_60 = arith.constant 1.000000e+00 : f32
    %max3A_61 = vector.broadcast %max3A_60 : f32 to vector<64x1xf32>
    %max3A_62 = arith.maximumf %dot_general3A_59, %max3A_61 : vector<64x1xf32>
    %div3A = arith.constant 1.000000e+00 : f32
    %div3A_63 = vector.broadcast %div3A : f32 to vector<64x1xf32>
    %div3A_64 = arith.divf %div3A_63, %max3A_62 : vector<64x1xf32>
    %dot_general3A_65 = arith.constant dense<0.000000e+00> : vector<64x128xf32>
    %dot_general3A_66 = tpu.matmul %convert_element_type3A_56, %add3A_50, %dot_general3A_65 {dimension_numbers = #tpu.dot_dimension_numbers<[0], [0], [1], [1], [0, 1, 1, 1], [], []>, transpose_lhs_hint = false} : vector<10000x64xf32>, vector<10000x128xf32>, vector<64x128xf32> -> vector<64x128xf32>
    %mul3A = vector.broadcast %div3A_64 : vector<64x1xf32> to vector<64x128xf32>
    %mul3A_67 = arith.mulf %dot_general3A_66, %mul3A : vector<64x128xf32>
    %get3A_68 = arith.constant 0 : index
    %get3A_69 = arith.constant 0 : index
    %get3A_70 = vector.load %arg9[%get3A_68, %get3A_69] : memref<128x128xf32, #tpu.memory_space<vmem>>, vector<128x128xf32>
    %dot_general3A_71 = arith.constant dense<0.000000e+00> : vector<64x128xf32>
    %dot_general3A_72 = tpu.matmul %mul3A_67, %get3A_70, %dot_general3A_71 {dimension_numbers = #tpu.dot_dimension_numbers<[1], [0], [0], [1], [0, 0, 1, 1], [], []>, transpose_lhs_hint = false} : vector<64x128xf32>, vector<128x128xf32>, vector<64x128xf32> -> vector<64x128xf32>
    %get3A_73 = arith.constant 0 : index
    %get3A_74 = arith.constant 0 : index
    %get3A_75 = vector.load %arg10[%get3A_73, %get3A_74] : memref<1x128xf32, #tpu.memory_space<vmem>>, vector<1x128xf32>
    %add3A_76 = vector.broadcast %get3A_75 : vector<1x128xf32> to vector<64x128xf32>
    %add3A_77 = arith.addf %dot_general3A_72, %add3A_76 : vector<64x128xf32>
    %swap3A = arith.constant 0 : index
    %swap3A_78 = arith.constant 0 : index
    %swap3A_79 = vector.load %arg11[%swap3A, %swap3A_78] : memref<64x128xf32, #tpu.memory_space<vmem>>, vector<64x128xf32>
    tpu.vector_store %arg11[%swap3A, %swap3A_78], %add3A_77 {strides = array<i32>} : memref<64x128xf32, #tpu.memory_space<vmem>>, vector<64x128xf32>,
    return
  }
}

</mosaic_0001>

<sc_bundles>
// kernel: kernel.6.cloned.1.call-start
scs
__scs_entry_jumppad:
0x0: {  	(pc) =	sbr.rel $0x88, $3  }
0x1: {  	(tag) =	ssettag $0x0;
	lr =	simm.s32 $0x1  }
0x2: {  	[smem:$0x3F94] =	sst lr;
	_ =	strace $0xD0000000  }
0x3: {  	_ = 	snop  }
0x4: {  	_ = 	snop  }
0x5: {  	_ = 	snop  }
0x6: {  	_ = 	snop  }
0x7: {  	_ = 	snop  }
__scs_overlays_trampoline_lowered:
0x8: {  	[smem:$0x3FA3] =	sst s0  }
0x9: {  	[smem:$0x3FA4] =	sst s1  }
0xa: {  	[smem:$0x3FA5] =	sst s2  }
0xb: {  	[smem:$0x3FA6] =	sst s3  }
0xc: {  	[smem:$0x3FA7] =	sst s4  }
0xd: {  	[smem:$0x3FA8] =	sst s5  }
0xe: {  	[smem:$0x3FA9] =	sst s6  }
0xf: {  	[smem:$0x3FAA] =	sst s7  }
0x10: {  	[smem:$0x3FAB] =	sst s8  }
0x11: {  	[smem:$0x3FAC] =	sst s9;
	s0 =	simm.s32 @!p0 $0x0  }
0x12: {  	s1 =	sld [smem:$0x3F92];
	s0 =	simm.s32 @p0 $0x1  }
0x13: {  	[smem:$0x3FAD] =	sst s0;
	s0 =	simm.s32 @!p1 $0x0  }
0x14: {  	s2 =	sld [smem:$0x3F91];
	s0 =	simm.s32 @p1 $0x1  }
0x15: {  	[smem:$0x3FAE] =	sst s0;
	s0 =	simm.s32 @!p2 $0x0  }
0x16: {  	s3 =	sld [smem:$0x3FDB];
	s0 =	simm.s32 @p2 $0x1  }
0x17: {  	s4 =	simm.s32 $0x1BF5;
	[smem:$0x3FB0] =	sst s0  }
0x18: {  	s0 =	sld [smem:$0x3F93];
	_ =	swait.ge [sflag:s4], $0x0  }
0x19: {  	s7 =	sld [smem:$0x3F94]  }
0x1a: {  	s8 =	sadd.s32 $0xFFFFE003, lr  }
0x1b: {  	s9 =	sadd.s32 $0xFFFFFEF7, lr;
	s5 =	simm.s32 $0xFFFFFFFF;
	p2 =	slt.u32 s8, $0xFFFFF086  }
0x1c: {  	p1 =	slt.u32 s9, $0xF7A;
	s5 =	simm.s32 @!p2 $0x0  }
0x1d: {  	s5 =	simm.s32 @p1 $0x1;
	p0 =	seq.s32 s7, s2  }
0x1e: {  	s7 =	smul.u32 @!p0 $0xF7A, s2;
	p2 =	seq.s32 @!p0 s5, $0x0  }
0x1f: {  	s9 =	smul.u32 $0xF7A, s1;
	s8 =	simm.s32 @!p0 $0x1BF5;
	p2 =	por !p2, p0  }
0x20: {  	[sflag:s8] =	ssyncset.s32 @!p0 $0xFFFFF086;
	s6 =	sadd.s32 @!p0 s3, s7;
	s7 =	simm.s32 @!p0 $0x108  }
0x21: {  	s3 =	sadd.s32 s3, s9;
	s6 =	sadd.s32 @!p0 $0x88, s6;
	s7 =	simm.s32 @p2 $0x1082  }
0x22: {  	[simem:s7], [sflag:s8] =	dma.local @!p0 [hbm:s6], $0xF7A  }
0x23: {  	s9 =	sor.u32 $0xD0000000, s2;
	s6 =	simm.s32 $0x108;
	_ =	swait.ge @!p0 [sflag:s8], $0x0  }
0x24: {  	s3 =	sadd.s32 $0x88, s3;
	s6 =	simm.s32 @!p1 $0x1082;
	[sflag:s4] =	ssyncset.s32 $0xFFFFF086  }
0x25: {  	[simem:s6], [sflag:s4] =	dma.local [hbm:s3], $0xF7A  }
0x26: {  	[smem:$0x3F94] =	sst s1;
	(tag) =	ssettag s2;
	_ =	strace s9  }
0x27: {  	s1 =	sld [smem:$0x3FA4]  }
0x28: {  	s2 =	sld [smem:$0x3FA5]  }
0x29: {  	s4 =	sld [smem:$0x3FA7]  }
0x2a: {  	p0 =	seq.s32 s5, $0x0;
	s5 =	sld [smem:$0x3FA8]  }
0x2b: {  	s6 =	sld [smem:$0x3FA9]  }
0x2c: {  	s7 =	sld [smem:$0x3FAA]  }
0x2d: {  	s3 =	simm.s32 $0x108;
	s8 =	sld [smem:$0x3FAB]  }
0x2e: {  	s3 =	simm.s32 @!p0 $0x1082;
	s9 =	sld [smem:$0x3FAC]  }
0x2f: {  	lr =	sadd.s32 s0, s3;
	s0 =	sld [smem:$0x3FA3]  }
0x30: {  	s3 =	sld [smem:$0x3FA6]  }
0x31: {  	[smem:$0x3FAF] =	sst s10  }
0x32: {  	s10 =	sld [smem:$0x3FAD];
	_ =	sdelay $0x3  }
0x33: {  	p0 =	seq.s32 s10, $0x1;
	s10 =	sld [smem:$0x3FAF];
	_ =	sdelay $0x3  }
0x34: {  	[smem:$0x3FAF] =	sst s10  }
0x35: {  	s10 =	sld [smem:$0x3FAE];
	_ =	sdelay $0x3  }
0x36: {  	p1 =	seq.s32 s10, $0x1;
	s10 =	sld [smem:$0x3FAF];
	_ =	sdelay $0x3  }
0x37: {  	[smem:$0x3FAF] =	sst s10  }
0x38: {  	s10 =	sld [smem:$0x3FB0]  }
0x39: {  	_ = 	snop;
	(pc) =	sbr.ind lr, $3  }
0x3a: {  	_ = 	snop  }
0x3b: {  	_ = 	snop  }
0x3c: {  	p2 =	seq.s32 s10, $0x1;
	s10 =	sld [smem:$0x3FAF]  }
0x3d: {  	_ =	shalt  }
0x3e: {  	_ =	shalt  }
0x3f: {  	_ =	shalt  }
0x40: {  	_ =	shalt  }
0x41: {  	_ =	shalt  }
0x42: {  	_ =	shalt  }
0x43: {  	_ =	shalt  }
0x44: {  	_ =	shalt  }
0x45: {  	_ =	shalt  }
0x46: {  	_ =	shalt  }
0x47: {  	_ =	shalt  }
0x48: {  	_ =	shalt  }
0x49: {  	_ =	shalt  }
0x4a: {  	_ =	shalt  }
0x4b: {  	_ =	shalt  }
0x4c: {  	_ =	shalt  }
0x4d: {  	_ =	shalt  }
0x4e: {  	_ =	shalt  }
0x4f: {  	_ =	shalt  }
0x50: {  	_ =	shalt  }
0x51: {  	_ =	shalt  }
0x52: {  	_ =	shalt  }
0x53: {  	_ =	shalt  }
0x54: {  	_ =	shalt  }
0x55: {  	_ =	shalt  }
0x56: {  	_ =	shalt  }
0x57: {  	_ =	shalt  }
0x58: {  	_ =	shalt  }
0x59: {  	_ =	shalt  }
0x5a: {  	_ =	shalt  }
0x5b: {  	_ =	shalt  }
0x5c: {  	_ =	shalt  }
0x5d: {  	_ =	shalt  }
0x5e: {  	_ =	shalt  }
0x5f: {  	_ =	shalt  }
0x60: {  	_ =	shalt  }
0x61: {  	_ =	shalt  }
0x62: {  	_ =	shalt  }
0x63: {  	_ =	shalt  }
0x64: {  	_ =	shalt  }
0x65: {  	_ =	shalt  }
0x66: {  	_ =	shalt  }
0x67: {  	_ =	shalt  }
0x68: {  	_ =	shalt  }
0x69: {  	_ =	shalt  }
0x6a: {  	_ =	shalt  }
0x6b: {  	_ =	shalt  }
0x6c: {  	_ =	shalt  }
0x6d: {  	_ =	shalt  }
0x6e: {  	_ =	shalt  }
0x6f: {  	_ =	shalt  }
0x70: {  	_ =	shalt  }
0x71: {  	_ =	shalt  }
0x72: {  	_ =	shalt  }
0x73: {  	_ =	shalt  }
0x74: {  	_ =	shalt  }
0x75: {  	_ =	shalt  }
0x76: {  	_ =	shalt  }
0x77: {  	_ =	shalt  }
0x78: {  	_ =	shalt  }
0x79: {  	_ =	shalt  }
0x7a: {  	_ =	shalt  }
0x7b: {  	_ =	shalt  }
0x7c: {  	_ =	shalt  }
0x7d: {  	_ =	shalt  }
0x7e: {  	_ =	shalt  }
0x7f: {  	_ =	shalt  }
0x80: {  	_ =	shalt  }
0x81: {  	_ =	shalt  }
0x82: {  	_ =	shalt  }
0x83: {  	_ =	shalt  }
0x84: {  	_ =	shalt  }
0x85: {  	_ =	shalt  }
0x86: {  	_ =	shalt  }
0x87: {  	_ =	shalt  }
.Lfunc_end0:
.L_simem_size_0:
called_computation_lowered:
.L_overlay_start_0:
0x88: {  	s2 =	sld [smem:$0x3FD9]  }
0x89: {  	s3 =	sld [smem:$0x3FFE];
	_ =	sdelay $0x1  }
0x8a: {  	s1 =	srdreg.scid  }
0x8b: {  	s0 =	sand.u32 $0x1, s1  }
0x8c: {  	s17 =	sshll.u32 s0, $0xA;
	s2 =	sadd.s32 s3, s2  }
0x8d: {  	s2 =	sadd.s32 s2, s17  }
0x8e: {  	[smem:$0x3FBB] =	sst s2  }
0x8f: {  	_ = 	snop  }
0x90: {  	s2 =	sld [smem:$0x3FC9];
	(tm) =	ssettm $0x1  }
0x91: {  	s18 =	sld [smem:$0x3FFB];
	_ =	sdelay $0x3  }
0x92: {  	_ =	strace s18  }
0x93: {  	s3 =	sld [smem:$0x3FFC];
	_ =	sdelay $0x3  }
0x94: {  	_ =	strace s3  }
0x95: {  	s3 =	sld [smem:$0x3FFD];
	_ =	sdelay $0x3  }
0x96: {  	_ =	strace s3  }
0x97: {  	_ =	strace $0x8FFFFFFF  }
0x98: {  	s19 =	sld [smem:$0x3FDB];
	_ =	sdelay $0x1  }
0x99: {  	s4 =	simm.s32 $_scs_section_size  }
0x9a: {  	s5 =	simm.s32 $_size__tile_overlayer_lowered;
	s6 =	simm.s32 $_tile_overlayer_lowered  }
0x9b: {  	s22 =	simm.s32 $0x1BFF;
	s21 =	sshll.u32 s6, $0x1;
	s3 =	sadd.s32 s4, s19  }
0x9c: {  	s7 =	simm.s32 $0x0;
	s20 =	sshll.u32 s5, $0x1;
	s5 =	sadd.s32 s21, s3  }
0x9d: {  	[timem:s7], [sflag:s22] =	dma.local [hbm:s5], s20  }
0x9e: {  	_ =	swait.ge [sflag:s22], s20  }
0x9f: {  	s4 =	ssub.s32 $0x0, s20;
	[sflag:s22] =	ssyncset.done $0x0  }
0xa0: {  	[sflag:s22] =	ssyncadd.s32 s4;
	_ =	sdelay $0x1  }
0xa1: {  	s23 =	simm.s32 $0x1B8B  }
0xa2: {  	_ =	swait.ge [sflag:s23], $0x1  }
0xa3: {  	[sflag:s23] =	ssyncset.done $0x0  }
0xa4: {  	s25 =	simm.s32 $0x1B8E;
	s24 =	sld [smem:$0x3FFE];
	[sflag:s23] =	ssyncadd.s32 $0xFFFFFFFF  }
0xa5: {  	s26 =	simm.s32 $execute0_lowered;
	[smem:$0x3FD2] =	sst s25  }
0xa6: {  	s5 =	sshll.u32 s26, $0x1;
	_ =	strace $0x80000046;
	[dreg:$0x1] =	wrdreg $0xFFFFFFFF  }
0xa7: {  	s28 =	simm.s32 $_size_execute0_lowered;
	s3 =	sadd.s32 s3, s5;
	[dreg:$0x0] =	wrdreg $0x0  }
0xa8: {  	s5 =	sshll.u32 s28, $0x1;
	[dreg:$0x2] =	wrdreg s3  }
0xa9: {  	[dreg:$0x3] =	wrdreg s5  }
0xaa: {  	[dreg:$0x4] =	wrdreg $0xC0  }
0xab: {  	_ =	task [dreg:s7], $0x5FFFF  }
0xac: {  	[dreg:$0x1] =	wrdreg $0xFFFFFFFF  }
0xad: {  	[dreg:$0x0] =	wrdreg $0x60  }
0xae: {  	[dreg:$0x2] =	wrdreg s2  }
0xaf: {  	[dreg:$0x3] =	wrdreg s24  }
0xb0: {  	[dreg:$0x4] =	wrdreg $0x52800  }
0xb1: {  	[dreg:$0x5] =	wrdreg $0x1A2800  }
0xb2: {  	[dreg:$0x6] =	wrdreg $0x9  }
0xb3: {  	_ =	task.clear_ibuf [dreg:s7], $0x7FFFF;
	_ =	strace $0x90000046  }
0xb4: {  	s29 =	simm.s32 $0x9;
	_ =	strace $0x80000048  }
0xb5: {  	_ =	swait.ge [sflag:s29], $0x1  }
0xb6: {  	[sflag:s29] =	ssyncadd.s32 $0xFFFFFFFF  }
0xb7: {  	_ =	strace $0x90000048  }
0xb8: {  	_ =	sfence  }
0xb9: {  	s30 =	sld [smem:$0x0];
	_ =	sdelay $0x2  }
0xba: {  	s31 =	sshll.u32 s1, $0xD;
	s1 =	sshrl.u32 s1, $0x2  }
0xbb: {  	s3 =	sand.u32 $0x4000, s31;
	s1 =	sadd.s32 s1, s30  }
0xbc: {  	s0 =	sor.u32 s3, s0;
	s1 =	sshll.u32 s1, $0x11  }
0xbd: {  	s0 =	sor.u32 s1, s0  }
0xbe: {  	s0 =	sadd.s32 $0x8F2B, s0  }
0xbf: {  	[sflag:s0] =	ssyncadd.remote.s32 $0x1  }
0xc0: {  	_ =	sfence.sel $0xFFFF  }
0xc1: {  	[dreg:$0x0] =	wrdreg $0xFFFFFFFF;
	(pc) =	sbr.abs _section_cstart, $3  }
0xc2: {  	[dreg:$0x1] =	wrdreg $0xFFFFFFFF  }
0xc3: {  	_ =	task.clear_ibuf [dreg:s7], $0x2FFFF;
	_ =	strace $0x9FFFFFFF  }
0xc4: {  	(tm) =	ssettm $0x7FFFFFFF  }
0xc5: {  	_ =	shalt  }
tec
execute0_lowered:
.L_overlay_start_1:
0x0: {  	(tag) =	ssettag $0x1  }
0x1: {  	s1 =	rddreg [dreg:$0x0]  }
0x2: {  	s0 =	rddreg [dreg:$0x1]  }
0x3: {  	s3 =	rddreg [dreg:$0x2]  }
0x4: {  	s4 =	rddreg [dreg:$0x3]  }
0x5: {  	s2 =	srdreg.scid;
	s14 =	stileid.u32  }
0x6: {  	s26 =	simm.s32 $0x0;
	s28 =	simm.s32 $0x5;
	s29 =	simm.s32 $0x9  }
0x7: {  	s30 =	simm.s32 $0x8;
	s31 =	simm.s32 $0x4;
	s2 =	sand.u32 $0x1, s2  }
0x8: {  	s5 =	smul.u32 $0x13C00, s14;
	[smem:$0x7FF] =	sst s26;
	s6 =	sadd.s32 $0x3000, s0  }
0x9: {  	s7 =	sadd.s32 $0x16A00, s0;
	s9 =	smul.u32 $0x2780, s14;
	s10 =	sadd.s32 $0xB2E00, s0  }
0xa: {  	s11 =	sadd.s32 $0xB5600, s0;
	s17 =	sshll.u32 s14, $0x1;
	s20 =	sshll.u32 s14, $0x6  }
0xb: {  	s8 =	smul.u32 $0x13C000, s2;
	_ =	strace $0x80000047;
	[dreg:$0x5] =	wrdreg s10  }
0xc: {  	s16 =	smul.u32 $0x27800, s2;
	[dreg:$0x6] =	wrdreg s11;
	s12 =	ssub.s32 $0x2, s2  }
0xd: {  	s2 =	sor.u32 s2, s17;
	s11 =	sor.u32 $0x1C0B, s20;
	s13 =	sshrl.u32 s12, $0x1  }
0xe: {  	[dreg:$0x8] =	wrdreg s11;
	s8 =	sadd.s32 s5, s8;
	s10 =	sadd.s32 s9, s16  }
0xf: {  	s19 =	ssub.s32 s12, s13;
	s5 =	sadd.s32 s5, s3;
	s9 =	sadd.s32 s9, s4  }
0x10: {  	s13 =	simm.s32 $0x4E200;
	s12 =	simm.s32 $0x7;
	s8 =	sshrl.u32 s8, $0x3  }
0x11: {  	s18 =	sshrl.u32 s10, $0x3;
	s10 =	smul.u32 $0x2710, s2;
	[dreg:$0x7] =	wrdreg s5  }
0x12: {  	[dreg:$0x9] =	wrdreg s9;
	s19 =	smax.u32 s19, $0x1;
	s2 =	simm.s32 $0xB  }
0x13: {  	s8 =	sadd.s32 s8, s0;
	[dreg:$0x15] =	wrdreg s19;
	s14 =	sadd.s32 $0xA0, s10  }
0x14: {  	s0 =	sadd.s32 s18, s0;
	s16 =	sadd.s32 $0xF0, s10;
	[dreg:$0xd] =	wrdreg s14  }
0x15: {  	s19 =	simm.s32 $0x230;
	s18 =	sadd.s32 $0xB5C00, s8;
	[dreg:$0xf] =	wrdreg s16  }
0x16: {  	s21 =	sshrl.u32 s10, $0x3;
	s0 =	sadd.s32 $0x104C00, s0;
	[dreg:$0x13] =	wrdreg s18  }
0x17: {  	s8 =	simm.s32 $0x140;
	s5 =	sadd.s32 s7, s21;
	[dreg:$0x14] =	wrdreg s0  }
0x18: {  	s22 =	sadd.s32 s6, s21;
	s23 =	sadd.s32 $0xA, s21;
	[dreg:$0xe] =	wrdreg s5  }
0x19: {  	s15 =	sshrl.u32 s14, $0x3;
	s24 =	sadd.s32 $0x9C40, s22;
	[dreg:$0xa] =	wrdreg s22  }
0x1a: {  	s17 =	sshrl.u32 s16, $0x3;
	s25 =	sadd.s32 s6, s23;
	[dreg:$0xb] =	wrdreg s24  }
0x1b: {  	s16 =	simm.s32 $0x19380;
	s9 =	sadd.s32 s7, s23;
	[dreg:$0xc] =	wrdreg s25  }
0x1c: {  	s18 =	simm.s32 $0x1;
	s5 =	sadd.s32 s6, s15;
	[dreg:$0x10] =	wrdreg s9  }
0x1d: {  	s0 =	simm.s32 $0xA;
	s20 =	sadd.s32 $0x9C4A, s22;
	[dreg:$0x11] =	wrdreg s5  }
0x1e: {  	s14 =	simm.s32 $0x0;
	s21 =	sadd.s32 $0x9C54, s22;
	[dreg:$0x16] =	wrdreg s20  }
0x1f: {  	s22 =	sadd.s32 $0x9C5E, s22;
	s23 =	sadd.s32 $0x140, s10;
	[dreg:$0x17] =	wrdreg s21  }
0x20: {  	s15 =	simm.s32 $0x18E80;
	s5 =	sadd.s32 s6, s17;
	[dreg:$0x18] =	wrdreg s22  }
0x21: {  	[dreg:$0x19] =	wrdreg s23;
	s24 =	sadd.s32 $0x1E0, s10;
	s25 =	sadd.s32 $0x230, s10  }
0x22: {  	s9 =	simm.s32 $0x50;
	s20 =	simm.s32 $0x2;
	[dreg:$0x12] =	wrdreg s5  }
0x23: {  	v0 =	vlaneseq.u32;
	s21 =	simm.s32 $0x280;
	s22 =	simm.s32 $0x2A80;
	[dreg:$0x1a] =	wrdreg s24  }
0x24: {  	v0 =	vmul.u32 $0x50, v0;
	s23 =	simm.s32 $0x3;
	s17 =	simm.s32 $0x6;
	[dreg:$0x1b] =	wrdreg s25  }
.LBB2_1:
0x25: {  	[dreg:$0x1c] =	wrdreg s14  }
0x26: {  	s5 =	rddreg [dreg:$0x7]  }
0x27: {  	s25 =	rddreg [dreg:$0x5];
	s24 =	sshrl.u32 s5, $0x3  }
0x28: {  	[dreg:$0x1d] =	wrdreg s24  }
0x29: {  	[spmem:s24], [sflag:s11] =	dma.local [hbm:s25], $0x2780  }
0x2a: {  	_ =	swait.ge [sflag:s2], $0x2780  }
0x2b: {  	s14 =	rddreg [dreg:$0x9]  }
0x2c: {  	[sflag:s2] =	ssyncset.done $0x0;
	s25 =	rddreg [dreg:$0x6];
	s24 =	sshrl.u32 s14, $0x3  }
0x2d: {  	[sflag:s2] =	ssyncadd.s32 $0xFFFFD880;
	[dreg:$0x1e] =	wrdreg s24  }
0x2e: {  	[spmem:s24], [sflag:s11] =	dma.local [hbm:s25], $0x4F0  }
0x2f: {  	_ =	swait.ge [sflag:s2], $0x4F0  }
0x30: {  	[sflag:s2] =	ssyncset.done $0x0  }
0x31: {  	[sflag:s2] =	ssyncadd.s32 $0xFFFFFB10  }
0x32: {  	[bflag:$0x0] =	sbarrier.arrive $0xFFFF  }
0x33: {  	s14 =	rddreg [dreg:$0xa]  }
0x34: {  	[tilespmem:s26], [sflag:$0x1] =	stream.linear.gather [hbm4b:s14+s26], $0x50, $0x38;
	[tilespmem:$0x1CA00] =	vst v63  }
0x35: {  	s24 =	rddreg [dreg:$0xb]  }
0x36: {  	[tilespmem:s8], [sflag:$0x1] =	stream.linear.gather [hbm4b:s24+s26], $0x50, $0x38;
	[tilespmem:$0x1CA00] =	vst v63  }
0x37: {  	s25 =	rddreg [dreg:$0xc]  }
0x38: {  	[tilespmem:s9], [sflag:$0x2] =	stream.linear.gather [hbm4b:s25+s26], $0x50, $0x38;
	[tilespmem:$0x1CA00] =	vst v63  }
0x39: {  	s11 =	rddreg [dreg:$0x16];
	s14 =	simm.s32 $0x190  }
0x3a: {  	[tilespmem:s14], [sflag:$0x2] =	stream.linear.gather [hbm4b:s11+s26], $0x50, $0x38;
	[tilespmem:$0x1CA00] =	vst v63  }
0x3b: {  	s24 =	rddreg [dreg:$0xe]  }
0x3c: {  	[tilespmem:s15], [sflag:$0x9] =	stream.strided.gather [hbm4b:s24+s9], $0x500, s13, s9, $0x38;
	[tilespmem:$0x1CA00] =	vst v63  }
0x3d: {  	s25 =	rddreg [dreg:$0x10]  }
0x3e: {  	[tilespmem:s16], [sflag:$0xA] =	stream.strided.gather [hbm4b:s25+s9], $0x500, s13, s9, $0x38;
	[tilespmem:$0x1CA00] =	vst v63  }
0x3f: {  	_ =	swait.ge [sflag:s18], $0x50  }
0x40: {  	[sflag:s18] =	ssyncset.done $0x0  }
0x41: {  	[sflag:s18] =	ssyncadd.s32 $0xFFFFFFB0  }
0x42: {  	_ =	swait.ge [sflag:s18], $0x50  }
0x43: {  	[sflag:s18] =	ssyncset.done $0x0  }
0x44: {  	[sflag:s18] =	ssyncadd.s32 $0xFFFFFFB0  }
0x45: {  	_ =	swait.ge [sflag:s20], $0x50  }
0x46: {  	[sflag:s20] =	ssyncset.done $0x0  }
0x47: {  	[sflag:s20] =	ssyncadd.s32 $0xFFFFFFB0  }
0x48: {  	_ =	swait.ge [sflag:s20], $0x50  }
0x49: {  	[sflag:s20] =	ssyncset.done $0x0  }
0x4a: {  	[sflag:s20] =	ssyncadd.s32 $0xFFFFFFB0  }
0x4b: {  	[tilespmem:s21], [sflag:$0x5] =	stream.indirect.gather [hbm4b:s1+s9], $0x80, s26, s9, $0xb8;
	[tilespmem:$0x1CA00] =	vst v63  }
0x4c: {  	_ = 	snop  }
0x4d: {  	[tilespmem:s22], [sflag:$0x6] =	stream.indirect.gather [hbm4b:s1+s9], $0x80, s9, s9, $0xb8;
	[tilespmem:$0x1CA00] =	vst v63  }
0x4e: {  	s14 =	simm.s32 $0xA0;
	s11 =	rddreg [dreg:$0x11]  }
0x4f: {  	[tilespmem:s14], [sflag:$0x3] =	stream.linear.gather [hbm4b:s11+s26], $0x50, $0x38;
	[tilespmem:$0x1CA00] =	vst v63  }
0x50: {  	s25 =	simm.s32 $0x1E0;
	s24 =	rddreg [dreg:$0x17]  }
0x51: {  	[tilespmem:s25], [sflag:$0x3] =	stream.linear.gather [hbm4b:s24+s26], $0x50, $0x38;
	[tilespmem:$0x1CA00] =	vst v63  }
0x52: {  	s14 =	rddreg [dreg:$0x12];
	s24 =	simm.s32 $0xF0  }
0x53: {  	[tilespmem:s24], [sflag:$0x4] =	stream.linear.gather [hbm4b:s14+s26], $0x50, $0x38;
	[tilespmem:$0x1CA00] =	vst v63  }
0x54: {  	s11 =	simm.s32 $0x0;
	s25 =	rddreg [dreg:$0x18]  }
0x55: {  	[tilespmem:s19], [sflag:$0x4] =	stream.linear.gather [hbm4b:s25+s26], $0x50, $0x38;
	[tilespmem:$0x1CA00] =	vst v63  }
.LBB2_2:
0x56: {  	s5 =	simm.s32 $0x0  }
0x57: {  	_ =	swait.ge [sflag:s28], $0x2800;
	v1 =	vmov s5  }
0x58: {  	[sflag:s28] =	ssyncset.done $0x0;
	v1 =	vand.u32 $0x7F, v1  }
0x59: {  	[sflag:s28] =	ssyncadd.s32 $0xFFFFD800;
	v1 =	vadd.s32 v0, v1  }
0x5a: {  	[spmem:s3] =	stream.indirect.scatter.add.f32 [tilespmem:s21], [sflag:$0x7], $0x80, s8, s9, $0xb8;
	[tilespmem:$0x1CA00] =	vst v63  }
0x5b: {  	_ =	swait.ge [sflag:s29], $0x500  }
0x5c: {  	s25 =	simm.s32 $0x1;
	[sflag:s29] =	ssyncset.done $0x0  }
0x5d: {  	v2 =	vmov s25;
	[sflag:s29] =	ssyncadd.s32 $0xFFFFFB00  }
0x5e: {  	v2 =	vand.u32 $0x7F, v2;
	v1 =	vld.idx.msk [tilespmem:v1+s15+$0x0], $0xffff  }
0x5f: {  	v3 =	vadd.s32 v0, v2;
	_ =	sdelay $0x2  }
0x60: {  	s19 =	simm.s32 $0x19880  }
0x61: {  	s26 =	simm.s32 $0x2;
	[tilespmem:s19+$0x0] =	vst v1  }
0x62: {  	s14 =	simm.s32 $0x3;
	v2 =	vmov s26;
	v1 =	vld.idx.msk [tilespmem:v3+s15+$0x0], $0xffff  }
.LBB2_3:
0x63: {  	p0 =	sne.s32 s14, $0x4F;
	v2 =	vand.u32 $0x7F, v2  }
0x64: {  	v3 =	vadd.s32 v0, v2  }
.Ltmp0:
0x65: {  	(pc) =	sbr.rel @p0 .LBB2_3-.Ltmp0, $4  }
0x66: {  	_ = 	snop  }
0x67: {  	s19 =	sadd.s32 $0x10, s19  }
0x68: {  	[tilespmem:s19+$0x0] =	vst v1  }
0x69: {  	v2 =	vmov s14;
	s14 =	sadd.s32 $0x1, s14;
	v1 =	vld.idx.msk [tilespmem:v3+s15+$0x0], $0xffff  }
0x6a: {  	v2 =	vand.u32 $0x7F, v2  }
0x6b: {  	v2 =	vadd.s32 v0, v2;
	_ =	sdelay $0x2  }
0x6c: {  	s5 =	sadd.s32 $0x10, s19  }
0x6d: {  	[tilespmem:s5+$0x0] =	vst v1  }
0x6e: {  	v1 =	vld.idx.msk [tilespmem:v2+s15+$0x0], $0xffff;
	_ =	sdelay $0x3  }
0x6f: {  	s5 =	sadd.s32 $0x10, s5  }
0x70: {  	s14 =	simm.s32 $0x19880;
	[tilespmem:s5+$0x0] =	vst v1  }
0x71: {  	[spmem:s4] =	stream.indirect.scatter.add.f32 [tilespmem:s14], [sflag:$0xB], $0x10, s8, s9, $0xb8;
	[tilespmem:$0x1CA00] =	vst v63  }
0x72: {  	s25 =	smul.u32 $0x140, s11;
	_ =	swait.ge [sflag:s2], $0x500  }
0x73: {  	s19 =	rddreg [dreg:$0xd]  }
0x74: {  	s5 =	sadd.s32 s19, s25  }
0x75: {  	[sflag:s2] =	ssyncset.done $0x0;
	s5 =	sshrl.u32 s5, $0x3  }
0x76: {  	[sflag:s2] =	ssyncadd.s32 $0xFFFFFB00;
	s5 =	sadd.s32 s7, s5  }
0x77: {  	[tilespmem:s15], [sflag:$0x9] =	stream.strided.gather [hbm4b:s5+s9], $0x500, s13, s9, $0x38;
	[tilespmem:$0x1CA00] =	vst v63  }
0x78: {  	_ =	swait.ge [sflag:s12], $0x2800  }
0x79: {  	[sflag:s12] =	ssyncset.done $0x0  }
0x7a: {  	[sflag:s12] =	ssyncadd.s32 $0xFFFFD800  }
0x7b: {  	_ =	swait.ge [sflag:s23], $0x50  }
0x7c: {  	[sflag:s23] =	ssyncset.done $0x0  }
0x7d: {  	[sflag:s23] =	ssyncadd.s32 $0xFFFFFFB0  }
0x7e: {  	_ =	swait.ge [sflag:s23], $0x50  }
0x7f: {  	[sflag:s23] =	ssyncset.done $0x0;
	s26 =	rddreg [dreg:$0x19]  }
0x80: {  	s24 =	simm.s32 $0xA0;
	[sflag:s23] =	ssyncadd.s32 $0xFFFFFFB0;
	s5 =	sadd.s32 s25, s26  }
0x81: {  	[tilespmem:s21], [sflag:$0x5] =	stream.indirect.gather [hbm4b:s1+s9], $0x80, s24, s9, $0xb8;
	[tilespmem:$0x1CA00] =	vst v63  }
0x82: {  	s19 =	sshrl.u32 s5, $0x3  }
0x83: {  	s14 =	simm.s32 $0x0;
	s5 =	sadd.s32 s6, s19  }
0x84: {  	[tilespmem:s14], [sflag:$0x1] =	stream.linear.gather [hbm4b:s5+s14], $0x50, $0x38;
	[tilespmem:$0x1CA00] =	vst v63  }
0x85: {  	s5 =	sadd.s32 $0x9C40, s5  }
0x86: {  	[tilespmem:s8], [sflag:$0x1] =	stream.linear.gather [hbm4b:s5+s14], $0x50, $0x38;
	[tilespmem:$0x1CA00] =	vst v63  }
0x87: {  	v1 =	vmov s14;
	_ =	swait.ge [sflag:s17], $0x2800  }
0x88: {  	v1 =	vand.u32 $0x7F, v1;
	[sflag:s17] =	ssyncset.done $0x0  }
0x89: {  	v1 =	vadd.s32 v0, v1;
	s14 =	simm.s32 $0x190;
	[sflag:s17] =	ssyncadd.s32 $0xFFFFD800  }
0x8a: {  	[spmem:s3] =	stream.indirect.scatter.add.f32 [tilespmem:s22], [sflag:$0x8], $0x80, s14, s9, $0xb8;
	[tilespmem:$0x1CA00] =	vst v63  }
0x8b: {  	_ =	swait.ge [sflag:s0], $0x500  }
0x8c: {  	s24 =	simm.s32 $0x1;
	[sflag:s0] =	ssyncset.done $0x0  }
0x8d: {  	v2 =	vmov s24;
	[sflag:s0] =	ssyncadd.s32 $0xFFFFFB00  }
0x8e: {  	v2 =	vand.u32 $0x7F, v2;
	v1 =	vld.idx.msk [tilespmem:v1+s16+$0x0], $0xffff  }
0x8f: {  	v3 =	vadd.s32 v0, v2;
	_ =	sdelay $0x2  }
0x90: {  	s24 =	simm.s32 $0x19D80  }
0x91: {  	s26 =	simm.s32 $0x2;
	[tilespmem:s24+$0x0] =	vst v1  }
0x92: {  	v2 =	vmov s26;
	s14 =	simm.s32 $0x3;
	v1 =	vld.idx.msk [tilespmem:v3+s16+$0x0], $0xffff  }
.LBB2_5:
0x93: {  	p0 =	sne.s32 s14, $0x4F;
	v2 =	vand.u32 $0x7F, v2  }
0x94: {  	v3 =	vadd.s32 v0, v2  }
.Ltmp1:
0x95: {  	(pc) =	sbr.rel @p0 .LBB2_5-.Ltmp1, $4  }
0x96: {  	_ = 	snop  }
0x97: {  	s24 =	sadd.s32 $0x10, s24  }
0x98: {  	[tilespmem:s24+$0x0] =	vst v1  }
0x99: {  	v2 =	vmov s14;
	s14 =	sadd.s32 $0x1, s14;
	v1 =	vld.idx.msk [tilespmem:v3+s16+$0x0], $0xffff  }
0x9a: {  	v2 =	vand.u32 $0x7F, v2  }
0x9b: {  	v2 =	vadd.s32 v0, v2;
	_ =	sdelay $0x2  }
0x9c: {  	s5 =	sadd.s32 $0x10, s24  }
0x9d: {  	[tilespmem:s5+$0x0] =	vst v1  }
0x9e: {  	v1 =	vld.idx.msk [tilespmem:v2+s16+$0x0], $0xffff;
	_ =	sdelay $0x3  }
0x9f: {  	s5 =	sadd.s32 $0x10, s5  }
0xa0: {  	s26 =	simm.s32 $0x190;
	s14 =	simm.s32 $0x19D80;
	[tilespmem:s5+$0x0] =	vst v1  }
0xa1: {  	[spmem:s4] =	stream.indirect.scatter.add.f32 [tilespmem:s14], [sflag:$0xB], $0x10, s26, s9, $0xb8;
	[tilespmem:$0x1CA00] =	vst v63  }
0xa2: {  	_ =	swait.ge [sflag:s2], $0x500  }
0xa3: {  	s14 =	rddreg [dreg:$0xf]  }
0xa4: {  	s5 =	sadd.s32 s14, s25  }
0xa5: {  	[sflag:s2] =	ssyncset.done $0x0;
	s5 =	sshrl.u32 s5, $0x3  }
0xa6: {  	[sflag:s2] =	ssyncadd.s32 $0xFFFFFB00;
	s5 =	sadd.s32 s7, s5  }
0xa7: {  	[tilespmem:s16], [sflag:$0xA] =	stream.strided.gather [hbm4b:s5+s9], $0x500, s13, s9, $0x38;
	[tilespmem:$0x1CA00] =	vst v63  }
0xa8: {  	_ =	swait.ge [sflag:s30], $0x2800  }
0xa9: {  	[sflag:s30] =	ssyncset.done $0x0  }
0xaa: {  	[sflag:s30] =	ssyncadd.s32 $0xFFFFD800  }
0xab: {  	s24 =	sshll.u32 s11, $0x2;
	_ =	swait.ge [sflag:s31], $0x50  }
0xac: {  	p0 =	seq.s32 s11, $0x1E;
	s24 =	sadd.s32 $0x5, s24;
	[sflag:s31] =	ssyncset.done $0x0  }
0xad: {  	s5 =	smul.u32 @!p0 $0x50, s24;
	[sflag:s31] =	ssyncadd.s32 $0xFFFFFFB0  }
0xae: {  	_ =	swait.ge [sflag:s31], $0x50  }
0xaf: {  	s5 =	sadd.s32 @!p0 s10, s5;
	[sflag:s31] =	ssyncset.done $0x0  }
0xb0: {  	s26 =	simm.s32 $0xF0;
	s5 =	sshrl.u32 @!p0 s5, $0x3;
	[sflag:s31] =	ssyncadd.s32 $0xFFFFFFB0  }
0xb1: {  	[tilespmem:s22], [sflag:$0x6] =	stream.indirect.gather [hbm4b:s1+s9], $0x80, s26, s9, $0xb8;
	[tilespmem:$0x1CA00] =	vst v63  }
0xb2: {  	s14 =	simm.s32 @!p0 $0x0;
	s5 =	sadd.s32 @!p0 s6, s5;
	s26 =	simm.s32 @!p0 $0x50  }
0xb3: {  	[tilespmem:s26], [sflag:$0x2] =	stream.linear.gather @!p0 [hbm4b:s5+s14], $0x50, $0x38;
	[tilespmem:$0x1CA00] =	vst v63  }
0xb4: {  	s5 =	sadd.s32 @!p0 $0x9C40, s5;
	s26 =	simm.s32 @!p0 $0x190  }
0xb5: {  	[tilespmem:s26], [sflag:$0x2] =	stream.linear.gather @!p0 [hbm4b:s5+s14], $0x50, $0x38;
	[tilespmem:$0x1CA00] =	vst v63  }
0xb6: {  	s14 =	simm.s32 $0x0  }
0xb7: {  	_ =	swait.ge [sflag:s28], $0x2800;
	v1 =	vmov s14  }
0xb8: {  	[sflag:s28] =	ssyncset.done $0x0;
	v1 =	vand.u32 $0x7F, v1  }
0xb9: {  	s26 =	simm.s32 $0x1E0;
	[sflag:s28] =	ssyncadd.s32 $0xFFFFD800;
	v1 =	vadd.s32 v0, v1  }
0xba: {  	[spmem:s3] =	stream.indirect.scatter.add.f32 [tilespmem:s21], [sflag:$0x7], $0x80, s26, s9, $0xb8;
	[tilespmem:$0x1CA00] =	vst v63  }
0xbb: {  	_ =	swait.ge [sflag:s29], $0x500  }
0xbc: {  	s14 =	simm.s32 $0x1;
	[sflag:s29] =	ssyncset.done $0x0  }
0xbd: {  	v2 =	vmov s14;
	[sflag:s29] =	ssyncadd.s32 $0xFFFFFB00  }
0xbe: {  	v2 =	vand.u32 $0x7F, v2;
	v1 =	vld.idx.msk [tilespmem:v1+s15+$0x0], $0xffff  }
0xbf: {  	v3 =	vadd.s32 v0, v2;
	_ =	sdelay $0x2  }
0xc0: {  	s14 =	simm.s32 $0x19880  }
0xc1: {  	s26 =	simm.s32 $0x2;
	[tilespmem:s14+$0x0] =	vst v1  }
0xc2: {  	s5 =	simm.s32 $0x3;
	v2 =	vmov s26;
	v1 =	vld.idx.msk [tilespmem:v3+s15+$0x0], $0xffff  }
.LBB2_7:
0xc3: {  	p1 =	sne.s32 s5, $0x4F;
	v2 =	vand.u32 $0x7F, v2  }
0xc4: {  	v3 =	vadd.s32 v0, v2  }
.Ltmp2:
0xc5: {  	(pc) =	sbr.rel @p1 .LBB2_7-.Ltmp2, $4  }
0xc6: {  	_ = 	snop  }
0xc7: {  	s14 =	sadd.s32 $0x10, s14  }
0xc8: {  	[tilespmem:s14+$0x0] =	vst v1  }
0xc9: {  	v2 =	vmov s5;
	s5 =	sadd.s32 $0x1, s5;
	v1 =	vld.idx.msk [tilespmem:v3+s15+$0x0], $0xffff  }
0xca: {  	v2 =	vand.u32 $0x7F, v2  }
0xcb: {  	v2 =	vadd.s32 v0, v2;
	_ =	sdelay $0x2  }
0xcc: {  	s5 =	sadd.s32 $0x10, s14  }
0xcd: {  	[tilespmem:s5+$0x0] =	vst v1  }
0xce: {  	v1 =	vld.idx.msk [tilespmem:v2+s15+$0x0], $0xffff;
	_ =	sdelay $0x3  }
0xcf: {  	s5 =	sadd.s32 $0x10, s5  }
0xd0: {  	s14 =	simm.s32 $0x1E0;
	s26 =	simm.s32 $0x19880;
	[tilespmem:s5+$0x0] =	vst v1  }
0xd1: {  	[spmem:s4] =	stream.indirect.scatter.add.f32 [tilespmem:s26], [sflag:$0xB], $0x10, s14, s9, $0xb8;
	[tilespmem:$0x1CA00] =	vst v63  }
0xd2: {  	_ =	swait.ge [sflag:s2], $0x500  }
0xd3: {  	[sflag:s2] =	ssyncset.done $0x0  }
0xd4: {  	s14 =	sadd.s32 s7, s19;
	[sflag:s2] =	ssyncadd.s32 $0xFFFFFB00  }
0xd5: {  	[tilespmem:s15], [sflag:$0x9] =	stream.strided.gather [hbm4b:s14+s9], $0x500, s13, s9, $0x38;
	[tilespmem:$0x1CA00] =	vst v63  }
0xd6: {  	_ =	swait.ge [sflag:s12], $0x2800  }
0xd7: {  	[sflag:s12] =	ssyncset.done $0x0  }
0xd8: {  	[sflag:s12] =	ssyncadd.s32 $0xFFFFD800  }
0xd9: {  	_ =	swait.ge [sflag:s18], $0x50  }
0xda: {  	[sflag:s18] =	ssyncset.done $0x0  }
0xdb: {  	[sflag:s18] =	ssyncadd.s32 $0xFFFFFFB0  }
0xdc: {  	_ =	swait.ge [sflag:s18], $0x50  }
0xdd: {  	[sflag:s18] =	ssyncset.done $0x0;
	s5 =	rddreg [dreg:$0x1a]  }
0xde: {  	s26 =	simm.s32 $0x0;
	[sflag:s18] =	ssyncadd.s32 $0xFFFFFFB0;
	s5 =	sadd.s32 @!p0 s25, s5  }
0xdf: {  	[tilespmem:s21], [sflag:$0x5] =	stream.indirect.gather [hbm4b:s1+s9], $0x80, s26, s9, $0xb8;
	[tilespmem:$0x1CA00] =	vst v63  }
0xe0: {  	s5 =	sshrl.u32 @!p0 s5, $0x3  }
0xe1: {  	s19 =	simm.s32 @!p0 $0xA0;
	s14 =	simm.s32 @!p0 $0x0;
	s5 =	sadd.s32 @!p0 s6, s5  }
0xe2: {  	[tilespmem:s19], [sflag:$0x3] =	stream.linear.gather @!p0 [hbm4b:s5+s14], $0x50, $0x38;
	[tilespmem:$0x1CA00] =	vst v63  }
0xe3: {  	s5 =	sadd.s32 @!p0 $0x9C40, s5;
	s19 =	simm.s32 @!p0 $0x1E0  }
0xe4: {  	[tilespmem:s19], [sflag:$0x3] =	stream.linear.gather @!p0 [hbm4b:s5+s14], $0x50, $0x38;
	[tilespmem:$0x1CA00] =	vst v63  }
0xe5: {  	s19 =	simm.s32 $0x0  }
0xe6: {  	_ =	swait.ge [sflag:s17], $0x2800;
	v1 =	vmov s19  }
0xe7: {  	[sflag:s17] =	ssyncset.done $0x0;
	v1 =	vand.u32 $0x7F, v1  }
0xe8: {  	s19 =	simm.s32 $0x230;
	[sflag:s17] =	ssyncadd.s32 $0xFFFFD800;
	v1 =	vadd.s32 v0, v1  }
0xe9: {  	[spmem:s3] =	stream.indirect.scatter.add.f32 [tilespmem:s22], [sflag:$0x8], $0x80, s19, s9, $0xb8;
	[tilespmem:$0x1CA00] =	vst v63  }
0xea: {  	_ =	swait.ge [sflag:s0], $0x500  }
0xeb: {  	s14 =	simm.s32 $0x1;
	[sflag:s0] =	ssyncset.done $0x0  }
0xec: {  	v2 =	vmov s14;
	[sflag:s0] =	ssyncadd.s32 $0xFFFFFB00  }
0xed: {  	v2 =	vand.u32 $0x7F, v2;
	v1 =	vld.idx.msk [tilespmem:v1+s16+$0x0], $0xffff  }
0xee: {  	v3 =	vadd.s32 v0, v2;
	_ =	sdelay $0x2  }
0xef: {  	s14 =	simm.s32 $0x19D80  }
0xf0: {  	s5 =	simm.s32 $0x2;
	[tilespmem:s14+$0x0] =	vst v1  }
0xf1: {  	v2 =	vmov s5;
	s5 =	simm.s32 $0x3;
	v1 =	vld.idx.msk [tilespmem:v3+s16+$0x0], $0xffff  }
.LBB2_9:
0xf2: {  	p1 =	sne.s32 s5, $0x4F;
	v2 =	vand.u32 $0x7F, v2  }
0xf3: {  	v3 =	vadd.s32 v0, v2  }
.Ltmp3:
0xf4: {  	(pc) =	sbr.rel @p1 .LBB2_9-.Ltmp3, $4  }
0xf5: {  	_ = 	snop  }
0xf6: {  	s14 =	sadd.s32 $0x10, s14  }
0xf7: {  	[tilespmem:s14+$0x0] =	vst v1  }
0xf8: {  	v2 =	vmov s5;
	s5 =	sadd.s32 $0x1, s5;
	v1 =	vld.idx.msk [tilespmem:v3+s16+$0x0], $0xffff  }
0xf9: {  	v2 =	vand.u32 $0x7F, v2  }
0xfa: {  	v2 =	vadd.s32 v0, v2;
	_ =	sdelay $0x2  }
0xfb: {  	s5 =	sadd.s32 $0x10, s14  }
0xfc: {  	[tilespmem:s5+$0x0] =	vst v1  }
0xfd: {  	v1 =	vld.idx.msk [tilespmem:v2+s16+$0x0], $0xffff;
	_ =	sdelay $0x3  }
0xfe: {  	s5 =	sadd.s32 $0x10, s5  }
.Ltmp4:
0xff: {  	s14 =	simm.s32 $0x19D80;
	[tilespmem:s5+$0x0] =	vst v1;
	(pc) =	sbr.rel @p0 .LBB2_12-.Ltmp4, $4  }
0x100: {  	[spmem:s4] =	stream.indirect.scatter.add.f32 [tilespmem:s14], [sflag:$0xB], $0x10, s19, s9, $0xb8;
	[tilespmem:$0x1CA00] =	vst v63  }
0x101: {  	_ =	swait.ge [sflag:s2], $0x500  }
0x102: {  	[sflag:s2] =	ssyncset.done $0x0  }
0x103: {  	[sflag:s2] =	ssyncadd.s32 $0xFFFFFB00  }
0x104: {  	s5 =	smul.u32 $0x50, s24;
	_ =	sdelay $0x1  }
0x105: {  	s5 =	sadd.s32 s10, s5  }
0x106: {  	s5 =	sshrl.u32 s5, $0x3  }
0x107: {  	s5 =	sadd.s32 s7, s5  }
0x108: {  	[tilespmem:s16], [sflag:$0xA] =	stream.strided.gather [hbm4b:s5+s9], $0x500, s13, s9, $0x38;
	[tilespmem:$0x1CA00] =	vst v63  }
0x109: {  	_ =	swait.ge [sflag:s30], $0x2800  }
0x10a: {  	[sflag:s30] =	ssyncset.done $0x0  }
0x10b: {  	[sflag:s30] =	ssyncadd.s32 $0xFFFFD800  }
0x10c: {  	_ =	swait.ge [sflag:s20], $0x50  }
0x10d: {  	[sflag:s20] =	ssyncset.done $0x0  }
0x10e: {  	[sflag:s20] =	ssyncadd.s32 $0xFFFFFFB0  }
0x10f: {  	_ =	swait.ge [sflag:s20], $0x50  }
0x110: {  	[sflag:s20] =	ssyncset.done $0x0;
	s24 =	rddreg [dreg:$0x1b]  }
0x111: {  	[sflag:s20] =	ssyncadd.s32 $0xFFFFFFB0;
	s5 =	sadd.s32 s25, s24  }
0x112: {  	[tilespmem:s22], [sflag:$0x6] =	stream.indirect.gather [hbm4b:s1+s9], $0x80, s9, s9, $0xb8;
	[tilespmem:$0x1CA00] =	vst v63  }
.Ltmp5:
0x113: {  	s5 =	sshrl.u32 s5, $0x3;
	(pc) =	sbr.rel .LBB2_2-.Ltmp5, $4  }
0x114: {  	s14 =	simm.s32 $0xF0;
	s5 =	sadd.s32 s6, s5  }
0x115: {  	[tilespmem:s14], [sflag:$0x4] =	stream.linear.gather [hbm4b:s5+s26], $0x50, $0x38;
	[tilespmem:$0x1CA00] =	vst v63  }
0x116: {  	s11 =	sadd.s32 $0x1, s11;
	s5 =	sadd.s32 $0x9C40, s5  }
0x117: {  	[tilespmem:s19], [sflag:$0x4] =	stream.linear.gather [hbm4b:s5+s26], $0x50, $0x38;
	[tilespmem:$0x1CA00] =	vst v63  }
.LBB2_12:
0x118: {  	_ =	swait.ge [sflag:s30], $0x2800  }
0x119: {  	[sflag:s30] =	ssyncset.done $0x0  }
0x11a: {  	s5 =	simm.s32 $0x0;
	[sflag:s30] =	ssyncadd.s32 $0xFFFFD800  }
0x11b: {  	v1 =	vmov s5;
	_ =	swait.ge [sflag:s28], $0x2800  }
0x11c: {  	v1 =	vand.u32 $0x7F, v1;
	[sflag:s28] =	ssyncset.done $0x0  }
0x11d: {  	v1 =	vadd.s32 v0, v1;
	[sflag:s28] =	ssyncadd.s32 $0xFFFFD800  }
0x11e: {  	[spmem:s3] =	stream.indirect.scatter.add.f32 [tilespmem:s21], [sflag:$0x7], $0x80, s8, s9, $0xb8;
	[tilespmem:$0x1CA00] =	vst v63  }
0x11f: {  	_ =	swait.ge [sflag:s29], $0x500  }
0x120: {  	s24 =	simm.s32 $0x1;
	[sflag:s29] =	ssyncset.done $0x0  }
0x121: {  	v2 =	vmov s24;
	[sflag:s29] =	ssyncadd.s32 $0xFFFFFB00  }
0x122: {  	v2 =	vand.u32 $0x7F, v2;
	v1 =	vld.idx.msk [tilespmem:v1+s15+$0x0], $0xffff  }
0x123: {  	v3 =	vadd.s32 v0, v2;
	_ =	sdelay $0x2  }
0x124: {  	s11 =	simm.s32 $0x19880  }
0x125: {  	s25 =	simm.s32 $0x2;
	[tilespmem:s11+$0x0] =	vst v1  }
0x126: {  	s5 =	simm.s32 $0x3;
	v2 =	vmov s25;
	v1 =	vld.idx.msk [tilespmem:v3+s15+$0x0], $0xffff  }
.LBB2_13:
0x127: {  	p0 =	sne.s32 s5, $0x4F;
	v2 =	vand.u32 $0x7F, v2  }
0x128: {  	v3 =	vadd.s32 v0, v2  }
.Ltmp6:
0x129: {  	(pc) =	sbr.rel @p0 .LBB2_13-.Ltmp6, $4  }
0x12a: {  	_ = 	snop  }
0x12b: {  	s11 =	sadd.s32 $0x10, s11  }
0x12c: {  	[tilespmem:s11+$0x0] =	vst v1  }
0x12d: {  	v2 =	vmov s5;
	s5 =	sadd.s32 $0x1, s5;
	v1 =	vld.idx.msk [tilespmem:v3+s15+$0x0], $0xffff  }
0x12e: {  	v2 =	vand.u32 $0x7F, v2  }
0x12f: {  	v2 =	vadd.s32 v0, v2;
	_ =	sdelay $0x2  }
0x130: {  	s5 =	sadd.s32 $0x10, s11  }
0x131: {  	[tilespmem:s5+$0x0] =	vst v1  }
0x132: {  	v1 =	vld.idx.msk [tilespmem:v2+s15+$0x0], $0xffff;
	_ =	sdelay $0x3  }
0x133: {  	s5 =	sadd.s32 $0x10, s5  }
0x134: {  	s24 =	simm.s32 $0x19880;
	[tilespmem:s5+$0x0] =	vst v1  }
0x135: {  	[spmem:s4] =	stream.indirect.scatter.add.f32 [tilespmem:s24], [sflag:$0xB], $0x10, s8, s9, $0xb8;
	[tilespmem:$0x1CA00] =	vst v63  }
0x136: {  	_ =	swait.ge [sflag:s2], $0x500  }
0x137: {  	[sflag:s2] =	ssyncset.done $0x0  }
0x138: {  	[sflag:s2] =	ssyncadd.s32 $0xFFFFFB00  }
0x139: {  	_ =	swait.ge [sflag:s12], $0x2800  }
0x13a: {  	[sflag:s12] =	ssyncset.done $0x0  }
0x13b: {  	[sflag:s12] =	ssyncadd.s32 $0xFFFFD800  }
0x13c: {  	[bflag:$0x0] =	sbarrier.arrive $0xFFFF  }
0x13d: {  	s11 =	rddreg [dreg:$0x8]  }
0x13e: {  	s25 =	rddreg [dreg:$0x13]  }
0x13f: {  	s14 =	rddreg [dreg:$0x1d]  }
0x140: {  	[hbm:s25], [sflag:s11] =	dma.local [spmem:s14], $0x2780  }
0x141: {  	_ =	swait.ge [sflag:s2], $0x2780  }
0x142: {  	[sflag:s2] =	ssyncset.done $0x0;
	s24 =	rddreg [dreg:$0x14]  }
0x143: {  	s25 =	rddreg [dreg:$0x1e];
	[sflag:s2] =	ssyncadd.s32 $0xFFFFD880  }
0x144: {  	[hbm:s24], [sflag:s11] =	dma.local [spmem:s25], $0x4F0  }
0x145: {  	_ =	swait.ge [sflag:s2], $0x4F0  }
0x146: {  	s24 =	rddreg [dreg:$0x1c]  }
0x147: {  	s25 =	rddreg [dreg:$0x15];
	s14 =	sadd.s32 $0x1, s24  }
0x148: {  	p0 =	sne.s32 s14, s25  }
.Ltmp7:
0x149: {  	_ = 	snop;
	(pc) =	sbr.rel @p0 .LBB2_1-.Ltmp7, $3  }
0x14a: {  	_ =	sdelay $0x1  }
0x14b: {  	[sflag:s2] =	ssyncset.done $0x0  }
0x14c: {  	[sflag:s2] =	ssyncadd.s32 $0xFFFFFB10  }
0x14d: {  	_ =	sfence.sel $0x180000  }
0x14e: {  	[bflag:$0x0] =	sbarrier.arrive $0xFFFF  }
0x14f: {  	_ =	strace $0x90000047  }
0x150: {  	s0 =	stileid.u32;
	[bflag:$0x2] =	sbarrier.arrive $0xFFFF  }
0x151: {  	p0 =	sne.s32 s0, $0x0;
	s0 =	rddreg [dreg:$0x4]  }
0x152: {  	s0 =	sadd.s32 @!p0 $0x100000, s0  }
0x153: {  	[sflag:s0] =	ssyncadd.tile.s32 @!p0 $0x1;
	_ =	shalt  }
.Lfunc_end2:
_tile_overlayer_lowered:
.L_overlay_start_2:
0x154: {  	(tag) =	ssettag $0x2  }
0x155: {  	s0 =	rddreg [dreg:$0x0];
	s2 =	stileid.u32  }
0x156: {  	s1 =	rddreg [dreg:$0x1];
	p0 =	sne.s32 s2, $0x0  }
0x157: {  	s3 =	rddreg [dreg:$0x2];
	[bflag:$0x3] =	sbarrier.arrive $0xFFFF;
	s2 =	simm.s32 @!p0 $0x1C0B  }
0x158: {  	[timem:s3], [sflag:s2] =	dma.local @!p0 [hbm:s0], s1  }
0x159: {  	s0 =	simm.s32 @!p0 $0xB  }
0x15a: {  	_ =	swait.ge @!p0 [sflag:s0], s1  }
0x15b: {  	s1 =	ssub.s32 @!p0 $0x0, s1;
	[sflag:s0] =	ssyncset.done @!p0 $0x0  }
0x15c: {  	[sflag:s0] =	ssyncadd.s32 @!p0 s1  }
0x15d: {  	[bflag:$0x3] =	sbarrier.arrive $0xFFFF  }
0x15e: {  	_ =	shalt  }

// kernel: kernel.9.cloned.1.call-start
scs
__scs_entry_jumppad:
0x0: {  	(pc) =	sbr.rel $0x88, $3  }
0x1: {  	(tag) =	ssettag $0x0;
	lr =	simm.s32 $0x1  }
0x2: {  	[smem:$0x3F94] =	sst lr;
	_ =	strace $0xD0000000  }
0x3: {  	_ = 	snop  }
0x4: {  	_ = 	snop  }
0x5: {  	_ = 	snop  }
0x6: {  	_ = 	snop  }
0x7: {  	_ = 	snop  }
__scs_overlays_trampoline_lowered:
0x8: {  	[smem:$0x3FA3] =	sst s0  }
0x9: {  	[smem:$0x3FA4] =	sst s1  }
0xa: {  	[smem:$0x3FA5] =	sst s2  }
0xb: {  	[smem:$0x3FA6] =	sst s3  }
0xc: {  	[smem:$0x3FA7] =	sst s4  }
0xd: {  	[smem:$0x3FA8] =	sst s5  }
0xe: {  	[smem:$0x3FA9] =	sst s6  }
0xf: {  	[smem:$0x3FAA] =	sst s7  }
0x10: {  	[smem:$0x3FAB] =	sst s8  }
0x11: {  	[smem:$0x3FAC] =	sst s9;
	s0 =	simm.s32 @!p0 $0x0  }
0x12: {  	s1 =	sld [smem:$0x3F92];
	s0 =	simm.s32 @p0 $0x1  }
0x13: {  	[smem:$0x3FAD] =	sst s0;
	s0 =	simm.s32 @!p1 $0x0  }
0x14: {  	s2 =	sld [smem:$0x3F91];
	s0 =	simm.s32 @p1 $0x1  }
0x15: {  	[smem:$0x3FAE] =	sst s0;
	s0 =	simm.s32 @!p2 $0x0  }
0x16: {  	s3 =	sld [smem:$0x3FDB];
	s0 =	simm.s32 @p2 $0x1  }
0x17: {  	s4 =	simm.s32 $0x1BF5;
	[smem:$0x3FB0] =	sst s0  }
0x18: {  	s0 =	sld [smem:$0x3F93];
	_ =	swait.ge [sflag:s4], $0x0  }
0x19: {  	s7 =	sld [smem:$0x3F94]  }
0x1a: {  	s8 =	sadd.s32 $0xFFFFE003, lr  }
0x1b: {  	s9 =	sadd.s32 $0xFFFFFEF7, lr;
	s5 =	simm.s32 $0xFFFFFFFF;
	p2 =	slt.u32 s8, $0xFFFFF086  }
0x1c: {  	p1 =	slt.u32 s9, $0xF7A;
	s5 =	simm.s32 @!p2 $0x0  }
0x1d: {  	s5 =	simm.s32 @p1 $0x1;
	p0 =	seq.s32 s7, s2  }
0x1e: {  	s7 =	smul.u32 @!p0 $0xF7A, s2;
	p2 =	seq.s32 @!p0 s5, $0x0  }
0x1f: {  	s9 =	smul.u32 $0xF7A, s1;
	s8 =	simm.s32 @!p0 $0x1BF5;
	p2 =	por !p2, p0  }
0x20: {  	[sflag:s8] =	ssyncset.s32 @!p0 $0xFFFFF086;
	s6 =	sadd.s32 @!p0 s3, s7;
	s7 =	simm.s32 @!p0 $0x108  }
0x21: {  	s3 =	sadd.s32 s3, s9;
	s6 =	sadd.s32 @!p0 $0x88, s6;
	s7 =	simm.s32 @p2 $0x1082  }
0x22: {  	[simem:s7], [sflag:s8] =	dma.local @!p0 [hbm:s6], $0xF7A  }
0x23: {  	s9 =	sor.u32 $0xD0000000, s2;
	s6 =	simm.s32 $0x108;
	_ =	swait.ge @!p0 [sflag:s8], $0x0  }
0x24: {  	s3 =	sadd.s32 $0x88, s3;
	s6 =	simm.s32 @!p1 $0x1082;
	[sflag:s4] =	ssyncset.s32 $0xFFFFF086  }
0x25: {  	[simem:s6], [sflag:s4] =	dma.local [hbm:s3], $0xF7A  }
0x26: {  	[smem:$0x3F94] =	sst s1;
	(tag) =	ssettag s2;
	_ =	strace s9  }
0x27: {  	s1 =	sld [smem:$0x3FA4]  }
0x28: {  	s2 =	sld [smem:$0x3FA5]  }
0x29: {  	s4 =	sld [smem:$0x3FA7]  }
0x2a: {  	p0 =	seq.s32 s5, $0x0;
	s5 =	sld [smem:$0x3FA8]  }
0x2b: {  	s6 =	sld [smem:$0x3FA9]  }
0x2c: {  	s7 =	sld [smem:$0x3FAA]  }
0x2d: {  	s3 =	simm.s32 $0x108;
	s8 =	sld [smem:$0x3FAB]  }
0x2e: {  	s3 =	simm.s32 @!p0 $0x1082;
	s9 =	sld [smem:$0x3FAC]  }
0x2f: {  	lr =	sadd.s32 s0, s3;
	s0 =	sld [smem:$0x3FA3]  }
0x30: {  	s3 =	sld [smem:$0x3FA6]  }
0x31: {  	[smem:$0x3FAF] =	sst s10  }
0x32: {  	s10 =	sld [smem:$0x3FAD];
	_ =	sdelay $0x3  }
0x33: {  	p0 =	seq.s32 s10, $0x1;
	s10 =	sld [smem:$0x3FAF];
	_ =	sdelay $0x3  }
0x34: {  	[smem:$0x3FAF] =	sst s10  }
0x35: {  	s10 =	sld [smem:$0x3FAE];
	_ =	sdelay $0x3  }
0x36: {  	p1 =	seq.s32 s10, $0x1;
	s10 =	sld [smem:$0x3FAF];
	_ =	sdelay $0x3  }
0x37: {  	[smem:$0x3FAF] =	sst s10  }
0x38: {  	s10 =	sld [smem:$0x3FB0]  }
0x39: {  	_ = 	snop;
	(pc) =	sbr.ind lr, $3  }
0x3a: {  	_ = 	snop  }
0x3b: {  	_ = 	snop  }
0x3c: {  	p2 =	seq.s32 s10, $0x1;
	s10 =	sld [smem:$0x3FAF]  }
0x3d: {  	_ =	shalt  }
0x3e: {  	_ =	shalt  }
0x3f: {  	_ =	shalt  }
0x40: {  	_ =	shalt  }
0x41: {  	_ =	shalt  }
0x42: {  	_ =	shalt  }
0x43: {  	_ =	shalt  }
0x44: {  	_ =	shalt  }
0x45: {  	_ =	shalt  }
0x46: {  	_ =	shalt  }
0x47: {  	_ =	shalt  }
0x48: {  	_ =	shalt  }
0x49: {  	_ =	shalt  }
0x4a: {  	_ =	shalt  }
0x4b: {  	_ =	shalt  }
0x4c: {  	_ =	shalt  }
0x4d: {  	_ =	shalt  }
0x4e: {  	_ =	shalt  }
0x4f: {  	_ =	shalt  }
0x50: {  	_ =	shalt  }
0x51: {  	_ =	shalt  }
0x52: {  	_ =	shalt  }
0x53: {  	_ =	shalt  }
0x54: {  	_ =	shalt  }
0x55: {  	_ =	shalt  }
0x56: {  	_ =	shalt  }
0x57: {  	_ =	shalt  }
0x58: {  	_ =	shalt  }
0x59: {  	_ =	shalt  }
0x5a: {  	_ =	shalt  }
0x5b: {  	_ =	shalt  }
0x5c: {  	_ =	shalt  }
0x5d: {  	_ =	shalt  }
0x5e: {  	_ =	shalt  }
0x5f: {  	_ =	shalt  }
0x60: {  	_ =	shalt  }
0x61: {  	_ =	shalt  }
0x62: {  	_ =	shalt  }
0x63: {  	_ =	shalt  }
0x64: {  	_ =	shalt  }
0x65: {  	_ =	shalt  }
0x66: {  	_ =	shalt  }
0x67: {  	_ =	shalt  }
0x68: {  	_ =	shalt  }
0x69: {  	_ =	shalt  }
0x6a: {  	_ =	shalt  }
0x6b: {  	_ =	shalt  }
0x6c: {  	_ =	shalt  }
0x6d: {  	_ =	shalt  }
0x6e: {  	_ =	shalt  }
0x6f: {  	_ =	shalt  }
0x70: {  	_ =	shalt  }
0x71: {  	_ =	shalt  }
0x72: {  	_ =	shalt  }
0x73: {  	_ =	shalt  }
0x74: {  	_ =	shalt  }
0x75: {  	_ =	shalt  }
0x76: {  	_ =	shalt  }
0x77: {  	_ =	shalt  }
0x78: {  	_ =	shalt  }
0x79: {  	_ =	shalt  }
0x7a: {  	_ =	shalt  }
0x7b: {  	_ =	shalt  }
0x7c: {  	_ =	shalt  }
0x7d: {  	_ =	shalt  }
0x7e: {  	_ =	shalt  }
0x7f: {  	_ =	shalt  }
0x80: {  	_ =	shalt  }
0x81: {  	_ =	shalt  }
0x82: {  	_ =	shalt  }
0x83: {  	_ =	shalt  }
0x84: {  	_ =	shalt  }
0x85: {  	_ =	shalt  }
0x86: {  	_ =	shalt  }
0x87: {  	_ =	shalt  }
.Lfunc_end0:
.L_simem_size_0:
called_computation.1_lowered:
.L_overlay_start_0:
0x88: {  	s2 =	sld [smem:$0x3FD9]  }
0x89: {  	s3 =	sld [smem:$0x3FFE];
	_ =	sdelay $0x1  }
0x8a: {  	s1 =	srdreg.scid  }
0x8b: {  	s0 =	sand.u32 $0x1, s1  }
0x8c: {  	s16 =	sshll.u32 s0, $0xA;
	s2 =	sadd.s32 s3, s2  }
0x8d: {  	s2 =	sadd.s32 s2, s16  }
0x8e: {  	[smem:$0x3FBB] =	sst s2  }
0x8f: {  	_ = 	snop  }
0x90: {  	(tm) =	ssettm $0x1  }
0x91: {  	s17 =	sld [smem:$0x3FFB];
	_ =	sdelay $0x3  }
0x92: {  	_ =	strace s17  }
0x93: {  	s2 =	sld [smem:$0x3FFC];
	_ =	sdelay $0x3  }
0x94: {  	_ =	strace s2  }
0x95: {  	s2 =	sld [smem:$0x3FFD];
	_ =	sdelay $0x3  }
0x96: {  	_ =	strace s2  }
0x97: {  	_ =	strace $0x8FFFFFFF  }
0x98: {  	s18 =	sld [smem:$0x3FDB];
	_ =	sdelay $0x1  }
0x99: {  	s19 =	simm.s32 $_scs_section_size  }
0x9a: {  	s4 =	simm.s32 $_size__tile_overlayer_lowered;
	s5 =	simm.s32 $_tile_overlayer_lowered  }
0x9b: {  	s22 =	simm.s32 $0x1BFF;
	s21 =	sshll.u32 s5, $0x1;
	s2 =	sadd.s32 s19, s18  }
0x9c: {  	s6 =	simm.s32 $0x0;
	s20 =	sshll.u32 s4, $0x1;
	s4 =	sadd.s32 s21, s2  }
0x9d: {  	[timem:s6], [sflag:s22] =	dma.local [hbm:s4], s20  }
0x9e: {  	_ =	swait.ge [sflag:s22], s20  }
0x9f: {  	s3 =	ssub.s32 $0x0, s20;
	[sflag:s22] =	ssyncset.done $0x0  }
0xa0: {  	[sflag:s22] =	ssyncadd.s32 s3;
	_ =	sdelay $0x1  }
0xa1: {  	s23 =	simm.s32 $0x1B8B  }
0xa2: {  	_ =	swait.ge [sflag:s23], $0x1  }
0xa3: {  	[sflag:s23] =	ssyncset.done $0x0  }
0xa4: {  	s25 =	simm.s32 $0x1B8E;
	s24 =	sld [smem:$0x3FFE];
	[sflag:s23] =	ssyncadd.s32 $0xFFFFFFFF  }
0xa5: {  	s26 =	simm.s32 $execute0_lowered;
	[smem:$0x3FD2] =	sst s25  }
0xa6: {  	s4 =	sshll.u32 s26, $0x1;
	_ =	strace $0x80000049;
	[dreg:$0x1] =	wrdreg $0xFFFFFFFF  }
0xa7: {  	s28 =	simm.s32 $_size_execute0_lowered;
	s2 =	sadd.s32 s2, s4;
	[dreg:$0x0] =	wrdreg $0x0  }
0xa8: {  	s4 =	sshll.u32 s28, $0x1;
	[dreg:$0x2] =	wrdreg s2  }
0xa9: {  	[dreg:$0x3] =	wrdreg s4  }
0xaa: {  	[dreg:$0x4] =	wrdreg $0xC0  }
0xab: {  	_ =	task [dreg:s6], $0x5FFFF  }
0xac: {  	[dreg:$0x1] =	wrdreg $0xFFFFFFFF  }
0xad: {  	[dreg:$0x0] =	wrdreg $0x60  }
0xae: {  	[dreg:$0x2] =	wrdreg s24  }
0xaf: {  	[dreg:$0x3] =	wrdreg $0x52800  }
0xb0: {  	[dreg:$0x4] =	wrdreg $0x9  }
0xb1: {  	_ =	task.clear_ibuf [dreg:s6], $0x5FFFF;
	_ =	strace $0x90000049  }
0xb2: {  	s29 =	simm.s32 $0x9;
	_ =	strace $0x8000004B  }
0xb3: {  	_ =	swait.ge [sflag:s29], $0x1  }
0xb4: {  	[sflag:s29] =	ssyncadd.s32 $0xFFFFFFFF  }
0xb5: {  	_ =	strace $0x9000004B  }
0xb6: {  	_ =	sfence  }
0xb7: {  	s30 =	sld [smem:$0x0];
	_ =	sdelay $0x2  }
0xb8: {  	s31 =	sshll.u32 s1, $0xD;
	s1 =	sshrl.u32 s1, $0x2  }
0xb9: {  	s3 =	sand.u32 $0x4000, s31;
	s1 =	sadd.s32 s1, s30  }
0xba: {  	s0 =	sor.u32 s3, s0;
	s1 =	sshll.u32 s1, $0x11  }
0xbb: {  	s0 =	sor.u32 s1, s0  }
0xbc: {  	s0 =	sadd.s32 $0x8F2B, s0  }
0xbd: {  	[sflag:s0] =	ssyncadd.remote.s32 $0x1  }
0xbe: {  	_ =	sfence.sel $0xFFFF  }
0xbf: {  	[dreg:$0x0] =	wrdreg $0xFFFFFFFF;
	(pc) =	sbr.abs _section_cstart, $3  }
0xc0: {  	[dreg:$0x1] =	wrdreg $0xFFFFFFFF  }
0xc1: {  	_ =	task.clear_ibuf [dreg:s6], $0x2FFFF;
	_ =	strace $0x9FFFFFFF  }
0xc2: {  	(tm) =	ssettm $0x7FFFFFFF  }
0xc3: {  	_ =	shalt  }
tec
execute0_lowered:
.L_overlay_start_1:
0x0: {  	(tag) =	ssettag $0x1  }
0x1: {  	s0 =	rddreg [dreg:$0x0]  }
0x2: {  	s2 =	rddreg [dreg:$0x1];
	s3 =	simm.s32 $0x0  }
0x3: {  	s1 =	srdreg.scid;
	s5 =	stileid.u32;
	s29 =	simm.s32 $0x140  }
0x4: {  	s30 =	simm.s32 $0x50;
	[smem:$0x7FF] =	sst s3;
	s1 =	sand.u32 $0x1, s1  }
0x5: {  	s6 =	smul.u32 $0x13C00, s5;
	s4 =	sadd.s32 $0xB5600, s0;
	s11 =	sadd.s32 $0x3000, s0  }
0x6: {  	s8 =	sadd.s32 $0xB2E00, s0;
	s17 =	sshll.u32 s5, $0x1;
	s20 =	smul.u32 $0x4E20, s5  }
0x7: {  	s19 =	sshll.u32 s5, $0x6;
	_ =	strace $0x8000004A;
	s7 =	smul.u32 $0x13C000, s1  }
0x8: {  	[dreg:$0x3] =	wrdreg s8;
	s9 =	ssub.s32 $0x2, s1;
	s8 =	sor.u32 s1, s17  }
0x9: {  	s28 =	sor.u32 $0x1C09, s19;
	s1 =	smul.u32 $0x2710, s1;
	s10 =	sshrl.u32 s9, $0x1  }
0xa: {  	s8 =	smul.u32 $0x2710, s8;
	[dreg:$0x5] =	wrdreg s28;
	s7 =	sadd.s32 s6, s7  }
0xb: {  	s18 =	ssub.s32 s9, s10;
	s6 =	sadd.s32 s6, s2;
	s1 =	sadd.s32 s1, s20  }
0xc: {  	s7 =	sshrl.u32 s7, $0x3;
	[dreg:$0x4] =	wrdreg s6;
	s8 =	sshrl.u32 s8, $0x3  }
0xd: {  	s31 =	sadd.s32 $0x230, s1;
	s9 =	sadd.s32 $0x4E430, s1;
	s12 =	sadd.s32 $0x1E0, s1  }
0xe: {  	s14 =	sadd.s32 $0x4E3E0, s1;
	s16 =	sadd.s32 $0x190, s1;
	s6 =	simm.s32 $0x280  }
0xf: {  	s0 =	sadd.s32 s7, s0;
	s5 =	sadd.s32 s11, s8;
	s8 =	smax.u32 s18, $0x1  }
0x10: {  	s10 =	sshrl.u32 s9, $0x3;
	s13 =	sshrl.u32 s12, $0x3;
	s15 =	sshrl.u32 s14, $0x3  }
0x11: {  	s17 =	sshrl.u32 s16, $0x3;
	s18 =	sadd.s32 $0x4E390, s1;
	s7 =	simm.s32 $0x2A80  }
0x12: {  	s12 =	simm.s32 $0xF0;
	s14 =	simm.s32 $0x5;
	[dreg:$0xe] =	wrdreg s8  }
0x13: {  	s16 =	simm.s32 $0x3;
	s21 =	sadd.s32 $0x9C40, s5;
	[dreg:$0x6] =	wrdreg s5  }
0x14: {  	s9 =	simm.s32 $0x0;
	s22 =	sadd.s32 $0xA, s5;
	[dreg:$0x7] =	wrdreg s21  }
0x15: {  	s23 =	sadd.s32 $0x9C4A, s5;
	s24 =	sadd.s32 $0x14, s5;
	[dreg:$0x8] =	wrdreg s22  }
0x16: {  	s25 =	sadd.s32 $0x9C54, s5;
	s26 =	sadd.s32 $0x1E, s5;
	[dreg:$0x9] =	wrdreg s23  }
0x17: {  	s0 =	sadd.s32 $0x16A00, s0;
	s19 =	sadd.s32 s10, s11;
	[dreg:$0xa] =	wrdreg s24  }
0x18: {  	s20 =	sadd.s32 s13, s11;
	s8 =	simm.s32 $0x9;
	[dreg:$0xb] =	wrdreg s25  }
0x19: {  	s10 =	simm.s32 $0xA0;
	s13 =	simm.s32 $0x230;
	[dreg:$0xc] =	wrdreg s26  }
0x1a: {  	[dreg:$0xd] =	wrdreg s0;
	s0 =	sshrl.u32 s31, $0x3;
	s21 =	sadd.s32 s15, s11  }
0x1b: {  	s22 =	sadd.s32 s17, s11;
	s23 =	sshrl.u32 s18, $0x3;
	s24 =	sadd.s32 $0x4E340, s1  }
0x1c: {  	s25 =	sadd.s32 $0x140, s1;
	s18 =	smov.u32 s11;
	s31 =	sadd.s32 $0x9C5E, s5  }
.Ltmp0:
0x1d: {  	s1 =	simm.s32 $0x2;
	s15 =	simm.s32 $0x7;
	(pc) =	sbr.rel .LBB2_1-.Ltmp0, $4  }
0x1e: {  	s17 =	simm.s32 $0x6;
	s0 =	sadd.s32 s0, s11;
	[dreg:$0x10] =	wrdreg s25  }
0x1f: {  	s23 =	sadd.s32 s23, s11;
	s26 =	sshrl.u32 s24, $0x3;
	[dreg:$0x11] =	wrdreg s31  }
0x20: {  	s24 =	simm.s32 $0x8;
	[dreg:$0xf] =	wrdreg s0;
	s25 =	sadd.s32 s26, s11  }
0x21: {  	s0 =	simm.s32 $0x1;
	s11 =	simm.s32 $0x1E0;
	s26 =	simm.s32 $0x4  }
.LBB2_4:
0x22: {  	_ =	swait.ge [sflag:s17], $0x2800  }
0x23: {  	[sflag:s17] =	ssyncset.done $0x0  }
0x24: {  	[sflag:s17] =	ssyncadd.s32 $0xFFFFD800  }
0x25: {  	[spmem:s2] =	stream.indirect.scatter.add.f32 [tilespmem:s7], [sflag:$0x8], $0x80, s13, s30, $0xb8;
	[tilespmem:$0x18E80] =	vst v63  }
0x26: {  	_ =	swait.ge [sflag:s24], $0x2800  }
0x27: {  	[sflag:s24] =	ssyncset.done $0x0  }
0x28: {  	[sflag:s24] =	ssyncadd.s32 $0xFFFFD800  }
0x29: {  	_ =	swait.ge [sflag:s14], $0x2800  }
0x2a: {  	[sflag:s14] =	ssyncset.done $0x0  }
0x2b: {  	[sflag:s14] =	ssyncadd.s32 $0xFFFFD800  }
0x2c: {  	[spmem:s2] =	stream.indirect.scatter.add.f32 [tilespmem:s6], [sflag:$0x7], $0x80, s29, s30, $0xb8;
	[tilespmem:$0x18E80] =	vst v63  }
0x2d: {  	_ =	swait.ge [sflag:s15], $0x2800  }
0x2e: {  	[sflag:s15] =	ssyncset.done $0x0  }
0x2f: {  	[sflag:s15] =	ssyncadd.s32 $0xFFFFD800  }
0x30: {  	[bflag:$0x0] =	sbarrier.arrive $0xFFFF  }
0x31: {  	s28 =	rddreg [dreg:$0x5]  }
0x32: {  	s5 =	rddreg [dreg:$0xd]  }
0x33: {  	s8 =	rddreg [dreg:$0x13]  }
0x34: {  	[hbm:s5], [sflag:s28] =	dma.local [spmem:s8], $0x2780  }
0x35: {  	s8 =	simm.s32 $0x9  }
0x36: {  	_ =	swait.ge [sflag:s8], $0x2780  }
0x37: {  	s9 =	rddreg [dreg:$0x12]  }
0x38: {  	s31 =	rddreg [dreg:$0xe];
	s9 =	sadd.s32 $0x1, s9  }
0x39: {  	p0 =	sne.s32 s9, s31  }
.Ltmp1:
0x3a: {  	_ = 	snop;
	(pc) =	sbr.rel @!p0 .LBB2_5-.Ltmp1, $3  }
0x3b: {  	_ =	sdelay $0x1  }
0x3c: {  	[sflag:s8] =	ssyncset.done $0x0  }
0x3d: {  	[sflag:s8] =	ssyncadd.s32 $0xFFFFD880  }
.LBB2_1:
0x3e: {  	[dreg:$0x12] =	wrdreg s9  }
0x3f: {  	s5 =	rddreg [dreg:$0x4]  }
0x40: {  	s31 =	rddreg [dreg:$0x3];
	s5 =	sshrl.u32 s5, $0x3  }
0x41: {  	[dreg:$0x13] =	wrdreg s5  }
0x42: {  	[spmem:s5], [sflag:s28] =	dma.local [hbm:s31], $0x2780  }
0x43: {  	_ =	swait.ge [sflag:s8], $0x2780  }
0x44: {  	[sflag:s8] =	ssyncset.done $0x0  }
0x45: {  	[sflag:s8] =	ssyncadd.s32 $0xFFFFD880  }
0x46: {  	[bflag:$0x0] =	sbarrier.arrive $0xFFFF  }
0x47: {  	s8 =	rddreg [dreg:$0x6]  }
0x48: {  	[tilespmem:s3], [sflag:$0x1] =	stream.linear.gather [hbm4b:s8+s3], $0x50, $0x38;
	[tilespmem:$0x18E80] =	vst v63  }
0x49: {  	s9 =	rddreg [dreg:$0x7]  }
0x4a: {  	[tilespmem:s29], [sflag:$0x1] =	stream.linear.gather [hbm4b:s9+s3], $0x50, $0x38;
	[tilespmem:$0x18E80] =	vst v63  }
0x4b: {  	s31 =	rddreg [dreg:$0x8]  }
0x4c: {  	[tilespmem:s30], [sflag:$0x2] =	stream.linear.gather [hbm4b:s31+s3], $0x50, $0x38;
	[tilespmem:$0x18E80] =	vst v63  }
0x4d: {  	s8 =	rddreg [dreg:$0x9];
	s9 =	simm.s32 $0x190  }
0x4e: {  	[tilespmem:s9], [sflag:$0x2] =	stream.linear.gather [hbm4b:s8+s3], $0x50, $0x38;
	[tilespmem:$0x18E80] =	vst v63  }
0x4f: {  	_ =	swait.ge [sflag:s0], $0x50  }
0x50: {  	[sflag:s0] =	ssyncset.done $0x0  }
0x51: {  	[sflag:s0] =	ssyncadd.s32 $0xFFFFFFB0  }
0x52: {  	_ =	swait.ge [sflag:s0], $0x50  }
0x53: {  	[sflag:s0] =	ssyncset.done $0x0  }
0x54: {  	[sflag:s0] =	ssyncadd.s32 $0xFFFFFFB0  }
0x55: {  	_ =	swait.ge [sflag:s1], $0x50  }
0x56: {  	[sflag:s1] =	ssyncset.done $0x0  }
0x57: {  	[sflag:s1] =	ssyncadd.s32 $0xFFFFFFB0  }
0x58: {  	_ =	swait.ge [sflag:s1], $0x50  }
0x59: {  	[sflag:s1] =	ssyncset.done $0x0  }
0x5a: {  	[sflag:s1] =	ssyncadd.s32 $0xFFFFFFB0  }
0x5b: {  	[tilespmem:s6], [sflag:$0x5] =	stream.indirect.gather [hbm4b:s4+s30], $0x80, s3, s30, $0xb8;
	[tilespmem:$0x18E80] =	vst v63  }
0x5c: {  	s31 =	rddreg [dreg:$0xa]  }
0x5d: {  	[tilespmem:s7], [sflag:$0x6] =	stream.indirect.gather [hbm4b:s4+s30], $0x80, s30, s30, $0xb8;
	[tilespmem:$0x18E80] =	vst v63  }
0x5e: {  	s8 =	rddreg [dreg:$0xb]  }
0x5f: {  	[tilespmem:s10], [sflag:$0x3] =	stream.linear.gather [hbm4b:s31+s3], $0x50, $0x38;
	[tilespmem:$0x18E80] =	vst v63  }
0x60: {  	s9 =	rddreg [dreg:$0xc]  }
0x61: {  	[tilespmem:s11], [sflag:$0x3] =	stream.linear.gather [hbm4b:s8+s3], $0x50, $0x38;
	[tilespmem:$0x18E80] =	vst v63  }
0x62: {  	s28 =	rddreg [dreg:$0x10]  }
0x63: {  	[tilespmem:s12], [sflag:$0x4] =	stream.linear.gather [hbm4b:s9+s3], $0x50, $0x38;
	[tilespmem:$0x18E80] =	vst v63  }
0x64: {  	s31 =	rddreg [dreg:$0x11];
	s8 =	simm.s32 $0x0  }
0x65: {  	[tilespmem:s13], [sflag:$0x4] =	stream.linear.gather [hbm4b:s31+s3], $0x50, $0x38;
	[tilespmem:$0x18E80] =	vst v63  }
.LBB2_2:
0x66: {  	_ =	swait.ge [sflag:s14], $0x2800  }
0x67: {  	[sflag:s14] =	ssyncset.done $0x0  }
0x68: {  	[sflag:s14] =	ssyncadd.s32 $0xFFFFD800  }
0x69: {  	[spmem:s2] =	stream.indirect.scatter.add.f32 [tilespmem:s6], [sflag:$0x7], $0x80, s29, s30, $0xb8;
	[tilespmem:$0x18E80] =	vst v63  }
0x6a: {  	_ =	swait.ge [sflag:s15], $0x2800  }
0x6b: {  	[sflag:s15] =	ssyncset.done $0x0  }
0x6c: {  	[sflag:s15] =	ssyncadd.s32 $0xFFFFD800  }
0x6d: {  	_ =	swait.ge [sflag:s16], $0x50  }
0x6e: {  	[sflag:s16] =	ssyncset.done $0x0  }
0x6f: {  	[sflag:s16] =	ssyncadd.s32 $0xFFFFFFB0  }
0x70: {  	_ =	swait.ge [sflag:s16], $0x50  }
0x71: {  	[sflag:s16] =	ssyncset.done $0x0  }
0x72: {  	s9 =	sshrl.u32 s28, $0x3;
	[sflag:s16] =	ssyncadd.s32 $0xFFFFFFB0  }
0x73: {  	[tilespmem:s6], [sflag:$0x5] =	stream.indirect.gather [hbm4b:s4+s30], $0x80, s10, s30, $0xb8;
	[tilespmem:$0x18E80] =	vst v63  }
0x74: {  	s9 =	sadd.s32 s18, s9  }
0x75: {  	[tilespmem:s3], [sflag:$0x1] =	stream.linear.gather [hbm4b:s9+s3], $0x50, $0x38;
	[tilespmem:$0x18E80] =	vst v63  }
0x76: {  	s31 =	sadd.s32 s8, s25  }
0x77: {  	[tilespmem:s29], [sflag:$0x1] =	stream.linear.gather [hbm4b:s31+s3], $0x50, $0x38;
	[tilespmem:$0x18E80] =	vst v63  }
0x78: {  	_ =	swait.ge [sflag:s17], $0x2800  }
0x79: {  	[sflag:s17] =	ssyncset.done $0x0  }
0x7a: {  	s5 =	simm.s32 $0x190;
	[sflag:s17] =	ssyncadd.s32 $0xFFFFD800  }
0x7b: {  	[spmem:s2] =	stream.indirect.scatter.add.f32 [tilespmem:s7], [sflag:$0x8], $0x80, s5, s30, $0xb8;
	[tilespmem:$0x18E80] =	vst v63  }
0x7c: {  	_ =	swait.ge [sflag:s24], $0x2800  }
0x7d: {  	[sflag:s24] =	ssyncset.done $0x0  }
0x7e: {  	[sflag:s24] =	ssyncadd.s32 $0xFFFFD800  }
0x7f: {  	_ =	swait.ge [sflag:s26], $0x50  }
0x80: {  	[sflag:s26] =	ssyncset.done $0x0  }
0x81: {  	[sflag:s26] =	ssyncadd.s32 $0xFFFFFFB0  }
0x82: {  	_ =	swait.ge [sflag:s26], $0x50  }
0x83: {  	[sflag:s26] =	ssyncset.done $0x0  }
0x84: {  	p0 =	seq.s32 s8, $0x4B0;
	[sflag:s26] =	ssyncadd.s32 $0xFFFFFFB0  }
0x85: {  	[tilespmem:s7], [sflag:$0x6] =	stream.indirect.gather [hbm4b:s4+s30], $0x80, s12, s30, $0xb8;
	[tilespmem:$0x18E80] =	vst v63  }
0x86: {  	s9 =	sadd.s32 @!p0 s8, s22;
	s31 =	simm.s32 @!p0 $0x0;
	s5 =	simm.s32 @!p0 $0x50  }
0x87: {  	[tilespmem:s5], [sflag:$0x2] =	stream.linear.gather @!p0 [hbm4b:s9+s31], $0x50, $0x38;
	[tilespmem:$0x18E80] =	vst v63  }
0x88: {  	s5 =	sadd.s32 @!p0 s8, s23;
	s9 =	simm.s32 @!p0 $0x190  }
0x89: {  	[tilespmem:s9], [sflag:$0x2] =	stream.linear.gather @!p0 [hbm4b:s5+s31], $0x50, $0x38;
	[tilespmem:$0x18E80] =	vst v63  }
0x8a: {  	_ =	swait.ge [sflag:s14], $0x2800  }
0x8b: {  	[sflag:s14] =	ssyncset.done $0x0  }
0x8c: {  	[sflag:s14] =	ssyncadd.s32 $0xFFFFD800  }
0x8d: {  	[spmem:s2] =	stream.indirect.scatter.add.f32 [tilespmem:s6], [sflag:$0x7], $0x80, s11, s30, $0xb8;
	[tilespmem:$0x18E80] =	vst v63  }
0x8e: {  	_ =	swait.ge [sflag:s15], $0x2800  }
0x8f: {  	[sflag:s15] =	ssyncset.done $0x0  }
0x90: {  	[sflag:s15] =	ssyncadd.s32 $0xFFFFD800  }
0x91: {  	_ =	swait.ge [sflag:s0], $0x50  }
0x92: {  	[sflag:s0] =	ssyncset.done $0x0  }
.Ltmp2:
0x93: {  	[sflag:s0] =	ssyncadd.s32 $0xFFFFFFB0;
	(pc) =	sbr.rel @p0 .LBB2_4-.Ltmp2, $4  }
0x94: {  	_ =	swait.ge [sflag:s0], $0x50  }
0x95: {  	[sflag:s0] =	ssyncset.done $0x0  }
0x96: {  	[sflag:s0] =	ssyncadd.s32 $0xFFFFFFB0  }
0x97: {  	[tilespmem:s6], [sflag:$0x5] =	stream.indirect.gather [hbm4b:s4+s30], $0x80, s3, s30, $0xb8;
	[tilespmem:$0x18E80] =	vst v63  }
0x98: {  	s5 =	sadd.s32 s8, s20  }
0x99: {  	[tilespmem:s10], [sflag:$0x3] =	stream.linear.gather [hbm4b:s5+s3], $0x50, $0x38;
	[tilespmem:$0x18E80] =	vst v63  }
0x9a: {  	s31 =	sadd.s32 s8, s21  }
0x9b: {  	[tilespmem:s11], [sflag:$0x3] =	stream.linear.gather [hbm4b:s31+s3], $0x50, $0x38;
	[tilespmem:$0x18E80] =	vst v63  }
0x9c: {  	_ =	swait.ge [sflag:s17], $0x2800  }
0x9d: {  	[sflag:s17] =	ssyncset.done $0x0  }
0x9e: {  	[sflag:s17] =	ssyncadd.s32 $0xFFFFD800  }
0x9f: {  	[spmem:s2] =	stream.indirect.scatter.add.f32 [tilespmem:s7], [sflag:$0x8], $0x80, s13, s30, $0xb8;
	[tilespmem:$0x18E80] =	vst v63  }
0xa0: {  	_ =	swait.ge [sflag:s24], $0x2800  }
0xa1: {  	[sflag:s24] =	ssyncset.done $0x0  }
0xa2: {  	[sflag:s24] =	ssyncadd.s32 $0xFFFFD800  }
0xa3: {  	_ =	swait.ge [sflag:s1], $0x50  }
0xa4: {  	[sflag:s1] =	ssyncset.done $0x0  }
0xa5: {  	[sflag:s1] =	ssyncadd.s32 $0xFFFFFFB0  }
0xa6: {  	_ =	swait.ge [sflag:s1], $0x50  }
0xa7: {  	[sflag:s1] =	ssyncset.done $0x0  }
0xa8: {  	[sflag:s1] =	ssyncadd.s32 $0xFFFFFFB0  }
0xa9: {  	[tilespmem:s7], [sflag:$0x6] =	stream.indirect.gather [hbm4b:s4+s30], $0x80, s30, s30, $0xb8;
	[tilespmem:$0x18E80] =	vst v63  }
.Ltmp3:
0xaa: {  	s9 =	rddreg [dreg:$0xf];
	(pc) =	sbr.rel .LBB2_2-.Ltmp3, $4  }
0xab: {  	s5 =	sadd.s32 s8, s9  }
0xac: {  	[tilespmem:s12], [sflag:$0x4] =	stream.linear.gather [hbm4b:s5+s3], $0x50, $0x38;
	[tilespmem:$0x18E80] =	vst v63  }
0xad: {  	s28 =	sadd.s32 $0x140, s28;
	s31 =	sadd.s32 s8, s19;
	s8 =	sadd.s32 $0x28, s8  }
0xae: {  	[tilespmem:s13], [sflag:$0x4] =	stream.linear.gather [hbm4b:s31+s3], $0x50, $0x38;
	[tilespmem:$0x18E80] =	vst v63  }
.LBB2_5:
0xaf: {  	_ =	sfence.sel $0x180000  }
0xb0: {  	[bflag:$0x0] =	sbarrier.arrive $0xFFFF  }
0xb1: {  	_ =	strace $0x9000004A  }
0xb2: {  	s0 =	stileid.u32;
	[bflag:$0x2] =	sbarrier.arrive $0xFFFF  }
0xb3: {  	p0 =	sne.s32 s0, $0x0;
	s0 =	rddreg [dreg:$0x2]  }
0xb4: {  	s0 =	sadd.s32 @!p0 $0x100000, s0  }
0xb5: {  	[sflag:s0] =	ssyncadd.tile.s32 @!p0 $0x1;
	_ =	shalt  }
.Lfunc_end2:
_tile_overlayer_lowered:
.L_overlay_start_2:
0xb6: {  	(tag) =	ssettag $0x2  }
0xb7: {  	s0 =	rddreg [dreg:$0x0];
	s2 =	stileid.u32  }
0xb8: {  	s1 =	rddreg [dreg:$0x1];
	p0 =	sne.s32 s2, $0x0  }
0xb9: {  	s3 =	rddreg [dreg:$0x2];
	[bflag:$0x3] =	sbarrier.arrive $0xFFFF;
	s2 =	simm.s32 @!p0 $0x1C09  }
0xba: {  	[timem:s3], [sflag:s2] =	dma.local @!p0 [hbm:s0], s1  }
0xbb: {  	s0 =	simm.s32 @!p0 $0x9  }
0xbc: {  	_ =	swait.ge @!p0 [sflag:s0], s1  }
0xbd: {  	s1 =	ssub.s32 @!p0 $0x0, s1;
	[sflag:s0] =	ssyncset.done @!p0 $0x0  }
0xbe: {  	[sflag:s0] =	ssyncadd.s32 @!p0 s1  }
0xbf: {  	[bflag:$0x3] =	sbarrier.arrive $0xFFFF  }
0xc0: {  	_ =	shalt  }

</sc_bundles>
